<compile_context>
chip_gen: v7x
topology: tpu7x:2x2x1
jax: 0.10.2.dev20260603
libtpu: 0.0.44.dev20260713+nightly
codegen_flags: <defaults>
</compile_context>

<pallas_src>
import functools

import jax
import jax.numpy as jnp
from jax import lax
from jax.experimental import pallas as pl
from jax.experimental.pallas import tpu as pltpu
from jax.experimental.pallas import tpu_sc as plsc

_NUM_BITS = 16
_SCALE = 0.01
_QMAX = 2 ** _NUM_BITS - 1
_ZP = 1 << (_NUM_BITS - 1)

_LANES = 16
_NW = 32
_ROWS = 8
_NBUF = 3

_RND = 12582912.0
_RND_BITS = 0x4B400000


def _sc_body(x_hbm, t01_hbm, out_hbm, t01_v, b0, b1, b2,
             si0, si1, si2, so0, so1, so2):
    rows, cols = x_hbm.shape
    rows_w = rows // _NW
    n_chunks = rows_w // _ROWS

    wid = lax.axis_index("s") * 2 + lax.axis_index("c")
    base = wid * rows_w

    pltpu.sync_copy(t01_hbm, t01_v)

    bufs, sis, sos = (b0, b1, b2), (si0, si1, si2), (so0, so1, so2)

    def in_copy(c, b):
        return pltpu.make_async_copy(
            x_hbm.at[pl.ds(base + c * _ROWS, _ROWS), :], bufs[b], sis[b])

    def out_copy(c, b):
        return pltpu.make_async_copy(
            bufs[b], out_hbm.at[pl.ds(base + c * _ROWS, _ROWS), :], sos[b])

    def compute(b):
        buf = bufs[b]
        if True:
            @plsc.parallel_loop(0, cols, _LANES, unroll=1)
            def _(i):
              for r in range(_ROWS):
                xv = buf[r, pl.ds(i, _LANES)]
                v = xv * jnp.float32(1.0 / _SCALE) + jnp.float32(_RND + _ZP)
                q = plsc.bitcast(v, jnp.int32) - _RND_BITS
                q = jnp.minimum(jnp.maximum(q, 0), _QMAX)
                buf[r, pl.ds(i, _LANES)] = plsc.load_gather(t01_v, [q])

    in_copy(0, 0).start()
    in_copy(1, 1).start()

    def step(c, b):
        in_copy(c, b).wait()
        compute(b)
        out_copy(c, b).start()

        prev = (b + _NBUF - 1) % _NBUF

        @pl.when(c >= 1)
        def _():
            out_copy(c - 1, prev).wait()

        @pl.when(c + 2 < n_chunks)
        def _():
            in_copy(c + 2, prev).start()

    def body(g, carry):
        c0 = g * _NBUF
        for b in range(_NBUF):
            step(c0 + b, b)
        return carry

    n_main = n_chunks // _NBUF * _NBUF
    lax.fori_loop(0, n_chunks // _NBUF, body, 0)
    for cc in range(n_main, n_chunks):
        step(cc, cc % _NBUF)

    out_copy(n_chunks - 1, (n_chunks - 1) % _NBUF).wait()


def kernel(x, t0, t1):
    shape = x.shape
    x2 = x.reshape(-1, shape[-1])
    rows, cols = x2.shape
    assert rows % (_NW * _ROWS) == 0 and cols % _LANES == 0

    t01 = (t1[:, None] + t0[None, :]).reshape(-1)

    mesh = plsc.VectorSubcoreMesh(core_axis_name="c", subcore_axis_name="s")
    f = functools.partial(
        pl.kernel,
        out_type=jax.ShapeDtypeStruct((rows, cols), jnp.float32),
        mesh=mesh,
        compiler_params=pltpu.CompilerParams(
            needs_layout_passes=False, use_tc_tiling_on_sc=True),
        scratch_types=[
            pltpu.VMEM((_QMAX + 1,), jnp.float32),
            pltpu.VMEM((_ROWS, cols), jnp.float32),
            pltpu.VMEM((_ROWS, cols), jnp.float32),
            pltpu.VMEM((_ROWS, cols), jnp.float32),
            pltpu.SemaphoreType.DMA,
            pltpu.SemaphoreType.DMA,
            pltpu.SemaphoreType.DMA,
            pltpu.SemaphoreType.DMA,
            pltpu.SemaphoreType.DMA,
            pltpu.SemaphoreType.DMA,
        ],
    )(_sc_body)
    out = f(x2, t01)
    return out.reshape(shape)

# --- scband reference (transcript-rebuilt; emitter-appended) ---
"""Pipeline reference for scband-structured-lookup-activation-59914793779759 (READ-ONLY COPY).

The authoritative reference and input builder live on the scoring server;
editing this copy changes nothing except your own understanding.
"""

import jax, jax.numpy as jnp
import numpy as np

NUM_BITS = 16
C = 2
SCALE = 0.01
BITS_PER_CHUNK = NUM_BITS // C  # 8
CHUNK = 2 ** BITS_PER_CHUNK      # 256
ZP = 1 << (NUM_BITS - 1)         # 32768
MASK = CHUNK - 1


def _init_tables():
    tables = []
    for i in range(C):
        indices = jnp.arange(CHUNK, dtype=jnp.float32)
        if i == C - 1:
            stride = float(CHUNK ** i)
            x_idx = indices * stride + stride / 2.0
            x_approx = (x_idx - ZP) * SCALE
            init_values = jnp.clip(jax.nn.gelu(x_approx, approximate=False), 0.0, None)
        else:
            init_values = jnp.zeros((CHUNK,), dtype=jnp.float32)
        tables.append(init_values)
    return tables


def setup_inputs(seed: int = 0) -> dict:
    key = jax.random.key(seed)
    x = jax.random.normal(key, (2, 8192, 2048), dtype=jnp.float32)
    t0, t1 = _init_tables()
    return {"x": x, "t0": t0, "t1": t1}


def reference(x, t0, t1):
    # quantize input (no-grad path in torch)
    x_int = jnp.clip(jnp.round(x / SCALE) + ZP, 0, 2 ** NUM_BITS - 1).astype(jnp.int32)
    # additive sub-table lookups (gathers)
    out = jnp.take(t0, x_int & MASK, axis=0)
    out = out + jnp.take(t1, (x_int >> BITS_PER_CHUNK) & MASK, axis=0)
    return out

if __name__ == "__main__":
    import jax
    _d = setup_inputs()
    print(jax.jit(kernel)(*tuple(_d.values())))

</pallas_src>

<mosaic_0001>
#map = affine_map<(d0, d1) -> (0, 0)>
#map1 = affine_map<(d0, d1) -> (0)>
module attributes {stable_mosaic.version = 14 : i64} {
  func.func @_sc_body(%arg0: i32, %arg1: i32, %arg2: memref<16384x2048xf32, #tpu.memory_space<hbm>>, %arg3: memref<65536xf32, #tpu.memory_space<hbm>>, %arg4: memref<16384x2048xf32, #tpu.memory_space<hbm>>, %arg5: memref<65536xf32, #tpu.memory_space<vmem>>, %arg6: memref<8x2048xf32, #tpu.memory_space<vmem>>, %arg7: memref<8x2048xf32, #tpu.memory_space<vmem>>, %arg8: memref<8x2048xf32, #tpu.memory_space<vmem>>, %arg9: memref<!tpu.dma_semaphore, #tpu.memory_space<semaphore_mem>>, %arg10: memref<!tpu.dma_semaphore, #tpu.memory_space<semaphore_mem>>, %arg11: memref<!tpu.dma_semaphore, #tpu.memory_space<semaphore_mem>>, %arg12: memref<!tpu.dma_semaphore, #tpu.memory_space<semaphore_mem>>, %arg13: memref<!tpu.dma_semaphore, #tpu.memory_space<semaphore_mem>>, %arg14: memref<!tpu.dma_semaphore, #tpu.memory_space<semaphore_mem>>) attributes {dimension_semantics = [#tpu.dimension_semantics<core_parallel>, #tpu.dimension_semantics<subcore_parallel>], iteration_bounds = array<i64: 2, 16>, scalar_prefetch = 0 : i64, scratch_operands = 10 : i64, tpu.core_type = #tpu.core_type<sc_vector_subcore>, window_params = [{transform_indices = #map}, {transform_indices = #map1}, {transform_indices = #map}]} {
    %mul3A = arith.constant 2 : i32
    %mul3A_0 = arith.muli %arg1, %mul3A : i32
    %add3A = arith.addi %mul3A_0, %arg0 : i32
    %mul3A_1 = arith.constant 512 : i32
    %mul3A_2 = arith.muli %add3A, %mul3A_1 : i32
    "tpu.region"() ({
      %run_scoped3A = tpu.sem_alloc : memref<!tpu.dma_semaphore, #tpu.memory_space<semaphore_mem>>
      tpu.enqueue_dma source(%arg3 : memref<65536xf32, #tpu.memory_space<hbm>>) target(%arg5 : memref<65536xf32, #tpu.memory_space<vmem>>) target_semaphore(%run_scoped3A : memref<!tpu.dma_semaphore, #tpu.memory_space<semaphore_mem>>)
      tpu.wait_dma2 semaphore(%run_scoped3A : memref<!tpu.dma_semaphore, #tpu.memory_space<semaphore_mem>>) src(%arg3 : memref<65536xf32, #tpu.memory_space<hbm>>) dst(%arg5 : memref<65536xf32, #tpu.memory_space<vmem>>)
      tpu.yield
    }) : () -> ()
    %add3A_3 = arith.constant 0 : i32
    %add3A_4 = arith.addi %mul3A_2, %add3A_3 : i32
    %dma_start3A = arith.constant 0 : i32
    %dma_start3A_5 = tpu.memref_slice %arg2[%add3A_4, %dma_start3A] : memref<16384x2048xf32, #tpu.memory_space<hbm>> -> memref<8x2048xf32, #tpu.memory_space<hbm>>
    %dma_start3A_6 = arith.constant 0 : i32
    %dma_start3A_7 = tpu.memref_slice %arg2[%add3A_4, %dma_start3A_6] : memref<16384x2048xf32, #tpu.memory_space<hbm>> -> memref<8x2048xf32, #tpu.memory_space<hbm>>
    tpu.enqueue_dma source(%dma_start3A_7 : memref<8x2048xf32, #tpu.memory_space<hbm>>) target(%arg6 : memref<8x2048xf32, #tpu.memory_space<vmem>>) target_semaphore(%arg9 : memref<!tpu.dma_semaphore, #tpu.memory_space<semaphore_mem>>)
    %add3A_8 = arith.constant 8 : i32
    %add3A_9 = arith.addi %mul3A_2, %add3A_8 : i32
    %dma_start3A_10 = arith.constant 0 : i32
    %dma_start3A_11 = tpu.memref_slice %arg2[%add3A_9, %dma_start3A_10] : memref<16384x2048xf32, #tpu.memory_space<hbm>> -> memref<8x2048xf32, #tpu.memory_space<hbm>>
    %dma_start3A_12 = arith.constant 0 : i32
    %dma_start3A_13 = tpu.memref_slice %arg2[%add3A_9, %dma_start3A_12] : memref<16384x2048xf32, #tpu.memory_space<hbm>> -> memref<8x2048xf32, #tpu.memory_space<hbm>>
    tpu.enqueue_dma source(%dma_start3A_13 : memref<8x2048xf32, #tpu.memory_space<hbm>>) target(%arg7 : memref<8x2048xf32, #tpu.memory_space<vmem>>) target_semaphore(%arg10 : memref<!tpu.dma_semaphore, #tpu.memory_space<semaphore_mem>>)
    %scan3A = arith.constant 0 : i32
    %scan3A_14 = arith.constant 0 : i32
    %scan3A_15 = arith.constant 21 : i32
    %scan3A_16 = arith.addi %scan3A_14, %scan3A_15 : i32
    %scan3A_17 = arith.constant 1 : i32
    scf.for %scan3A_44 = %scan3A_14 to %scan3A_16 step %scan3A_17  : i32 {
      %mul3A_45 = arith.constant 3 : i32
      %mul3A_46 = arith.muli %scan3A_44, %mul3A_45 : i32
      %add3A_47 = arith.constant 0 : i32
      %add3A_48 = arith.addi %mul3A_46, %add3A_47 : i32
      %mul3A_49 = arith.constant 8 : i32
      %mul3A_50 = arith.muli %add3A_48, %mul3A_49 : i32
      %add3A_51 = arith.addi %mul3A_2, %mul3A_50 : i32
      %dma_wait3A_52 = arith.constant 0 : i32
      %dma_wait3A_53 = tpu.memref_slice %arg2[%add3A_51, %dma_wait3A_52] : memref<16384x2048xf32, #tpu.memory_space<hbm>> -> memref<8x2048xf32, #tpu.memory_space<hbm>>
      %dma_wait3A_54 = arith.constant 0 : i32
      %dma_wait3A_55 = tpu.memref_slice %arg2[%add3A_51, %dma_wait3A_54] : memref<16384x2048xf32, #tpu.memory_space<hbm>> -> memref<8x2048xf32, #tpu.memory_space<hbm>>
      tpu.wait_dma2 semaphore(%arg9 : memref<!tpu.dma_semaphore, #tpu.memory_space<semaphore_mem>>) src(%dma_wait3A_55 : memref<8x2048xf32, #tpu.memory_space<hbm>>) dst(%arg6 : memref<8x2048xf32, #tpu.memory_space<vmem>>)
      %parallel_loop3A_56 = arith.constant 0 : i32
      %parallel_loop3A_57 = arith.constant 2048 : i32
      %parallel_loop3A_58 = arith.constant 16 : i32
      scf.for %parallel_loop3A_136 = %parallel_loop3A_56 to %parallel_loop3A_57 step %parallel_loop3A_58  : i32 {
        %parallel_loop3A_137 = arith.constant 0 : i32
        %parallel_loop3A_138 = arith.index_cast %parallel_loop3A_137 : i32 to index
        %parallel_loop3A_139 = arith.index_cast %parallel_loop3A_136 : i32 to index
        %parallel_loop3A_140 = tpu.vector_load %arg6[%parallel_loop3A_138, %parallel_loop3A_139] {strides = array<i32>} : memref<8x2048xf32, #tpu.memory_space<vmem>>, vector<16xf32>,
        %parallel_loop3A_141 = arith.constant 1.000000e+02 : f32
        %parallel_loop3A_142 = vector.broadcast %parallel_loop3A_141 : f32 to vector<16xf32>
        %parallel_loop3A_143 = arith.mulf %parallel_loop3A_140, %parallel_loop3A_142 : vector<16xf32>
        %parallel_loop3A_144 = arith.constant 0x4B408000 : f32
        %parallel_loop3A_145 = vector.broadcast %parallel_loop3A_144 : f32 to vector<16xf32>
        %parallel_loop3A_146 = arith.addf %parallel_loop3A_143, %parallel_loop3A_145 : vector<16xf32>
        %parallel_loop3A_147 = vector.bitcast %parallel_loop3A_146 : vector<16xf32> to vector<16xi32>
        %parallel_loop3A_148 = arith.constant 1262485504 : i32
        %parallel_loop3A_149 = vector.broadcast %parallel_loop3A_148 : i32 to vector<16xi32>
        %parallel_loop3A_150 = arith.subi %parallel_loop3A_147, %parallel_loop3A_149 : vector<16xi32>
        %parallel_loop3A_151 = arith.constant 0 : i32
        %parallel_loop3A_152 = vector.broadcast %parallel_loop3A_151 : i32 to vector<16xi32>
        %parallel_loop3A_153 = arith.maxsi %parallel_loop3A_150, %parallel_loop3A_152 : vector<16xi32>
        %parallel_loop3A_154 = arith.constant 65535 : i32
        %parallel_loop3A_155 = vector.broadcast %parallel_loop3A_154 : i32 to vector<16xi32>
        %parallel_loop3A_156 = arith.minsi %parallel_loop3A_153, %parallel_loop3A_155 : vector<16xi32>
        %parallel_loop3A_157 = tpu.vector_load_idx %arg5[%parallel_loop3A_156] : memref<65536xf32, #tpu.memory_space<vmem>>[vector<16xi32>], vector<16xf32>,
        %parallel_loop3A_158 = arith.constant 0 : i32
        %parallel_loop3A_159 = arith.index_cast %parallel_loop3A_158 : i32 to index
        %parallel_loop3A_160 = arith.index_cast %parallel_loop3A_136 : i32 to index
        %parallel_loop3A_161 = tpu.vector_load %arg6[%parallel_loop3A_159, %parallel_loop3A_160] {strides = array<i32>} : memref<8x2048xf32, #tpu.memory_space<vmem>>, vector<16xf32>,
        tpu.vector_store %arg6[%parallel_loop3A_159, %parallel_loop3A_160], %parallel_loop3A_157 {strides = array<i32>} : memref<8x2048xf32, #tpu.memory_space<vmem>>, vector<16xf32>,
        %parallel_loop3A_162 = arith.constant 1 : i32
        %parallel_loop3A_163 = arith.index_cast %parallel_loop3A_162 : i32 to index
        %parallel_loop3A_164 = arith.index_cast %parallel_loop3A_136 : i32 to index
        %parallel_loop3A_165 = tpu.vector_load %arg6[%parallel_loop3A_163, %parallel_loop3A_164] {strides = array<i32>} : memref<8x2048xf32, #tpu.memory_space<vmem>>, vector<16xf32>,
        %parallel_loop3A_166 = arith.constant 1.000000e+02 : f32
        %parallel_loop3A_167 = vector.broadcast %parallel_loop3A_166 : f32 to vector<16xf32>
        %parallel_loop3A_168 = arith.mulf %parallel_loop3A_165, %parallel_loop3A_167 : vector<16xf32>
        %parallel_loop3A_169 = arith.constant 0x4B408000 : f32
        %parallel_loop3A_170 = vector.broadcast %parallel_loop3A_169 : f32 to vector<16xf32>
        %parallel_loop3A_171 = arith.addf %parallel_loop3A_168, %parallel_loop3A_170 : vector<16xf32>
        %parallel_loop3A_172 = vector.bitcast %parallel_loop3A_171 : vector<16xf32> to vector<16xi32>
        %parallel_loop3A_173 = arith.constant 1262485504 : i32
        %parallel_loop3A_174 = vector.broadcast %parallel_loop3A_173 : i32 to vector<16xi32>
        %parallel_loop3A_175 = arith.subi %parallel_loop3A_172, %parallel_loop3A_174 : vector<16xi32>
        %parallel_loop3A_176 = arith.constant 0 : i32
        %parallel_loop3A_177 = vector.broadcast %parallel_loop3A_176 : i32 to vector<16xi32>
        %parallel_loop3A_178 = arith.maxsi %parallel_loop3A_175, %parallel_loop3A_177 : vector<16xi32>
        %parallel_loop3A_179 = arith.constant 65535 : i32
        %parallel_loop3A_180 = vector.broadcast %parallel_loop3A_179 : i32 to vector<16xi32>
        %parallel_loop3A_181 = arith.minsi %parallel_loop3A_178, %parallel_loop3A_180 : vector<16xi32>
        %parallel_loop3A_182 = tpu.vector_load_idx %arg5[%parallel_loop3A_181] : memref<65536xf32, #tpu.memory_space<vmem>>[vector<16xi32>], vector<16xf32>,
        %parallel_loop3A_183 = arith.constant 1 : i32
        %parallel_loop3A_184 = arith.index_cast %parallel_loop3A_183 : i32 to index
        %parallel_loop3A_185 = arith.index_cast %parallel_loop3A_136 : i32 to index
        %parallel_loop3A_186 = tpu.vector_load %arg6[%parallel_loop3A_184, %parallel_loop3A_185] {strides = array<i32>} : memref<8x2048xf32, #tpu.memory_space<vmem>>, vector<16xf32>,
        tpu.vector_store %arg6[%parallel_loop3A_184, %parallel_loop3A_185], %parallel_loop3A_182 {strides = array<i32>} : memref<8x2048xf32, #tpu.memory_space<vmem>>, vector<16xf32>,
        %parallel_loop3A_187 = arith.constant 2 : i32
        %parallel_loop3A_188 = arith.index_cast %parallel_loop3A_187 : i32 to index
        %parallel_loop3A_189 = arith.index_cast %parallel_loop3A_136 : i32 to index
        %parallel_loop3A_190 = tpu.vector_load %arg6[%parallel_loop3A_188, %parallel_loop3A_189] {strides = array<i32>} : memref<8x2048xf32, #tpu.memory_space<vmem>>, vector<16xf32>,
        %parallel_loop3A_191 = arith.constant 1.000000e+02 : f32
        %parallel_loop3A_192 = vector.broadcast %parallel_loop3A_191 : f32 to vector<16xf32>
        %parallel_loop3A_193 = arith.mulf %parallel_loop3A_190, %parallel_loop3A_192 : vector<16xf32>
        %parallel_loop3A_194 = arith.constant 0x4B408000 : f32
        %parallel_loop3A_195 = vector.broadcast %parallel_loop3A_194 : f32 to vector<16xf32>
        %parallel_loop3A_196 = arith.addf %parallel_loop3A_193, %parallel_loop3A_195 : vector<16xf32>
        %parallel_loop3A_197 = vector.bitcast %parallel_loop3A_196 : vector<16xf32> to vector<16xi32>
        %parallel_loop3A_198 = arith.constant 1262485504 : i32
        %parallel_loop3A_199 = vector.broadcast %parallel_loop3A_198 : i32 to vector<16xi32>
        %parallel_loop3A_200 = arith.subi %parallel_loop3A_197, %parallel_loop3A_199 : vector<16xi32>
        %parallel_loop3A_201 = arith.constant 0 : i32
        %parallel_loop3A_202 = vector.broadcast %parallel_loop3A_201 : i32 to vector<16xi32>
        %parallel_loop3A_203 = arith.maxsi %parallel_loop3A_200, %parallel_loop3A_202 : vector<16xi32>
        %parallel_loop3A_204 = arith.constant 65535 : i32
        %parallel_loop3A_205 = vector.broadcast %parallel_loop3A_204 : i32 to vector<16xi32>
        %parallel_loop3A_206 = arith.minsi %parallel_loop3A_203, %parallel_loop3A_205 : vector<16xi32>
        %parallel_loop3A_207 = tpu.vector_load_idx %arg5[%parallel_loop3A_206] : memref<65536xf32, #tpu.memory_space<vmem>>[vector<16xi32>], vector<16xf32>,
        %parallel_loop3A_208 = arith.constant 2 : i32
        %parallel_loop3A_209 = arith.index_cast %parallel_loop3A_208 : i32 to index
        %parallel_loop3A_210 = arith.index_cast %parallel_loop3A_136 : i32 to index
        %parallel_loop3A_211 = tpu.vector_load %arg6[%parallel_loop3A_209, %parallel_loop3A_210] {strides = array<i32>} : memref<8x2048xf32, #tpu.memory_space<vmem>>, vector<16xf32>,
        tpu.vector_store %arg6[%parallel_loop3A_209, %parallel_loop3A_210], %parallel_loop3A_207 {strides = array<i32>} : memref<8x2048xf32, #tpu.memory_space<vmem>>, vector<16xf32>,
        %parallel_loop3A_212 = arith.constant 3 : i32
        %parallel_loop3A_213 = arith.index_cast %parallel_loop3A_212 : i32 to index
        %parallel_loop3A_214 = arith.index_cast %parallel_loop3A_136 : i32 to index
        %parallel_loop3A_215 = tpu.vector_load %arg6[%parallel_loop3A_213, %parallel_loop3A_214] {strides = array<i32>} : memref<8x2048xf32, #tpu.memory_space<vmem>>, vector<16xf32>,
        %parallel_loop3A_216 = arith.constant 1.000000e+02 : f32
        %parallel_loop3A_217 = vector.broadcast %parallel_loop3A_216 : f32 to vector<16xf32>
        %parallel_loop3A_218 = arith.mulf %parallel_loop3A_215, %parallel_loop3A_217 : vector<16xf32>
        %parallel_loop3A_219 = arith.constant 0x4B408000 : f32
        %parallel_loop3A_220 = vector.broadcast %parallel_loop3A_219 : f32 to vector<16xf32>
        %parallel_loop3A_221 = arith.addf %parallel_loop3A_218, %parallel_loop3A_220 : vector<16xf32>
        %parallel_loop3A_222 = vector.bitcast %parallel_loop3A_221 : vector<16xf32> to vector<16xi32>
        %parallel_loop3A_223 = arith.constant 1262485504 : i32
        %parallel_loop3A_224 = vector.broadcast %parallel_loop3A_223 : i32 to vector<16xi32>
        %parallel_loop3A_225 = arith.subi %parallel_loop3A_222, %parallel_loop3A_224 : vector<16xi32>
        %parallel_loop3A_226 = arith.constant 0 : i32
        %parallel_loop3A_227 = vector.broadcast %parallel_loop3A_226 : i32 to vector<16xi32>
        %parallel_loop3A_228 = arith.maxsi %parallel_loop3A_225, %parallel_loop3A_227 : vector<16xi32>
        %parallel_loop3A_229 = arith.constant 65535 : i32
        %parallel_loop3A_230 = vector.broadcast %parallel_loop3A_229 : i32 to vector<16xi32>
        %parallel_loop3A_231 = arith.minsi %parallel_loop3A_228, %parallel_loop3A_230 : vector<16xi32>
        %parallel_loop3A_232 = tpu.vector_load_idx %arg5[%parallel_loop3A_231] : memref<65536xf32, #tpu.memory_space<vmem>>[vector<16xi32>], vector<16xf32>,
        %parallel_loop3A_233 = arith.constant 3 : i32
        %parallel_loop3A_234 = arith.index_cast %parallel_loop3A_233 : i32 to index
        %parallel_loop3A_235 = arith.index_cast %parallel_loop3A_136 : i32 to index
        %parallel_loop3A_236 = tpu.vector_load %arg6[%parallel_loop3A_234, %parallel_loop3A_235] {strides = array<i32>} : memref<8x2048xf32, #tpu.memory_space<vmem>>, vector<16xf32>,
        tpu.vector_store %arg6[%parallel_loop3A_234, %parallel_loop3A_235], %parallel_loop3A_232 {strides = array<i32>} : memref<8x2048xf32, #tpu.memory_space<vmem>>, vector<16xf32>,
        %parallel_loop3A_237 = arith.constant 4 : i32
        %parallel_loop3A_238 = arith.index_cast %parallel_loop3A_237 : i32 to index
        %parallel_loop3A_239 = arith.index_cast %parallel_loop3A_136 : i32 to index
        %parallel_loop3A_240 = tpu.vector_load %arg6[%parallel_loop3A_238, %parallel_loop3A_239] {strides = array<i32>} : memref<8x2048xf32, #tpu.memory_space<vmem>>, vector<16xf32>,
        %parallel_loop3A_241 = arith.constant 1.000000e+02 : f32
        %parallel_loop3A_242 = vector.broadcast %parallel_loop3A_241 : f32 to vector<16xf32>
        %parallel_loop3A_243 = arith.mulf %parallel_loop3A_240, %parallel_loop3A_242 : vector<16xf32>
        %parallel_loop3A_244 = arith.constant 0x4B408000 : f32
        %parallel_loop3A_245 = vector.broadcast %parallel_loop3A_244 : f32 to vector<16xf32>
        %parallel_loop3A_246 = arith.addf %parallel_loop3A_243, %parallel_loop3A_245 : vector<16xf32>
        %parallel_loop3A_247 = vector.bitcast %parallel_loop3A_246 : vector<16xf32> to vector<16xi32>
        %parallel_loop3A_248 = arith.constant 1262485504 : i32
        %parallel_loop3A_249 = vector.broadcast %parallel_loop3A_248 : i32 to vector<16xi32>
        %parallel_loop3A_250 = arith.subi %parallel_loop3A_247, %parallel_loop3A_249 : vector<16xi32>
        %parallel_loop3A_251 = arith.constant 0 : i32
        %parallel_loop3A_252 = vector.broadcast %parallel_loop3A_251 : i32 to vector<16xi32>
        %parallel_loop3A_253 = arith.maxsi %parallel_loop3A_250, %parallel_loop3A_252 : vector<16xi32>
        %parallel_loop3A_254 = arith.constant 65535 : i32
        %parallel_loop3A_255 = vector.broadcast %parallel_loop3A_254 : i32 to vector<16xi32>
        %parallel_loop3A_256 = arith.minsi %parallel_loop3A_253, %parallel_loop3A_255 : vector<16xi32>
        %parallel_loop3A_257 = tpu.vector_load_idx %arg5[%parallel_loop3A_256] : memref<65536xf32, #tpu.memory_space<vmem>>[vector<16xi32>], vector<16xf32>,
        %parallel_loop3A_258 = arith.constant 4 : i32
        %parallel_loop3A_259 = arith.index_cast %parallel_loop3A_258 : i32 to index
        %parallel_loop3A_260 = arith.index_cast %parallel_loop3A_136 : i32 to index
        %parallel_loop3A_261 = tpu.vector_load %arg6[%parallel_loop3A_259, %parallel_loop3A_260] {strides = array<i32>} : memref<8x2048xf32, #tpu.memory_space<vmem>>, vector<16xf32>,
        tpu.vector_store %arg6[%parallel_loop3A_259, %parallel_loop3A_260], %parallel_loop3A_257 {strides = array<i32>} : memref<8x2048xf32, #tpu.memory_space<vmem>>, vector<16xf32>,
        %parallel_loop3A_262 = arith.constant 5 : i32
        %parallel_loop3A_263 = arith.index_cast %parallel_loop3A_262 : i32 to index
        %parallel_loop3A_264 = arith.index_cast %parallel_loop3A_136 : i32 to index
        %parallel_loop3A_265 = tpu.vector_load %arg6[%parallel_loop3A_263, %parallel_loop3A_264] {strides = array<i32>} : memref<8x2048xf32, #tpu.memory_space<vmem>>, vector<16xf32>,
        %parallel_loop3A_266 = arith.constant 1.000000e+02 : f32
        %parallel_loop3A_267 = vector.broadcast %parallel_loop3A_266 : f32 to vector<16xf32>
        %parallel_loop3A_268 = arith.mulf %parallel_loop3A_265, %parallel_loop3A_267 : vector<16xf32>
        %parallel_loop3A_269 = arith.constant 0x4B408000 : f32
        %parallel_loop3A_270 = vector.broadcast %parallel_loop3A_269 : f32 to vector<16xf32>
        %parallel_loop3A_271 = arith.addf %parallel_loop3A_268, %parallel_loop3A_270 : vector<16xf32>
        %parallel_loop3A_272 = vector.bitcast %parallel_loop3A_271 : vector<16xf32> to vector<16xi32>
        %parallel_loop3A_273 = arith.constant 1262485504 : i32
        %parallel_loop3A_274 = vector.broadcast %parallel_loop3A_273 : i32 to vector<16xi32>
        %parallel_loop3A_275 = arith.subi %parallel_loop3A_272, %parallel_loop3A_274 : vector<16xi32>
        %parallel_loop3A_276 = arith.constant 0 : i32
        %parallel_loop3A_277 = vector.broadcast %parallel_loop3A_276 : i32 to vector<16xi32>
        %parallel_loop3A_278 = arith.maxsi %parallel_loop3A_275, %parallel_loop3A_277 : vector<16xi32>
        %parallel_loop3A_279 = arith.constant 65535 : i32
        %parallel_loop3A_280 = vector.broadcast %parallel_loop3A_279 : i32 to vector<16xi32>
        %parallel_loop3A_281 = arith.minsi %parallel_loop3A_278, %parallel_loop3A_280 : vector<16xi32>
        %parallel_loop3A_282 = tpu.vector_load_idx %arg5[%parallel_loop3A_281] : memref<65536xf32, #tpu.memory_space<vmem>>[vector<16xi32>], vector<16xf32>,
        %parallel_loop3A_283 = arith.constant 5 : i32
        %parallel_loop3A_284 = arith.index_cast %parallel_loop3A_283 : i32 to index
        %parallel_loop3A_285 = arith.index_cast %parallel_loop3A_136 : i32 to index
        %parallel_loop3A_286 = tpu.vector_load %arg6[%parallel_loop3A_284, %parallel_loop3A_285] {strides = array<i32>} : memref<8x2048xf32, #tpu.memory_space<vmem>>, vector<16xf32>,
        tpu.vector_store %arg6[%parallel_loop3A_284, %parallel_loop3A_285], %parallel_loop3A_282 {strides = array<i32>} : memref<8x2048xf32, #tpu.memory_space<vmem>>, vector<16xf32>,
        %parallel_loop3A_287 = arith.constant 6 : i32
        %parallel_loop3A_288 = arith.index_cast %parallel_loop3A_287 : i32 to index
        %parallel_loop3A_289 = arith.index_cast %parallel_loop3A_136 : i32 to index
        %parallel_loop3A_290 = tpu.vector_load %arg6[%parallel_loop3A_288, %parallel_loop3A_289] {strides = array<i32>} : memref<8x2048xf32, #tpu.memory_space<vmem>>, vector<16xf32>,
        %parallel_loop3A_291 = arith.constant 1.000000e+02 : f32
        %parallel_loop3A_292 = vector.broadcast %parallel_loop3A_291 : f32 to vector<16xf32>
        %parallel_loop3A_293 = arith.mulf %parallel_loop3A_290, %parallel_loop3A_292 : vector<16xf32>
        %parallel_loop3A_294 = arith.constant 0x4B408000 : f32
        %parallel_loop3A_295 = vector.broadcast %parallel_loop3A_294 : f32 to vector<16xf32>
        %parallel_loop3A_296 = arith.addf %parallel_loop3A_293, %parallel_loop3A_295 : vector<16xf32>
        %parallel_loop3A_297 = vector.bitcast %parallel_loop3A_296 : vector<16xf32> to vector<16xi32>
        %parallel_loop3A_298 = arith.constant 1262485504 : i32
        %parallel_loop3A_299 = vector.broadcast %parallel_loop3A_298 : i32 to vector<16xi32>
        %parallel_loop3A_300 = arith.subi %parallel_loop3A_297, %parallel_loop3A_299 : vector<16xi32>
        %parallel_loop3A_301 = arith.constant 0 : i32
        %parallel_loop3A_302 = vector.broadcast %parallel_loop3A_301 : i32 to vector<16xi32>
        %parallel_loop3A_303 = arith.maxsi %parallel_loop3A_300, %parallel_loop3A_302 : vector<16xi32>
        %parallel_loop3A_304 = arith.constant 65535 : i32
        %parallel_loop3A_305 = vector.broadcast %parallel_loop3A_304 : i32 to vector<16xi32>
        %parallel_loop3A_306 = arith.minsi %parallel_loop3A_303, %parallel_loop3A_305 : vector<16xi32>
        %parallel_loop3A_307 = tpu.vector_load_idx %arg5[%parallel_loop3A_306] : memref<65536xf32, #tpu.memory_space<vmem>>[vector<16xi32>], vector<16xf32>,
        %parallel_loop3A_308 = arith.constant 6 : i32
        %parallel_loop3A_309 = arith.index_cast %parallel_loop3A_308 : i32 to index
        %parallel_loop3A_310 = arith.index_cast %parallel_loop3A_136 : i32 to index
        %parallel_loop3A_311 = tpu.vector_load %arg6[%parallel_loop3A_309, %parallel_loop3A_310] {strides = array<i32>} : memref<8x2048xf32, #tpu.memory_space<vmem>>, vector<16xf32>,
        tpu.vector_store %arg6[%parallel_loop3A_309, %parallel_loop3A_310], %parallel_loop3A_307 {strides = array<i32>} : memref<8x2048xf32, #tpu.memory_space<vmem>>, vector<16xf32>,
        %parallel_loop3A_312 = arith.constant 7 : i32
        %parallel_loop3A_313 = arith.index_cast %parallel_loop3A_312 : i32 to index
        %parallel_loop3A_314 = arith.index_cast %parallel_loop3A_136 : i32 to index
        %parallel_loop3A_315 = tpu.vector_load %arg6[%parallel_loop3A_313, %parallel_loop3A_314] {strides = array<i32>} : memref<8x2048xf32, #tpu.memory_space<vmem>>, vector<16xf32>,
        %parallel_loop3A_316 = arith.constant 1.000000e+02 : f32
        %parallel_loop3A_317 = vector.broadcast %parallel_loop3A_316 : f32 to vector<16xf32>
        %parallel_loop3A_318 = arith.mulf %parallel_loop3A_315, %parallel_loop3A_317 : vector<16xf32>
        %parallel_loop3A_319 = arith.constant 0x4B408000 : f32
        %parallel_loop3A_320 = vector.broadcast %parallel_loop3A_319 : f32 to vector<16xf32>
        %parallel_loop3A_321 = arith.addf %parallel_loop3A_318, %parallel_loop3A_320 : vector<16xf32>
        %parallel_loop3A_322 = vector.bitcast %parallel_loop3A_321 : vector<16xf32> to vector<16xi32>
        %parallel_loop3A_323 = arith.constant 1262485504 : i32
        %parallel_loop3A_324 = vector.broadcast %parallel_loop3A_323 : i32 to vector<16xi32>
        %parallel_loop3A_325 = arith.subi %parallel_loop3A_322, %parallel_loop3A_324 : vector<16xi32>
        %parallel_loop3A_326 = arith.constant 0 : i32
        %parallel_loop3A_327 = vector.broadcast %parallel_loop3A_326 : i32 to vector<16xi32>
        %parallel_loop3A_328 = arith.maxsi %parallel_loop3A_325, %parallel_loop3A_327 : vector<16xi32>
        %parallel_loop3A_329 = arith.constant 65535 : i32
        %parallel_loop3A_330 = vector.broadcast %parallel_loop3A_329 : i32 to vector<16xi32>
        %parallel_loop3A_331 = arith.minsi %parallel_loop3A_328, %parallel_loop3A_330 : vector<16xi32>
        %parallel_loop3A_332 = tpu.vector_load_idx %arg5[%parallel_loop3A_331] : memref<65536xf32, #tpu.memory_space<vmem>>[vector<16xi32>], vector<16xf32>,
        %parallel_loop3A_333 = arith.constant 7 : i32
        %parallel_loop3A_334 = arith.index_cast %parallel_loop3A_333 : i32 to index
        %parallel_loop3A_335 = arith.index_cast %parallel_loop3A_136 : i32 to index
        %parallel_loop3A_336 = tpu.vector_load %arg6[%parallel_loop3A_334, %parallel_loop3A_335] {strides = array<i32>} : memref<8x2048xf32, #tpu.memory_space<vmem>>, vector<16xf32>,
        tpu.vector_store %arg6[%parallel_loop3A_334, %parallel_loop3A_335], %parallel_loop3A_332 {strides = array<i32>} : memref<8x2048xf32, #tpu.memory_space<vmem>>, vector<16xf32>,
      } {sc.loop_unroll_factor = 1 : i64, sc.parallel_access}
      %mul3A_59 = arith.constant 8 : i32
      %mul3A_60 = arith.muli %add3A_48, %mul3A_59 : i32
      %add3A_61 = arith.addi %mul3A_2, %mul3A_60 : i32
      %dma_start3A_62 = arith.constant 0 : i32
      %dma_start3A_63 = tpu.memref_slice %arg4[%add3A_61, %dma_start3A_62] : memref<16384x2048xf32, #tpu.memory_space<hbm>> -> memref<8x2048xf32, #tpu.memory_space<hbm>>
      %dma_start3A_64 = arith.constant 0 : i32
      %dma_start3A_65 = tpu.memref_slice %arg4[%add3A_61, %dma_start3A_64] : memref<16384x2048xf32, #tpu.memory_space<hbm>> -> memref<8x2048xf32, #tpu.memory_space<hbm>>
      tpu.enqueue_dma source(%arg6 : memref<8x2048xf32, #tpu.memory_space<vmem>>) target(%dma_start3A_65 : memref<8x2048xf32, #tpu.memory_space<hbm>>) target_semaphore(%arg12 : memref<!tpu.dma_semaphore, #tpu.memory_space<semaphore_mem>>)
      %ge3A = arith.constant 1 : i32
      %ge3A_66 = arith.cmpi sge, %add3A_48, %ge3A : i32
      %convert_element_type3A = arith.extui %ge3A_66 : i1 to i32
      %cond3A = arith.constant 0 : i32
      %cond3A_67 = arith.cmpi ne, %convert_element_type3A, %cond3A : i32
      scf.if %cond3A_67 {
        %sub3A = arith.constant 1 : i32
        %sub3A_136 = arith.subi %add3A_48, %sub3A : i32
        %mul3A_137 = arith.constant 8 : i32
        %mul3A_138 = arith.muli %sub3A_136, %mul3A_137 : i32
        %add3A_139 = arith.addi %mul3A_2, %mul3A_138 : i32
        %dma_wait3A_140 = arith.constant 0 : i32
        %dma_wait3A_141 = tpu.memref_slice %arg4[%add3A_139, %dma_wait3A_140] : memref<16384x2048xf32, #tpu.memory_space<hbm>> -> memref<8x2048xf32, #tpu.memory_space<hbm>>
        %dma_wait3A_142 = arith.constant 0 : i32
        %dma_wait3A_143 = tpu.memref_slice %arg4[%add3A_139, %dma_wait3A_142] : memref<16384x2048xf32, #tpu.memory_space<hbm>> -> memref<8x2048xf32, #tpu.memory_space<hbm>>
        tpu.wait_dma2 semaphore(%arg14 : memref<!tpu.dma_semaphore, #tpu.memory_space<semaphore_mem>>) src(%arg8 : memref<8x2048xf32, #tpu.memory_space<vmem>>) dst(%dma_wait3A_143 : memref<8x2048xf32, #tpu.memory_space<hbm>>)
      } else {
      }
      %add3A_68 = arith.constant 2 : i32
      %add3A_69 = arith.addi %add3A_48, %add3A_68 : i32
      %lt3A = arith.constant 64 : i32
      %lt3A_70 = arith.cmpi slt, %add3A_69, %lt3A : i32
      %convert_element_type3A_71 = arith.extui %lt3A_70 : i1 to i32
      %cond3A_72 = arith.constant 0 : i32
      %cond3A_73 = arith.cmpi ne, %convert_element_type3A_71, %cond3A_72 : i32
      scf.if %cond3A_73 {
        %add3A_136 = arith.constant 2 : i32
        %add3A_137 = arith.addi %add3A_48, %add3A_136 : i32
        %mul3A_138 = arith.constant 8 : i32
        %mul3A_139 = arith.muli %add3A_137, %mul3A_138 : i32
        %add3A_140 = arith.addi %mul3A_2, %mul3A_139 : i32
        %dma_start3A_141 = arith.constant 0 : i32
        %dma_start3A_142 = tpu.memref_slice %arg2[%add3A_140, %dma_start3A_141] : memref<16384x2048xf32, #tpu.memory_space<hbm>> -> memref<8x2048xf32, #tpu.memory_space<hbm>>
        %dma_start3A_143 = arith.constant 0 : i32
        %dma_start3A_144 = tpu.memref_slice %arg2[%add3A_140, %dma_start3A_143] : memref<16384x2048xf32, #tpu.memory_space<hbm>> -> memref<8x2048xf32, #tpu.memory_space<hbm>>
        tpu.enqueue_dma source(%dma_start3A_144 : memref<8x2048xf32, #tpu.memory_space<hbm>>) target(%arg8 : memref<8x2048xf32, #tpu.memory_space<vmem>>) target_semaphore(%arg11 : memref<!tpu.dma_semaphore, #tpu.memory_space<semaphore_mem>>)
      } else {
      }
      %add3A_74 = arith.constant 1 : i32
      %add3A_75 = arith.addi %mul3A_46, %add3A_74 : i32
      %mul3A_76 = arith.constant 8 : i32
      %mul3A_77 = arith.muli %add3A_75, %mul3A_76 : i32
      %add3A_78 = arith.addi %mul3A_2, %mul3A_77 : i32
      %dma_wait3A_79 = arith.constant 0 : i32
      %dma_wait3A_80 = tpu.memref_slice %arg2[%add3A_78, %dma_wait3A_79] : memref<16384x2048xf32, #tpu.memory_space<hbm>> -> memref<8x2048xf32, #tpu.memory_space<hbm>>
      %dma_wait3A_81 = arith.constant 0 : i32
      %dma_wait3A_82 = tpu.memref_slice %arg2[%add3A_78, %dma_wait3A_81] : memref<16384x2048xf32, #tpu.memory_space<hbm>> -> memref<8x2048xf32, #tpu.memory_space<hbm>>
      tpu.wait_dma2 semaphore(%arg10 : memref<!tpu.dma_semaphore, #tpu.memory_space<semaphore_mem>>) src(%dma_wait3A_82 : memref<8x2048xf32, #tpu.memory_space<hbm>>) dst(%arg7 : memref<8x2048xf32, #tpu.memory_space<vmem>>)
      %parallel_loop3A_83 = arith.constant 0 : i32
      %parallel_loop3A_84 = arith.constant 2048 : i32
      %parallel_loop3A_85 = arith.constant 16 : i32
      scf.for %parallel_loop3A_136 = %parallel_loop3A_83 to %parallel_loop3A_84 step %parallel_loop3A_85  : i32 {
        %parallel_loop3A_137 = arith.constant 0 : i32
        %parallel_loop3A_138 = arith.index_cast %parallel_loop3A_137 : i32 to index
        %parallel_loop3A_139 = arith.index_cast %parallel_loop3A_136 : i32 to index
        %parallel_loop3A_140 = tpu.vector_load %arg7[%parallel_loop3A_138, %parallel_loop3A_139] {strides = array<i32>} : memref<8x2048xf32, #tpu.memory_space<vmem>>, vector<16xf32>,
        %parallel_loop3A_141 = arith.constant 1.000000e+02 : f32
        %parallel_loop3A_142 = vector.broadcast %parallel_loop3A_141 : f32 to vector<16xf32>
        %parallel_loop3A_143 = arith.mulf %parallel_loop3A_140, %parallel_loop3A_142 : vector<16xf32>
        %parallel_loop3A_144 = arith.constant 0x4B408000 : f32
        %parallel_loop3A_145 = vector.broadcast %parallel_loop3A_144 : f32 to vector<16xf32>
        %parallel_loop3A_146 = arith.addf %parallel_loop3A_143, %parallel_loop3A_145 : vector<16xf32>
        %parallel_loop3A_147 = vector.bitcast %parallel_loop3A_146 : vector<16xf32> to vector<16xi32>
        %parallel_loop3A_148 = arith.constant 1262485504 : i32
        %parallel_loop3A_149 = vector.broadcast %parallel_loop3A_148 : i32 to vector<16xi32>
        %parallel_loop3A_150 = arith.subi %parallel_loop3A_147, %parallel_loop3A_149 : vector<16xi32>
        %parallel_loop3A_151 = arith.constant 0 : i32
        %parallel_loop3A_152 = vector.broadcast %parallel_loop3A_151 : i32 to vector<16xi32>
        %parallel_loop3A_153 = arith.maxsi %parallel_loop3A_150, %parallel_loop3A_152 : vector<16xi32>
        %parallel_loop3A_154 = arith.constant 65535 : i32
        %parallel_loop3A_155 = vector.broadcast %parallel_loop3A_154 : i32 to vector<16xi32>
        %parallel_loop3A_156 = arith.minsi %parallel_loop3A_153, %parallel_loop3A_155 : vector<16xi32>
        %parallel_loop3A_157 = tpu.vector_load_idx %arg5[%parallel_loop3A_156] : memref<65536xf32, #tpu.memory_space<vmem>>[vector<16xi32>], vector<16xf32>,
        %parallel_loop3A_158 = arith.constant 0 : i32
        %parallel_loop3A_159 = arith.index_cast %parallel_loop3A_158 : i32 to index
        %parallel_loop3A_160 = arith.index_cast %parallel_loop3A_136 : i32 to index
        %parallel_loop3A_161 = tpu.vector_load %arg7[%parallel_loop3A_159, %parallel_loop3A_160] {strides = array<i32>} : memref<8x2048xf32, #tpu.memory_space<vmem>>, vector<16xf32>,
        tpu.vector_store %arg7[%parallel_loop3A_159, %parallel_loop3A_160], %parallel_loop3A_157 {strides = array<i32>} : memref<8x2048xf32, #tpu.memory_space<vmem>>, vector<16xf32>,
        %parallel_loop3A_162 = arith.constant 1 : i32
        %parallel_loop3A_163 = arith.index_cast %parallel_loop3A_162 : i32 to index
        %parallel_loop3A_164 = arith.index_cast %parallel_loop3A_136 : i32 to index
        %parallel_loop3A_165 = tpu.vector_load %arg7[%parallel_loop3A_163, %parallel_loop3A_164] {strides = array<i32>} : memref<8x2048xf32, #tpu.memory_space<vmem>>, vector<16xf32>,
        %parallel_loop3A_166 = arith.constant 1.000000e+02 : f32
        %parallel_loop3A_167 = vector.broadcast %parallel_loop3A_166 : f32 to vector<16xf32>
        %parallel_loop3A_168 = arith.mulf %parallel_loop3A_165, %parallel_loop3A_167 : vector<16xf32>
        %parallel_loop3A_169 = arith.constant 0x4B408000 : f32
        %parallel_loop3A_170 = vector.broadcast %parallel_loop3A_169 : f32 to vector<16xf32>
        %parallel_loop3A_171 = arith.addf %parallel_loop3A_168, %parallel_loop3A_170 : vector<16xf32>
        %parallel_loop3A_172 = vector.bitcast %parallel_loop3A_171 : vector<16xf32> to vector<16xi32>
        %parallel_loop3A_173 = arith.constant 1262485504 : i32
        %parallel_loop3A_174 = vector.broadcast %parallel_loop3A_173 : i32 to vector<16xi32>
        %parallel_loop3A_175 = arith.subi %parallel_loop3A_172, %parallel_loop3A_174 : vector<16xi32>
        %parallel_loop3A_176 = arith.constant 0 : i32
        %parallel_loop3A_177 = vector.broadcast %parallel_loop3A_176 : i32 to vector<16xi32>
        %parallel_loop3A_178 = arith.maxsi %parallel_loop3A_175, %parallel_loop3A_177 : vector<16xi32>
        %parallel_loop3A_179 = arith.constant 65535 : i32
        %parallel_loop3A_180 = vector.broadcast %parallel_loop3A_179 : i32 to vector<16xi32>
        %parallel_loop3A_181 = arith.minsi %parallel_loop3A_178, %parallel_loop3A_180 : vector<16xi32>
        %parallel_loop3A_182 = tpu.vector_load_idx %arg5[%parallel_loop3A_181] : memref<65536xf32, #tpu.memory_space<vmem>>[vector<16xi32>], vector<16xf32>,
        %parallel_loop3A_183 = arith.constant 1 : i32
        %parallel_loop3A_184 = arith.index_cast %parallel_loop3A_183 : i32 to index
        %parallel_loop3A_185 = arith.index_cast %parallel_loop3A_136 : i32 to index
        %parallel_loop3A_186 = tpu.vector_load %arg7[%parallel_loop3A_184, %parallel_loop3A_185] {strides = array<i32>} : memref<8x2048xf32, #tpu.memory_space<vmem>>, vector<16xf32>,
        tpu.vector_store %arg7[%parallel_loop3A_184, %parallel_loop3A_185], %parallel_loop3A_182 {strides = array<i32>} : memref<8x2048xf32, #tpu.memory_space<vmem>>, vector<16xf32>,
        %parallel_loop3A_187 = arith.constant 2 : i32
        %parallel_loop3A_188 = arith.index_cast %parallel_loop3A_187 : i32 to index
        %parallel_loop3A_189 = arith.index_cast %parallel_loop3A_136 : i32 to index
        %parallel_loop3A_190 = tpu.vector_load %arg7[%parallel_loop3A_188, %parallel_loop3A_189] {strides = array<i32>} : memref<8x2048xf32, #tpu.memory_space<vmem>>, vector<16xf32>,
        %parallel_loop3A_191 = arith.constant 1.000000e+02 : f32
        %parallel_loop3A_192 = vector.broadcast %parallel_loop3A_191 : f32 to vector<16xf32>
        %parallel_loop3A_193 = arith.mulf %parallel_loop3A_190, %parallel_loop3A_192 : vector<16xf32>
        %parallel_loop3A_194 = arith.constant 0x4B408000 : f32
        %parallel_loop3A_195 = vector.broadcast %parallel_loop3A_194 : f32 to vector<16xf32>
        %parallel_loop3A_196 = arith.addf %parallel_loop3A_193, %parallel_loop3A_195 : vector<16xf32>
        %parallel_loop3A_197 = vector.bitcast %parallel_loop3A_196 : vector<16xf32> to vector<16xi32>
        %parallel_loop3A_198 = arith.constant 1262485504 : i32
        %parallel_loop3A_199 = vector.broadcast %parallel_loop3A_198 : i32 to vector<16xi32>
        %parallel_loop3A_200 = arith.subi %parallel_loop3A_197, %parallel_loop3A_199 : vector<16xi32>
        %parallel_loop3A_201 = arith.constant 0 : i32
        %parallel_loop3A_202 = vector.broadcast %parallel_loop3A_201 : i32 to vector<16xi32>
        %parallel_loop3A_203 = arith.maxsi %parallel_loop3A_200, %parallel_loop3A_202 : vector<16xi32>
        %parallel_loop3A_204 = arith.constant 65535 : i32
        %parallel_loop3A_205 = vector.broadcast %parallel_loop3A_204 : i32 to vector<16xi32>
        %parallel_loop3A_206 = arith.minsi %parallel_loop3A_203, %parallel_loop3A_205 : vector<16xi32>
        %parallel_loop3A_207 = tpu.vector_load_idx %arg5[%parallel_loop3A_206] : memref<65536xf32, #tpu.memory_space<vmem>>[vector<16xi32>], vector<16xf32>,
        %parallel_loop3A_208 = arith.constant 2 : i32
        %parallel_loop3A_209 = arith.index_cast %parallel_loop3A_208 : i32 to index
        %parallel_loop3A_210 = arith.index_cast %parallel_loop3A_136 : i32 to index
        %parallel_loop3A_211 = tpu.vector_load %arg7[%parallel_loop3A_209, %parallel_loop3A_210] {strides = array<i32>} : memref<8x2048xf32, #tpu.memory_space<vmem>>, vector<16xf32>,
        tpu.vector_store %arg7[%parallel_loop3A_209, %parallel_loop3A_210], %parallel_loop3A_207 {strides = array<i32>} : memref<8x2048xf32, #tpu.memory_space<vmem>>, vector<16xf32>,
        %parallel_loop3A_212 = arith.constant 3 : i32
        %parallel_loop3A_213 = arith.index_cast %parallel_loop3A_212 : i32 to index
        %parallel_loop3A_214 = arith.index_cast %parallel_loop3A_136 : i32 to index
        %parallel_loop3A_215 = tpu.vector_load %arg7[%parallel_loop3A_213, %parallel_loop3A_214] {strides = array<i32>} : memref<8x2048xf32, #tpu.memory_space<vmem>>, vector<16xf32>,
        %parallel_loop3A_216 = arith.constant 1.000000e+02 : f32
        %parallel_loop3A_217 = vector.broadcast %parallel_loop3A_216 : f32 to vector<16xf32>
        %parallel_loop3A_218 = arith.mulf %parallel_loop3A_215, %parallel_loop3A_217 : vector<16xf32>
        %parallel_loop3A_219 = arith.constant 0x4B408000 : f32
        %parallel_loop3A_220 = vector.broadcast %parallel_loop3A_219 : f32 to vector<16xf32>
        %parallel_loop3A_221 = arith.addf %parallel_loop3A_218, %parallel_loop3A_220 : vector<16xf32>
        %parallel_loop3A_222 = vector.bitcast %parallel_loop3A_221 : vector<16xf32> to vector<16xi32>
        %parallel_loop3A_223 = arith.constant 1262485504 : i32
        %parallel_loop3A_224 = vector.broadcast %parallel_loop3A_223 : i32 to vector<16xi32>
        %parallel_loop3A_225 = arith.subi %parallel_loop3A_222, %parallel_loop3A_224 : vector<16xi32>
        %parallel_loop3A_226 = arith.constant 0 : i32
        %parallel_loop3A_227 = vector.broadcast %parallel_loop3A_226 : i32 to vector<16xi32>
        %parallel_loop3A_228 = arith.maxsi %parallel_loop3A_225, %parallel_loop3A_227 : vector<16xi32>
        %parallel_loop3A_229 = arith.constant 65535 : i32
        %parallel_loop3A_230 = vector.broadcast %parallel_loop3A_229 : i32 to vector<16xi32>
        %parallel_loop3A_231 = arith.minsi %parallel_loop3A_228, %parallel_loop3A_230 : vector<16xi32>
        %parallel_loop3A_232 = tpu.vector_load_idx %arg5[%parallel_loop3A_231] : memref<65536xf32, #tpu.memory_space<vmem>>[vector<16xi32>], vector<16xf32>,
        %parallel_loop3A_233 = arith.constant 3 : i32
        %parallel_loop3A_234 = arith.index_cast %parallel_loop3A_233 : i32 to index
        %parallel_loop3A_235 = arith.index_cast %parallel_loop3A_136 : i32 to index
        %parallel_loop3A_236 = tpu.vector_load %arg7[%parallel_loop3A_234, %parallel_loop3A_235] {strides = array<i32>} : memref<8x2048xf32, #tpu.memory_space<vmem>>, vector<16xf32>,
        tpu.vector_store %arg7[%parallel_loop3A_234, %parallel_loop3A_235], %parallel_loop3A_232 {strides = array<i32>} : memref<8x2048xf32, #tpu.memory_space<vmem>>, vector<16xf32>,
        %parallel_loop3A_237 = arith.constant 4 : i32
        %parallel_loop3A_238 = arith.index_cast %parallel_loop3A_237 : i32 to index
        %parallel_loop3A_239 = arith.index_cast %parallel_loop3A_136 : i32 to index
        %parallel_loop3A_240 = tpu.vector_load %arg7[%parallel_loop3A_238, %parallel_loop3A_239] {strides = array<i32>} : memref<8x2048xf32, #tpu.memory_space<vmem>>, vector<16xf32>,
        %parallel_loop3A_241 = arith.constant 1.000000e+02 : f32
        %parallel_loop3A_242 = vector.broadcast %parallel_loop3A_241 : f32 to vector<16xf32>
        %parallel_loop3A_243 = arith.mulf %parallel_loop3A_240, %parallel_loop3A_242 : vector<16xf32>
        %parallel_loop3A_244 = arith.constant 0x4B408000 : f32
        %parallel_loop3A_245 = vector.broadcast %parallel_loop3A_244 : f32 to vector<16xf32>
        %parallel_loop3A_246 = arith.addf %parallel_loop3A_243, %parallel_loop3A_245 : vector<16xf32>
        %parallel_loop3A_247 = vector.bitcast %parallel_loop3A_246 : vector<16xf32> to vector<16xi32>
        %parallel_loop3A_248 = arith.constant 1262485504 : i32
        %parallel_loop3A_249 = vector.broadcast %parallel_loop3A_248 : i32 to vector<16xi32>
        %parallel_loop3A_250 = arith.subi %parallel_loop3A_247, %parallel_loop3A_249 : vector<16xi32>
        %parallel_loop3A_251 = arith.constant 0 : i32
        %parallel_loop3A_252 = vector.broadcast %parallel_loop3A_251 : i32 to vector<16xi32>
        %parallel_loop3A_253 = arith.maxsi %parallel_loop3A_250, %parallel_loop3A_252 : vector<16xi32>
        %parallel_loop3A_254 = arith.constant 65535 : i32
        %parallel_loop3A_255 = vector.broadcast %parallel_loop3A_254 : i32 to vector<16xi32>
        %parallel_loop3A_256 = arith.minsi %parallel_loop3A_253, %parallel_loop3A_255 : vector<16xi32>
        %parallel_loop3A_257 = tpu.vector_load_idx %arg5[%parallel_loop3A_256] : memref<65536xf32, #tpu.memory_space<vmem>>[vector<16xi32>], vector<16xf32>,
        %parallel_loop3A_258 = arith.constant 4 : i32
        %parallel_loop3A_259 = arith.index_cast %parallel_loop3A_258 : i32 to index
        %parallel_loop3A_260 = arith.index_cast %parallel_loop3A_136 : i32 to index
        %parallel_loop3A_261 = tpu.vector_load %arg7[%parallel_loop3A_259, %parallel_loop3A_260] {strides = array<i32>} : memref<8x2048xf32, #tpu.memory_space<vmem>>, vector<16xf32>,
        tpu.vector_store %arg7[%parallel_loop3A_259, %parallel_loop3A_260], %parallel_loop3A_257 {strides = array<i32>} : memref<8x2048xf32, #tpu.memory_space<vmem>>, vector<16xf32>,
        %parallel_loop3A_262 = arith.constant 5 : i32
        %parallel_loop3A_263 = arith.index_cast %parallel_loop3A_262 : i32 to index
        %parallel_loop3A_264 = arith.index_cast %parallel_loop3A_136 : i32 to index
        %parallel_loop3A_265 = tpu.vector_load %arg7[%parallel_loop3A_263, %parallel_loop3A_264] {strides = array<i32>} : memref<8x2048xf32, #tpu.memory_space<vmem>>, vector<16xf32>,
        %parallel_loop3A_266 = arith.constant 1.000000e+02 : f32
        %parallel_loop3A_267 = vector.broadcast %parallel_loop3A_266 : f32 to vector<16xf32>
        %parallel_loop3A_268 = arith.mulf %parallel_loop3A_265, %parallel_loop3A_267 : vector<16xf32>
        %parallel_loop3A_269 = arith.constant 0x4B408000 : f32
        %parallel_loop3A_270 = vector.broadcast %parallel_loop3A_269 : f32 to vector<16xf32>
        %parallel_loop3A_271 = arith.addf %parallel_loop3A_268, %parallel_loop3A_270 : vector<16xf32>
        %parallel_loop3A_272 = vector.bitcast %parallel_loop3A_271 : vector<16xf32> to vector<16xi32>
        %parallel_loop3A_273 = arith.constant 1262485504 : i32
        %parallel_loop3A_274 = vector.broadcast %parallel_loop3A_273 : i32 to vector<16xi32>
        %parallel_loop3A_275 = arith.subi %parallel_loop3A_272, %parallel_loop3A_274 : vector<16xi32>
        %parallel_loop3A_276 = arith.constant 0 : i32
        %parallel_loop3A_277 = vector.broadcast %parallel_loop3A_276 : i32 to vector<16xi32>
        %parallel_loop3A_278 = arith.maxsi %parallel_loop3A_275, %parallel_loop3A_277 : vector<16xi32>
        %parallel_loop3A_279 = arith.constant 65535 : i32
        %parallel_loop3A_280 = vector.broadcast %parallel_loop3A_279 : i32 to vector<16xi32>
        %parallel_loop3A_281 = arith.minsi %parallel_loop3A_278, %parallel_loop3A_280 : vector<16xi32>
        %parallel_loop3A_282 = tpu.vector_load_idx %arg5[%parallel_loop3A_281] : memref<65536xf32, #tpu.memory_space<vmem>>[vector<16xi32>], vector<16xf32>,
        %parallel_loop3A_283 = arith.constant 5 : i32
        %parallel_loop3A_284 = arith.index_cast %parallel_loop3A_283 : i32 to index
        %parallel_loop3A_285 = arith.index_cast %parallel_loop3A_136 : i32 to index
        %parallel_loop3A_286 = tpu.vector_load %arg7[%parallel_loop3A_284, %parallel_loop3A_285] {strides = array<i32>} : memref<8x2048xf32, #tpu.memory_space<vmem>>, vector<16xf32>,
        tpu.vector_store %arg7[%parallel_loop3A_284, %parallel_loop3A_285], %parallel_loop3A_282 {strides = array<i32>} : memref<8x2048xf32, #tpu.memory_space<vmem>>, vector<16xf32>,
        %parallel_loop3A_287 = arith.constant 6 : i32
        %parallel_loop3A_288 = arith.index_cast %parallel_loop3A_287 : i32 to index
        %parallel_loop3A_289 = arith.index_cast %parallel_loop3A_136 : i32 to index
        %parallel_loop3A_290 = tpu.vector_load %arg7[%parallel_loop3A_288, %parallel_loop3A_289] {strides = array<i32>} : memref<8x2048xf32, #tpu.memory_space<vmem>>, vector<16xf32>,
        %parallel_loop3A_291 = arith.constant 1.000000e+02 : f32
        %parallel_loop3A_292 = vector.broadcast %parallel_loop3A_291 : f32 to vector<16xf32>
        %parallel_loop3A_293 = arith.mulf %parallel_loop3A_290, %parallel_loop3A_292 : vector<16xf32>
        %parallel_loop3A_294 = arith.constant 0x4B408000 : f32
        %parallel_loop3A_295 = vector.broadcast %parallel_loop3A_294 : f32 to vector<16xf32>
        %parallel_loop3A_296 = arith.addf %parallel_loop3A_293, %parallel_loop3A_295 : vector<16xf32>
        %parallel_loop3A_297 = vector.bitcast %parallel_loop3A_296 : vector<16xf32> to vector<16xi32>
        %parallel_loop3A_298 = arith.constant 1262485504 : i32
        %parallel_loop3A_299 = vector.broadcast %parallel_loop3A_298 : i32 to vector<16xi32>
        %parallel_loop3A_300 = arith.subi %parallel_loop3A_297, %parallel_loop3A_299 : vector<16xi32>
        %parallel_loop3A_301 = arith.constant 0 : i32
        %parallel_loop3A_302 = vector.broadcast %parallel_loop3A_301 : i32 to vector<16xi32>
        %parallel_loop3A_303 = arith.maxsi %parallel_loop3A_300, %parallel_loop3A_302 : vector<16xi32>
        %parallel_loop3A_304 = arith.constant 65535 : i32
        %parallel_loop3A_305 = vector.broadcast %parallel_loop3A_304 : i32 to vector<16xi32>
        %parallel_loop3A_306 = arith.minsi %parallel_loop3A_303, %parallel_loop3A_305 : vector<16xi32>
        %parallel_loop3A_307 = tpu.vector_load_idx %arg5[%parallel_loop3A_306] : memref<65536xf32, #tpu.memory_space<vmem>>[vector<16xi32>], vector<16xf32>,
        %parallel_loop3A_308 = arith.constant 6 : i32
        %parallel_loop3A_309 = arith.index_cast %parallel_loop3A_308 : i32 to index
        %parallel_loop3A_310 = arith.index_cast %parallel_loop3A_136 : i32 to index
        %parallel_loop3A_311 = tpu.vector_load %arg7[%parallel_loop3A_309, %parallel_loop3A_310] {strides = array<i32>} : memref<8x2048xf32, #tpu.memory_space<vmem>>, vector<16xf32>,
        tpu.vector_store %arg7[%parallel_loop3A_309, %parallel_loop3A_310], %parallel_loop3A_307 {strides = array<i32>} : memref<8x2048xf32, #tpu.memory_space<vmem>>, vector<16xf32>,
        %parallel_loop3A_312 = arith.constant 7 : i32
        %parallel_loop3A_313 = arith.index_cast %parallel_loop3A_312 : i32 to index
        %parallel_loop3A_314 = arith.index_cast %parallel_loop3A_136 : i32 to index
        %parallel_loop3A_315 = tpu.vector_load %arg7[%parallel_loop3A_313, %parallel_loop3A_314] {strides = array<i32>} : memref<8x2048xf32, #tpu.memory_space<vmem>>, vector<16xf32>,
        %parallel_loop3A_316 = arith.constant 1.000000e+02 : f32
        %parallel_loop3A_317 = vector.broadcast %parallel_loop3A_316 : f32 to vector<16xf32>
        %parallel_loop3A_318 = arith.mulf %parallel_loop3A_315, %parallel_loop3A_317 : vector<16xf32>
        %parallel_loop3A_319 = arith.constant 0x4B408000 : f32
        %parallel_loop3A_320 = vector.broadcast %parallel_loop3A_319 : f32 to vector<16xf32>
        %parallel_loop3A_321 = arith.addf %parallel_loop3A_318, %parallel_loop3A_320 : vector<16xf32>
        %parallel_loop3A_322 = vector.bitcast %parallel_loop3A_321 : vector<16xf32> to vector<16xi32>
        %parallel_loop3A_323 = arith.constant 1262485504 : i32
        %parallel_loop3A_324 = vector.broadcast %parallel_loop3A_323 : i32 to vector<16xi32>
        %parallel_loop3A_325 = arith.subi %parallel_loop3A_322, %parallel_loop3A_324 : vector<16xi32>
        %parallel_loop3A_326 = arith.constant 0 : i32
        %parallel_loop3A_327 = vector.broadcast %parallel_loop3A_326 : i32 to vector<16xi32>
        %parallel_loop3A_328 = arith.maxsi %parallel_loop3A_325, %parallel_loop3A_327 : vector<16xi32>
        %parallel_loop3A_329 = arith.constant 65535 : i32
        %parallel_loop3A_330 = vector.broadcast %parallel_loop3A_329 : i32 to vector<16xi32>
        %parallel_loop3A_331 = arith.minsi %parallel_loop3A_328, %parallel_loop3A_330 : vector<16xi32>
        %parallel_loop3A_332 = tpu.vector_load_idx %arg5[%parallel_loop3A_331] : memref<65536xf32, #tpu.memory_space<vmem>>[vector<16xi32>], vector<16xf32>,
        %parallel_loop3A_333 = arith.constant 7 : i32
        %parallel_loop3A_334 = arith.index_cast %parallel_loop3A_333 : i32 to index
        %parallel_loop3A_335 = arith.index_cast %parallel_loop3A_136 : i32 to index
        %parallel_loop3A_336 = tpu.vector_load %arg7[%parallel_loop3A_334, %parallel_loop3A_335] {strides = array<i32>} : memref<8x2048xf32, #tpu.memory_space<vmem>>, vector<16xf32>,
        tpu.vector_store %arg7[%parallel_loop3A_334, %parallel_loop3A_335], %parallel_loop3A_332 {strides = array<i32>} : memref<8x2048xf32, #tpu.memory_space<vmem>>, vector<16xf32>,
      } {sc.loop_unroll_factor = 1 : i64, sc.parallel_access}
      %mul3A_86 = arith.constant 8 : i32
      %mul3A_87 = arith.muli %add3A_75, %mul3A_86 : i32
      %add3A_88 = arith.addi %mul3A_2, %mul3A_87 : i32
      %dma_start3A_89 = arith.constant 0 : i32
      %dma_start3A_90 = tpu.memref_slice %arg4[%add3A_88, %dma_start3A_89] : memref<16384x2048xf32, #tpu.memory_space<hbm>> -> memref<8x2048xf32, #tpu.memory_space<hbm>>
      %dma_start3A_91 = arith.constant 0 : i32
      %dma_start3A_92 = tpu.memref_slice %arg4[%add3A_88, %dma_start3A_91] : memref<16384x2048xf32, #tpu.memory_space<hbm>> -> memref<8x2048xf32, #tpu.memory_space<hbm>>
      tpu.enqueue_dma source(%arg7 : memref<8x2048xf32, #tpu.memory_space<vmem>>) target(%dma_start3A_92 : memref<8x2048xf32, #tpu.memory_space<hbm>>) target_semaphore(%arg13 : memref<!tpu.dma_semaphore, #tpu.memory_space<semaphore_mem>>)
      %ge3A_93 = arith.constant 1 : i32
      %ge3A_94 = arith.cmpi sge, %add3A_75, %ge3A_93 : i32
      %convert_element_type3A_95 = arith.extui %ge3A_94 : i1 to i32
      %cond3A_96 = arith.constant 0 : i32
      %cond3A_97 = arith.cmpi ne, %convert_element_type3A_95, %cond3A_96 : i32
      scf.if %cond3A_97 {
        %sub3A = arith.constant 1 : i32
        %sub3A_136 = arith.subi %add3A_75, %sub3A : i32
        %mul3A_137 = arith.constant 8 : i32
        %mul3A_138 = arith.muli %sub3A_136, %mul3A_137 : i32
        %add3A_139 = arith.addi %mul3A_2, %mul3A_138 : i32
        %dma_wait3A_140 = arith.constant 0 : i32
        %dma_wait3A_141 = tpu.memref_slice %arg4[%add3A_139, %dma_wait3A_140] : memref<16384x2048xf32, #tpu.memory_space<hbm>> -> memref<8x2048xf32, #tpu.memory_space<hbm>>
        %dma_wait3A_142 = arith.constant 0 : i32
        %dma_wait3A_143 = tpu.memref_slice %arg4[%add3A_139, %dma_wait3A_142] : memref<16384x2048xf32, #tpu.memory_space<hbm>> -> memref<8x2048xf32, #tpu.memory_space<hbm>>
        tpu.wait_dma2 semaphore(%arg12 : memref<!tpu.dma_semaphore, #tpu.memory_space<semaphore_mem>>) src(%arg6 : memref<8x2048xf32, #tpu.memory_space<vmem>>) dst(%dma_wait3A_143 : memref<8x2048xf32, #tpu.memory_space<hbm>>)
      } else {
      }
      %add3A_98 = arith.constant 2 : i32
      %add3A_99 = arith.addi %add3A_75, %add3A_98 : i32
      %lt3A_100 = arith.constant 64 : i32
      %lt3A_101 = arith.cmpi slt, %add3A_99, %lt3A_100 : i32
      %convert_element_type3A_102 = arith.extui %lt3A_101 : i1 to i32
      %cond3A_103 = arith.constant 0 : i32
      %cond3A_104 = arith.cmpi ne, %convert_element_type3A_102, %cond3A_103 : i32
      scf.if %cond3A_104 {
        %add3A_136 = arith.constant 2 : i32
        %add3A_137 = arith.addi %add3A_75, %add3A_136 : i32
        %mul3A_138 = arith.constant 8 : i32
        %mul3A_139 = arith.muli %add3A_137, %mul3A_138 : i32
        %add3A_140 = arith.addi %mul3A_2, %mul3A_139 : i32
        %dma_start3A_141 = arith.constant 0 : i32
        %dma_start3A_142 = tpu.memref_slice %arg2[%add3A_140, %dma_start3A_141] : memref<16384x2048xf32, #tpu.memory_space<hbm>> -> memref<8x2048xf32, #tpu.memory_space<hbm>>
        %dma_start3A_143 = arith.constant 0 : i32
        %dma_start3A_144 = tpu.memref_slice %arg2[%add3A_140, %dma_start3A_143] : memref<16384x2048xf32, #tpu.memory_space<hbm>> -> memref<8x2048xf32, #tpu.memory_space<hbm>>
        tpu.enqueue_dma source(%dma_start3A_144 : memref<8x2048xf32, #tpu.memory_space<hbm>>) target(%arg6 : memref<8x2048xf32, #tpu.memory_space<vmem>>) target_semaphore(%arg9 : memref<!tpu.dma_semaphore, #tpu.memory_space<semaphore_mem>>)
      } else {
      }
      %add3A_105 = arith.constant 2 : i32
      %add3A_106 = arith.addi %mul3A_46, %add3A_105 : i32
      %mul3A_107 = arith.constant 8 : i32
      %mul3A_108 = arith.muli %add3A_106, %mul3A_107 : i32
      %add3A_109 = arith.addi %mul3A_2, %mul3A_108 : i32
      %dma_wait3A_110 = arith.constant 0 : i32
      %dma_wait3A_111 = tpu.memref_slice %arg2[%add3A_109, %dma_wait3A_110] : memref<16384x2048xf32, #tpu.memory_space<hbm>> -> memref<8x2048xf32, #tpu.memory_space<hbm>>
      %dma_wait3A_112 = arith.constant 0 : i32
      %dma_wait3A_113 = tpu.memref_slice %arg2[%add3A_109, %dma_wait3A_112] : memref<16384x2048xf32, #tpu.memory_space<hbm>> -> memref<8x2048xf32, #tpu.memory_space<hbm>>
      tpu.wait_dma2 semaphore(%arg11 : memref<!tpu.dma_semaphore, #tpu.memory_space<semaphore_mem>>) src(%dma_wait3A_113 : memref<8x2048xf32, #tpu.memory_space<hbm>>) dst(%arg8 : memref<8x2048xf32, #tpu.memory_space<vmem>>)
      %parallel_loop3A_114 = arith.constant 0 : i32
      %parallel_loop3A_115 = arith.constant 2048 : i32
      %parallel_loop3A_116 = arith.constant 16 : i32
      scf.for %parallel_loop3A_136 = %parallel_loop3A_114 to %parallel_loop3A_115 step %parallel_loop3A_116  : i32 {
        %parallel_loop3A_137 = arith.constant 0 : i32
        %parallel_loop3A_138 = arith.index_cast %parallel_loop3A_137 : i32 to index
        %parallel_loop3A_139 = arith.index_cast %parallel_loop3A_136 : i32 to index
        %parallel_loop3A_140 = tpu.vector_load %arg8[%parallel_loop3A_138, %parallel_loop3A_139] {strides = array<i32>} : memref<8x2048xf32, #tpu.memory_space<vmem>>, vector<16xf32>,
        %parallel_loop3A_141 = arith.constant 1.000000e+02 : f32
        %parallel_loop3A_142 = vector.broadcast %parallel_loop3A_141 : f32 to vector<16xf32>
        %parallel_loop3A_143 = arith.mulf %parallel_loop3A_140, %parallel_loop3A_142 : vector<16xf32>
        %parallel_loop3A_144 = arith.constant 0x4B408000 : f32
        %parallel_loop3A_145 = vector.broadcast %parallel_loop3A_144 : f32 to vector<16xf32>
        %parallel_loop3A_146 = arith.addf %parallel_loop3A_143, %parallel_loop3A_145 : vector<16xf32>
        %parallel_loop3A_147 = vector.bitcast %parallel_loop3A_146 : vector<16xf32> to vector<16xi32>
        %parallel_loop3A_148 = arith.constant 1262485504 : i32
        %parallel_loop3A_149 = vector.broadcast %parallel_loop3A_148 : i32 to vector<16xi32>
        %parallel_loop3A_150 = arith.subi %parallel_loop3A_147, %parallel_loop3A_149 : vector<16xi32>
        %parallel_loop3A_151 = arith.constant 0 : i32
        %parallel_loop3A_152 = vector.broadcast %parallel_loop3A_151 : i32 to vector<16xi32>
        %parallel_loop3A_153 = arith.maxsi %parallel_loop3A_150, %parallel_loop3A_152 : vector<16xi32>
        %parallel_loop3A_154 = arith.constant 65535 : i32
        %parallel_loop3A_155 = vector.broadcast %parallel_loop3A_154 : i32 to vector<16xi32>
        %parallel_loop3A_156 = arith.minsi %parallel_loop3A_153, %parallel_loop3A_155 : vector<16xi32>
        %parallel_loop3A_157 = tpu.vector_load_idx %arg5[%parallel_loop3A_156] : memref<65536xf32, #tpu.memory_space<vmem>>[vector<16xi32>], vector<16xf32>,
        %parallel_loop3A_158 = arith.constant 0 : i32
        %parallel_loop3A_159 = arith.index_cast %parallel_loop3A_158 : i32 to index
        %parallel_loop3A_160 = arith.index_cast %parallel_loop3A_136 : i32 to index
        %parallel_loop3A_161 = tpu.vector_load %arg8[%parallel_loop3A_159, %parallel_loop3A_160] {strides = array<i32>} : memref<8x2048xf32, #tpu.memory_space<vmem>>, vector<16xf32>,
        tpu.vector_store %arg8[%parallel_loop3A_159, %parallel_loop3A_160], %parallel_loop3A_157 {strides = array<i32>} : memref<8x2048xf32, #tpu.memory_space<vmem>>, vector<16xf32>,
        %parallel_loop3A_162 = arith.constant 1 : i32
        %parallel_loop3A_163 = arith.index_cast %parallel_loop3A_162 : i32 to index
        %parallel_loop3A_164 = arith.index_cast %parallel_loop3A_136 : i32 to index
        %parallel_loop3A_165 = tpu.vector_load %arg8[%parallel_loop3A_163, %parallel_loop3A_164] {strides = array<i32>} : memref<8x2048xf32, #tpu.memory_space<vmem>>, vector<16xf32>,
        %parallel_loop3A_166 = arith.constant 1.000000e+02 : f32
        %parallel_loop3A_167 = vector.broadcast %parallel_loop3A_166 : f32 to vector<16xf32>
        %parallel_loop3A_168 = arith.mulf %parallel_loop3A_165, %parallel_loop3A_167 : vector<16xf32>
        %parallel_loop3A_169 = arith.constant 0x4B408000 : f32
        %parallel_loop3A_170 = vector.broadcast %parallel_loop3A_169 : f32 to vector<16xf32>
        %parallel_loop3A_171 = arith.addf %parallel_loop3A_168, %parallel_loop3A_170 : vector<16xf32>
        %parallel_loop3A_172 = vector.bitcast %parallel_loop3A_171 : vector<16xf32> to vector<16xi32>
        %parallel_loop3A_173 = arith.constant 1262485504 : i32
        %parallel_loop3A_174 = vector.broadcast %parallel_loop3A_173 : i32 to vector<16xi32>
        %parallel_loop3A_175 = arith.subi %parallel_loop3A_172, %parallel_loop3A_174 : vector<16xi32>
        %parallel_loop3A_176 = arith.constant 0 : i32
        %parallel_loop3A_177 = vector.broadcast %parallel_loop3A_176 : i32 to vector<16xi32>
        %parallel_loop3A_178 = arith.maxsi %parallel_loop3A_175, %parallel_loop3A_177 : vector<16xi32>
        %parallel_loop3A_179 = arith.constant 65535 : i32
        %parallel_loop3A_180 = vector.broadcast %parallel_loop3A_179 : i32 to vector<16xi32>
        %parallel_loop3A_181 = arith.minsi %parallel_loop3A_178, %parallel_loop3A_180 : vector<16xi32>
        %parallel_loop3A_182 = tpu.vector_load_idx %arg5[%parallel_loop3A_181] : memref<65536xf32, #tpu.memory_space<vmem>>[vector<16xi32>], vector<16xf32>,
        %parallel_loop3A_183 = arith.constant 1 : i32
        %parallel_loop3A_184 = arith.index_cast %parallel_loop3A_183 : i32 to index
        %parallel_loop3A_185 = arith.index_cast %parallel_loop3A_136 : i32 to index
        %parallel_loop3A_186 = tpu.vector_load %arg8[%parallel_loop3A_184, %parallel_loop3A_185] {strides = array<i32>} : memref<8x2048xf32, #tpu.memory_space<vmem>>, vector<16xf32>,
        tpu.vector_store %arg8[%parallel_loop3A_184, %parallel_loop3A_185], %parallel_loop3A_182 {strides = array<i32>} : memref<8x2048xf32, #tpu.memory_space<vmem>>, vector<16xf32>,
        %parallel_loop3A_187 = arith.constant 2 : i32
        %parallel_loop3A_188 = arith.index_cast %parallel_loop3A_187 : i32 to index
        %parallel_loop3A_189 = arith.index_cast %parallel_loop3A_136 : i32 to index
        %parallel_loop3A_190 = tpu.vector_load %arg8[%parallel_loop3A_188, %parallel_loop3A_189] {strides = array<i32>} : memref<8x2048xf32, #tpu.memory_space<vmem>>, vector<16xf32>,
        %parallel_loop3A_191 = arith.constant 1.000000e+02 : f32
        %parallel_loop3A_192 = vector.broadcast %parallel_loop3A_191 : f32 to vector<16xf32>
        %parallel_loop3A_193 = arith.mulf %parallel_loop3A_190, %parallel_loop3A_192 : vector<16xf32>
        %parallel_loop3A_194 = arith.constant 0x4B408000 : f32
        %parallel_loop3A_195 = vector.broadcast %parallel_loop3A_194 : f32 to vector<16xf32>
        %parallel_loop3A_196 = arith.addf %parallel_loop3A_193, %parallel_loop3A_195 : vector<16xf32>
        %parallel_loop3A_197 = vector.bitcast %parallel_loop3A_196 : vector<16xf32> to vector<16xi32>
        %parallel_loop3A_198 = arith.constant 1262485504 : i32
        %parallel_loop3A_199 = vector.broadcast %parallel_loop3A_198 : i32 to vector<16xi32>
        %parallel_loop3A_200 = arith.subi %parallel_loop3A_197, %parallel_loop3A_199 : vector<16xi32>
        %parallel_loop3A_201 = arith.constant 0 : i32
        %parallel_loop3A_202 = vector.broadcast %parallel_loop3A_201 : i32 to vector<16xi32>
        %parallel_loop3A_203 = arith.maxsi %parallel_loop3A_200, %parallel_loop3A_202 : vector<16xi32>
        %parallel_loop3A_204 = arith.constant 65535 : i32
        %parallel_loop3A_205 = vector.broadcast %parallel_loop3A_204 : i32 to vector<16xi32>
        %parallel_loop3A_206 = arith.minsi %parallel_loop3A_203, %parallel_loop3A_205 : vector<16xi32>
        %parallel_loop3A_207 = tpu.vector_load_idx %arg5[%parallel_loop3A_206] : memref<65536xf32, #tpu.memory_space<vmem>>[vector<16xi32>], vector<16xf32>,
        %parallel_loop3A_208 = arith.constant 2 : i32
        %parallel_loop3A_209 = arith.index_cast %parallel_loop3A_208 : i32 to index
        %parallel_loop3A_210 = arith.index_cast %parallel_loop3A_136 : i32 to index
        %parallel_loop3A_211 = tpu.vector_load %arg8[%parallel_loop3A_209, %parallel_loop3A_210] {strides = array<i32>} : memref<8x2048xf32, #tpu.memory_space<vmem>>, vector<16xf32>,
        tpu.vector_store %arg8[%parallel_loop3A_209, %parallel_loop3A_210], %parallel_loop3A_207 {strides = array<i32>} : memref<8x2048xf32, #tpu.memory_space<vmem>>, vector<16xf32>,
        %parallel_loop3A_212 = arith.constant 3 : i32
        %parallel_loop3A_213 = arith.index_cast %parallel_loop3A_212 : i32 to index
        %parallel_loop3A_214 = arith.index_cast %parallel_loop3A_136 : i32 to index
        %parallel_loop3A_215 = tpu.vector_load %arg8[%parallel_loop3A_213, %parallel_loop3A_214] {strides = array<i32>} : memref<8x2048xf32, #tpu.memory_space<vmem>>, vector<16xf32>,
        %parallel_loop3A_216 = arith.constant 1.000000e+02 : f32
        %parallel_loop3A_217 = vector.broadcast %parallel_loop3A_216 : f32 to vector<16xf32>
        %parallel_loop3A_218 = arith.mulf %parallel_loop3A_215, %parallel_loop3A_217 : vector<16xf32>
        %parallel_loop3A_219 = arith.constant 0x4B408000 : f32
        %parallel_loop3A_220 = vector.broadcast %parallel_loop3A_219 : f32 to vector<16xf32>
        %parallel_loop3A_221 = arith.addf %parallel_loop3A_218, %parallel_loop3A_220 : vector<16xf32>
        %parallel_loop3A_222 = vector.bitcast %parallel_loop3A_221 : vector<16xf32> to vector<16xi32>
        %parallel_loop3A_223 = arith.constant 1262485504 : i32
        %parallel_loop3A_224 = vector.broadcast %parallel_loop3A_223 : i32 to vector<16xi32>
        %parallel_loop3A_225 = arith.subi %parallel_loop3A_222, %parallel_loop3A_224 : vector<16xi32>
        %parallel_loop3A_226 = arith.constant 0 : i32
        %parallel_loop3A_227 = vector.broadcast %parallel_loop3A_226 : i32 to vector<16xi32>
        %parallel_loop3A_228 = arith.maxsi %parallel_loop3A_225, %parallel_loop3A_227 : vector<16xi32>
        %parallel_loop3A_229 = arith.constant 65535 : i32
        %parallel_loop3A_230 = vector.broadcast %parallel_loop3A_229 : i32 to vector<16xi32>
        %parallel_loop3A_231 = arith.minsi %parallel_loop3A_228, %parallel_loop3A_230 : vector<16xi32>
        %parallel_loop3A_232 = tpu.vector_load_idx %arg5[%parallel_loop3A_231] : memref<65536xf32, #tpu.memory_space<vmem>>[vector<16xi32>], vector<16xf32>,
        %parallel_loop3A_233 = arith.constant 3 : i32
        %parallel_loop3A_234 = arith.index_cast %parallel_loop3A_233 : i32 to index
        %parallel_loop3A_235 = arith.index_cast %parallel_loop3A_136 : i32 to index
        %parallel_loop3A_236 = tpu.vector_load %arg8[%parallel_loop3A_234, %parallel_loop3A_235] {strides = array<i32>} : memref<8x2048xf32, #tpu.memory_space<vmem>>, vector<16xf32>,
        tpu.vector_store %arg8[%parallel_loop3A_234, %parallel_loop3A_235], %parallel_loop3A_232 {strides = array<i32>} : memref<8x2048xf32, #tpu.memory_space<vmem>>, vector<16xf32>,
        %parallel_loop3A_237 = arith.constant 4 : i32
        %parallel_loop3A_238 = arith.index_cast %parallel_loop3A_237 : i32 to index
        %parallel_loop3A_239 = arith.index_cast %parallel_loop3A_136 : i32 to index
        %parallel_loop3A_240 = tpu.vector_load %arg8[%parallel_loop3A_238, %parallel_loop3A_239] {strides = array<i32>} : memref<8x2048xf32, #tpu.memory_space<vmem>>, vector<16xf32>,
        %parallel_loop3A_241 = arith.constant 1.000000e+02 : f32
        %parallel_loop3A_242 = vector.broadcast %parallel_loop3A_241 : f32 to vector<16xf32>
        %parallel_loop3A_243 = arith.mulf %parallel_loop3A_240, %parallel_loop3A_242 : vector<16xf32>
        %parallel_loop3A_244 = arith.constant 0x4B408000 : f32
        %parallel_loop3A_245 = vector.broadcast %parallel_loop3A_244 : f32 to vector<16xf32>
        %parallel_loop3A_246 = arith.addf %parallel_loop3A_243, %parallel_loop3A_245 : vector<16xf32>
        %parallel_loop3A_247 = vector.bitcast %parallel_loop3A_246 : vector<16xf32> to vector<16xi32>
        %parallel_loop3A_248 = arith.constant 1262485504 : i32
        %parallel_loop3A_249 = vector.broadcast %parallel_loop3A_248 : i32 to vector<16xi32>
        %parallel_loop3A_250 = arith.subi %parallel_loop3A_247, %parallel_loop3A_249 : vector<16xi32>
        %parallel_loop3A_251 = arith.constant 0 : i32
        %parallel_loop3A_252 = vector.broadcast %parallel_loop3A_251 : i32 to vector<16xi32>
        %parallel_loop3A_253 = arith.maxsi %parallel_loop3A_250, %parallel_loop3A_252 : vector<16xi32>
        %parallel_loop3A_254 = arith.constant 65535 : i32
        %parallel_loop3A_255 = vector.broadcast %parallel_loop3A_254 : i32 to vector<16xi32>
        %parallel_loop3A_256 = arith.minsi %parallel_loop3A_253, %parallel_loop3A_255 : vector<16xi32>
        %parallel_loop3A_257 = tpu.vector_load_idx %arg5[%parallel_loop3A_256] : memref<65536xf32, #tpu.memory_space<vmem>>[vector<16xi32>], vector<16xf32>,
        %parallel_loop3A_258 = arith.constant 4 : i32
        %parallel_loop3A_259 = arith.index_cast %parallel_loop3A_258 : i32 to index
        %parallel_loop3A_260 = arith.index_cast %parallel_loop3A_136 : i32 to index
        %parallel_loop3A_261 = tpu.vector_load %arg8[%parallel_loop3A_259, %parallel_loop3A_260] {strides = array<i32>} : memref<8x2048xf32, #tpu.memory_space<vmem>>, vector<16xf32>,
        tpu.vector_store %arg8[%parallel_loop3A_259, %parallel_loop3A_260], %parallel_loop3A_257 {strides = array<i32>} : memref<8x2048xf32, #tpu.memory_space<vmem>>, vector<16xf32>,
        %parallel_loop3A_262 = arith.constant 5 : i32
        %parallel_loop3A_263 = arith.index_cast %parallel_loop3A_262 : i32 to index
        %parallel_loop3A_264 = arith.index_cast %parallel_loop3A_136 : i32 to index
        %parallel_loop3A_265 = tpu.vector_load %arg8[%parallel_loop3A_263, %parallel_loop3A_264] {strides = array<i32>} : memref<8x2048xf32, #tpu.memory_space<vmem>>, vector<16xf32>,
        %parallel_loop3A_266 = arith.constant 1.000000e+02 : f32
        %parallel_loop3A_267 = vector.broadcast %parallel_loop3A_266 : f32 to vector<16xf32>
        %parallel_loop3A_268 = arith.mulf %parallel_loop3A_265, %parallel_loop3A_267 : vector<16xf32>
        %parallel_loop3A_269 = arith.constant 0x4B408000 : f32
        %parallel_loop3A_270 = vector.broadcast %parallel_loop3A_269 : f32 to vector<16xf32>
        %parallel_loop3A_271 = arith.addf %parallel_loop3A_268, %parallel_loop3A_270 : vector<16xf32>
        %parallel_loop3A_272 = vector.bitcast %parallel_loop3A_271 : vector<16xf32> to vector<16xi32>
        %parallel_loop3A_273 = arith.constant 1262485504 : i32
        %parallel_loop3A_274 = vector.broadcast %parallel_loop3A_273 : i32 to vector<16xi32>
        %parallel_loop3A_275 = arith.subi %parallel_loop3A_272, %parallel_loop3A_274 : vector<16xi32>
        %parallel_loop3A_276 = arith.constant 0 : i32
        %parallel_loop3A_277 = vector.broadcast %parallel_loop3A_276 : i32 to vector<16xi32>
        %parallel_loop3A_278 = arith.maxsi %parallel_loop3A_275, %parallel_loop3A_277 : vector<16xi32>
        %parallel_loop3A_279 = arith.constant 65535 : i32
        %parallel_loop3A_280 = vector.broadcast %parallel_loop3A_279 : i32 to vector<16xi32>
        %parallel_loop3A_281 = arith.minsi %parallel_loop3A_278, %parallel_loop3A_280 : vector<16xi32>
        %parallel_loop3A_282 = tpu.vector_load_idx %arg5[%parallel_loop3A_281] : memref<65536xf32, #tpu.memory_space<vmem>>[vector<16xi32>], vector<16xf32>,
        %parallel_loop3A_283 = arith.constant 5 : i32
        %parallel_loop3A_284 = arith.index_cast %parallel_loop3A_283 : i32 to index
        %parallel_loop3A_285 = arith.index_cast %parallel_loop3A_136 : i32 to index
        %parallel_loop3A_286 = tpu.vector_load %arg8[%parallel_loop3A_284, %parallel_loop3A_285] {strides = array<i32>} : memref<8x2048xf32, #tpu.memory_space<vmem>>, vector<16xf32>,
        tpu.vector_store %arg8[%parallel_loop3A_284, %parallel_loop3A_285], %parallel_loop3A_282 {strides = array<i32>} : memref<8x2048xf32, #tpu.memory_space<vmem>>, vector<16xf32>,
        %parallel_loop3A_287 = arith.constant 6 : i32
        %parallel_loop3A_288 = arith.index_cast %parallel_loop3A_287 : i32 to index
        %parallel_loop3A_289 = arith.index_cast %parallel_loop3A_136 : i32 to index
        %parallel_loop3A_290 = tpu.vector_load %arg8[%parallel_loop3A_288, %parallel_loop3A_289] {strides = array<i32>} : memref<8x2048xf32, #tpu.memory_space<vmem>>, vector<16xf32>,
        %parallel_loop3A_291 = arith.constant 1.000000e+02 : f32
        %parallel_loop3A_292 = vector.broadcast %parallel_loop3A_291 : f32 to vector<16xf32>
        %parallel_loop3A_293 = arith.mulf %parallel_loop3A_290, %parallel_loop3A_292 : vector<16xf32>
        %parallel_loop3A_294 = arith.constant 0x4B408000 : f32
        %parallel_loop3A_295 = vector.broadcast %parallel_loop3A_294 : f32 to vector<16xf32>
        %parallel_loop3A_296 = arith.addf %parallel_loop3A_293, %parallel_loop3A_295 : vector<16xf32>
        %parallel_loop3A_297 = vector.bitcast %parallel_loop3A_296 : vector<16xf32> to vector<16xi32>
        %parallel_loop3A_298 = arith.constant 1262485504 : i32
        %parallel_loop3A_299 = vector.broadcast %parallel_loop3A_298 : i32 to vector<16xi32>
        %parallel_loop3A_300 = arith.subi %parallel_loop3A_297, %parallel_loop3A_299 : vector<16xi32>
        %parallel_loop3A_301 = arith.constant 0 : i32
        %parallel_loop3A_302 = vector.broadcast %parallel_loop3A_301 : i32 to vector<16xi32>
        %parallel_loop3A_303 = arith.maxsi %parallel_loop3A_300, %parallel_loop3A_302 : vector<16xi32>
        %parallel_loop3A_304 = arith.constant 65535 : i32
        %parallel_loop3A_305 = vector.broadcast %parallel_loop3A_304 : i32 to vector<16xi32>
        %parallel_loop3A_306 = arith.minsi %parallel_loop3A_303, %parallel_loop3A_305 : vector<16xi32>
        %parallel_loop3A_307 = tpu.vector_load_idx %arg5[%parallel_loop3A_306] : memref<65536xf32, #tpu.memory_space<vmem>>[vector<16xi32>], vector<16xf32>,
        %parallel_loop3A_308 = arith.constant 6 : i32
        %parallel_loop3A_309 = arith.index_cast %parallel_loop3A_308 : i32 to index
        %parallel_loop3A_310 = arith.index_cast %parallel_loop3A_136 : i32 to index
        %parallel_loop3A_311 = tpu.vector_load %arg8[%parallel_loop3A_309, %parallel_loop3A_310] {strides = array<i32>} : memref<8x2048xf32, #tpu.memory_space<vmem>>, vector<16xf32>,
        tpu.vector_store %arg8[%parallel_loop3A_309, %parallel_loop3A_310], %parallel_loop3A_307 {strides = array<i32>} : memref<8x2048xf32, #tpu.memory_space<vmem>>, vector<16xf32>,
        %parallel_loop3A_312 = arith.constant 7 : i32
        %parallel_loop3A_313 = arith.index_cast %parallel_loop3A_312 : i32 to index
        %parallel_loop3A_314 = arith.index_cast %parallel_loop3A_136 : i32 to index
        %parallel_loop3A_315 = tpu.vector_load %arg8[%parallel_loop3A_313, %parallel_loop3A_314] {strides = array<i32>} : memref<8x2048xf32, #tpu.memory_space<vmem>>, vector<16xf32>,
        %parallel_loop3A_316 = arith.constant 1.000000e+02 : f32
        %parallel_loop3A_317 = vector.broadcast %parallel_loop3A_316 : f32 to vector<16xf32>
        %parallel_loop3A_318 = arith.mulf %parallel_loop3A_315, %parallel_loop3A_317 : vector<16xf32>
        %parallel_loop3A_319 = arith.constant 0x4B408000 : f32
        %parallel_loop3A_320 = vector.broadcast %parallel_loop3A_319 : f32 to vector<16xf32>
        %parallel_loop3A_321 = arith.addf %parallel_loop3A_318, %parallel_loop3A_320 : vector<16xf32>
        %parallel_loop3A_322 = vector.bitcast %parallel_loop3A_321 : vector<16xf32> to vector<16xi32>
        %parallel_loop3A_323 = arith.constant 1262485504 : i32
        %parallel_loop3A_324 = vector.broadcast %parallel_loop3A_323 : i32 to vector<16xi32>
        %parallel_loop3A_325 = arith.subi %parallel_loop3A_322, %parallel_loop3A_324 : vector<16xi32>
        %parallel_loop3A_326 = arith.constant 0 : i32
        %parallel_loop3A_327 = vector.broadcast %parallel_loop3A_326 : i32 to vector<16xi32>
        %parallel_loop3A_328 = arith.maxsi %parallel_loop3A_325, %parallel_loop3A_327 : vector<16xi32>
        %parallel_loop3A_329 = arith.constant 65535 : i32
        %parallel_loop3A_330 = vector.broadcast %parallel_loop3A_329 : i32 to vector<16xi32>
        %parallel_loop3A_331 = arith.minsi %parallel_loop3A_328, %parallel_loop3A_330 : vector<16xi32>
        %parallel_loop3A_332 = tpu.vector_load_idx %arg5[%parallel_loop3A_331] : memref<65536xf32, #tpu.memory_space<vmem>>[vector<16xi32>], vector<16xf32>,
        %parallel_loop3A_333 = arith.constant 7 : i32
        %parallel_loop3A_334 = arith.index_cast %parallel_loop3A_333 : i32 to index
        %parallel_loop3A_335 = arith.index_cast %parallel_loop3A_136 : i32 to index
        %parallel_loop3A_336 = tpu.vector_load %arg8[%parallel_loop3A_334, %parallel_loop3A_335] {strides = array<i32>} : memref<8x2048xf32, #tpu.memory_space<vmem>>, vector<16xf32>,
        tpu.vector_store %arg8[%parallel_loop3A_334, %parallel_loop3A_335], %parallel_loop3A_332 {strides = array<i32>} : memref<8x2048xf32, #tpu.memory_space<vmem>>, vector<16xf32>,
      } {sc.loop_unroll_factor = 1 : i64, sc.parallel_access}
      %mul3A_117 = arith.constant 8 : i32
      %mul3A_118 = arith.muli %add3A_106, %mul3A_117 : i32
      %add3A_119 = arith.addi %mul3A_2, %mul3A_118 : i32
      %dma_start3A_120 = arith.constant 0 : i32
      %dma_start3A_121 = tpu.memref_slice %arg4[%add3A_119, %dma_start3A_120] : memref<16384x2048xf32, #tpu.memory_space<hbm>> -> memref<8x2048xf32, #tpu.memory_space<hbm>>
      %dma_start3A_122 = arith.constant 0 : i32
      %dma_start3A_123 = tpu.memref_slice %arg4[%add3A_119, %dma_start3A_122] : memref<16384x2048xf32, #tpu.memory_space<hbm>> -> memref<8x2048xf32, #tpu.memory_space<hbm>>
      tpu.enqueue_dma source(%arg8 : memref<8x2048xf32, #tpu.memory_space<vmem>>) target(%dma_start3A_123 : memref<8x2048xf32, #tpu.memory_space<hbm>>) target_semaphore(%arg14 : memref<!tpu.dma_semaphore, #tpu.memory_space<semaphore_mem>>)
      %ge3A_124 = arith.constant 1 : i32
      %ge3A_125 = arith.cmpi sge, %add3A_106, %ge3A_124 : i32
      %convert_element_type3A_126 = arith.extui %ge3A_125 : i1 to i32
      %cond3A_127 = arith.constant 0 : i32
      %cond3A_128 = arith.cmpi ne, %convert_element_type3A_126, %cond3A_127 : i32
      scf.if %cond3A_128 {
        %sub3A = arith.constant 1 : i32
        %sub3A_136 = arith.subi %add3A_106, %sub3A : i32
        %mul3A_137 = arith.constant 8 : i32
        %mul3A_138 = arith.muli %sub3A_136, %mul3A_137 : i32
        %add3A_139 = arith.addi %mul3A_2, %mul3A_138 : i32
        %dma_wait3A_140 = arith.constant 0 : i32
        %dma_wait3A_141 = tpu.memref_slice %arg4[%add3A_139, %dma_wait3A_140] : memref<16384x2048xf32, #tpu.memory_space<hbm>> -> memref<8x2048xf32, #tpu.memory_space<hbm>>
        %dma_wait3A_142 = arith.constant 0 : i32
        %dma_wait3A_143 = tpu.memref_slice %arg4[%add3A_139, %dma_wait3A_142] : memref<16384x2048xf32, #tpu.memory_space<hbm>> -> memref<8x2048xf32, #tpu.memory_space<hbm>>
        tpu.wait_dma2 semaphore(%arg13 : memref<!tpu.dma_semaphore, #tpu.memory_space<semaphore_mem>>) src(%arg7 : memref<8x2048xf32, #tpu.memory_space<vmem>>) dst(%dma_wait3A_143 : memref<8x2048xf32, #tpu.memory_space<hbm>>)
      } else {
      }
      %add3A_129 = arith.constant 2 : i32
      %add3A_130 = arith.addi %add3A_106, %add3A_129 : i32
      %lt3A_131 = arith.constant 64 : i32
      %lt3A_132 = arith.cmpi slt, %add3A_130, %lt3A_131 : i32
      %convert_element_type3A_133 = arith.extui %lt3A_132 : i1 to i32
      %cond3A_134 = arith.constant 0 : i32
      %cond3A_135 = arith.cmpi ne, %convert_element_type3A_133, %cond3A_134 : i32
      scf.if %cond3A_135 {
        %add3A_136 = arith.constant 2 : i32
        %add3A_137 = arith.addi %add3A_106, %add3A_136 : i32
        %mul3A_138 = arith.constant 8 : i32
        %mul3A_139 = arith.muli %add3A_137, %mul3A_138 : i32
        %add3A_140 = arith.addi %mul3A_2, %mul3A_139 : i32
        %dma_start3A_141 = arith.constant 0 : i32
        %dma_start3A_142 = tpu.memref_slice %arg2[%add3A_140, %dma_start3A_141] : memref<16384x2048xf32, #tpu.memory_space<hbm>> -> memref<8x2048xf32, #tpu.memory_space<hbm>>
        %dma_start3A_143 = arith.constant 0 : i32
        %dma_start3A_144 = tpu.memref_slice %arg2[%add3A_140, %dma_start3A_143] : memref<16384x2048xf32, #tpu.memory_space<hbm>> -> memref<8x2048xf32, #tpu.memory_space<hbm>>
        tpu.enqueue_dma source(%dma_start3A_144 : memref<8x2048xf32, #tpu.memory_space<hbm>>) target(%arg7 : memref<8x2048xf32, #tpu.memory_space<vmem>>) target_semaphore(%arg10 : memref<!tpu.dma_semaphore, #tpu.memory_space<semaphore_mem>>)
      } else {
      }
    }
    %scan3A_18 = arith.constant 21 : i32
    %add3A_19 = arith.constant 504 : i32
    %add3A_20 = arith.addi %mul3A_2, %add3A_19 : i32
    %dma_wait3A = arith.constant 0 : i32
    %dma_wait3A_21 = tpu.memref_slice %arg2[%add3A_20, %dma_wait3A] : memref<16384x2048xf32, #tpu.memory_space<hbm>> -> memref<8x2048xf32, #tpu.memory_space<hbm>>
    %dma_wait3A_22 = arith.constant 0 : i32
    %dma_wait3A_23 = tpu.memref_slice %arg2[%add3A_20, %dma_wait3A_22] : memref<16384x2048xf32, #tpu.memory_space<hbm>> -> memref<8x2048xf32, #tpu.memory_space<hbm>>
    tpu.wait_dma2 semaphore(%arg9 : memref<!tpu.dma_semaphore, #tpu.memory_space<semaphore_mem>>) src(%dma_wait3A_23 : memref<8x2048xf32, #tpu.memory_space<hbm>>) dst(%arg6 : memref<8x2048xf32, #tpu.memory_space<vmem>>)
    %parallel_loop3A = arith.constant 0 : i32
    %parallel_loop3A_24 = arith.constant 2048 : i32
    %parallel_loop3A_25 = arith.constant 16 : i32
    scf.for %parallel_loop3A_44 = %parallel_loop3A to %parallel_loop3A_24 step %parallel_loop3A_25  : i32 {
      %parallel_loop3A_45 = arith.constant 0 : i32
      %parallel_loop3A_46 = arith.index_cast %parallel_loop3A_45 : i32 to index
      %parallel_loop3A_47 = arith.index_cast %parallel_loop3A_44 : i32 to index
      %parallel_loop3A_48 = tpu.vector_load %arg6[%parallel_loop3A_46, %parallel_loop3A_47] {strides = array<i32>} : memref<8x2048xf32, #tpu.memory_space<vmem>>, vector<16xf32>,
      %parallel_loop3A_49 = arith.constant 1.000000e+02 : f32
      %parallel_loop3A_50 = vector.broadcast %parallel_loop3A_49 : f32 to vector<16xf32>
      %parallel_loop3A_51 = arith.mulf %parallel_loop3A_48, %parallel_loop3A_50 : vector<16xf32>
      %parallel_loop3A_52 = arith.constant 0x4B408000 : f32
      %parallel_loop3A_53 = vector.broadcast %parallel_loop3A_52 : f32 to vector<16xf32>
      %parallel_loop3A_54 = arith.addf %parallel_loop3A_51, %parallel_loop3A_53 : vector<16xf32>
      %parallel_loop3A_55 = vector.bitcast %parallel_loop3A_54 : vector<16xf32> to vector<16xi32>
      %parallel_loop3A_56 = arith.constant 1262485504 : i32
      %parallel_loop3A_57 = vector.broadcast %parallel_loop3A_56 : i32 to vector<16xi32>
      %parallel_loop3A_58 = arith.subi %parallel_loop3A_55, %parallel_loop3A_57 : vector<16xi32>
      %parallel_loop3A_59 = arith.constant 0 : i32
      %parallel_loop3A_60 = vector.broadcast %parallel_loop3A_59 : i32 to vector<16xi32>
      %parallel_loop3A_61 = arith.maxsi %parallel_loop3A_58, %parallel_loop3A_60 : vector<16xi32>
      %parallel_loop3A_62 = arith.constant 65535 : i32
      %parallel_loop3A_63 = vector.broadcast %parallel_loop3A_62 : i32 to vector<16xi32>
      %parallel_loop3A_64 = arith.minsi %parallel_loop3A_61, %parallel_loop3A_63 : vector<16xi32>
      %parallel_loop3A_65 = tpu.vector_load_idx %arg5[%parallel_loop3A_64] : memref<65536xf32, #tpu.memory_space<vmem>>[vector<16xi32>], vector<16xf32>,
      %parallel_loop3A_66 = arith.constant 0 : i32
      %parallel_loop3A_67 = arith.index_cast %parallel_loop3A_66 : i32 to index
      %parallel_loop3A_68 = arith.index_cast %parallel_loop3A_44 : i32 to index
      %parallel_loop3A_69 = tpu.vector_load %arg6[%parallel_loop3A_67, %parallel_loop3A_68] {strides = array<i32>} : memref<8x2048xf32, #tpu.memory_space<vmem>>, vector<16xf32>,
      tpu.vector_store %arg6[%parallel_loop3A_67, %parallel_loop3A_68], %parallel_loop3A_65 {strides = array<i32>} : memref<8x2048xf32, #tpu.memory_space<vmem>>, vector<16xf32>,
      %parallel_loop3A_70 = arith.constant 1 : i32
      %parallel_loop3A_71 = arith.index_cast %parallel_loop3A_70 : i32 to index
      %parallel_loop3A_72 = arith.index_cast %parallel_loop3A_44 : i32 to index
      %parallel_loop3A_73 = tpu.vector_load %arg6[%parallel_loop3A_71, %parallel_loop3A_72] {strides = array<i32>} : memref<8x2048xf32, #tpu.memory_space<vmem>>, vector<16xf32>,
      %parallel_loop3A_74 = arith.constant 1.000000e+02 : f32
      %parallel_loop3A_75 = vector.broadcast %parallel_loop3A_74 : f32 to vector<16xf32>
      %parallel_loop3A_76 = arith.mulf %parallel_loop3A_73, %parallel_loop3A_75 : vector<16xf32>
      %parallel_loop3A_77 = arith.constant 0x4B408000 : f32
      %parallel_loop3A_78 = vector.broadcast %parallel_loop3A_77 : f32 to vector<16xf32>
      %parallel_loop3A_79 = arith.addf %parallel_loop3A_76, %parallel_loop3A_78 : vector<16xf32>
      %parallel_loop3A_80 = vector.bitcast %parallel_loop3A_79 : vector<16xf32> to vector<16xi32>
      %parallel_loop3A_81 = arith.constant 1262485504 : i32
      %parallel_loop3A_82 = vector.broadcast %parallel_loop3A_81 : i32 to vector<16xi32>
      %parallel_loop3A_83 = arith.subi %parallel_loop3A_80, %parallel_loop3A_82 : vector<16xi32>
      %parallel_loop3A_84 = arith.constant 0 : i32
      %parallel_loop3A_85 = vector.broadcast %parallel_loop3A_84 : i32 to vector<16xi32>
      %parallel_loop3A_86 = arith.maxsi %parallel_loop3A_83, %parallel_loop3A_85 : vector<16xi32>
      %parallel_loop3A_87 = arith.constant 65535 : i32
      %parallel_loop3A_88 = vector.broadcast %parallel_loop3A_87 : i32 to vector<16xi32>
      %parallel_loop3A_89 = arith.minsi %parallel_loop3A_86, %parallel_loop3A_88 : vector<16xi32>
      %parallel_loop3A_90 = tpu.vector_load_idx %arg5[%parallel_loop3A_89] : memref<65536xf32, #tpu.memory_space<vmem>>[vector<16xi32>], vector<16xf32>,
      %parallel_loop3A_91 = arith.constant 1 : i32
      %parallel_loop3A_92 = arith.index_cast %parallel_loop3A_91 : i32 to index
      %parallel_loop3A_93 = arith.index_cast %parallel_loop3A_44 : i32 to index
      %parallel_loop3A_94 = tpu.vector_load %arg6[%parallel_loop3A_92, %parallel_loop3A_93] {strides = array<i32>} : memref<8x2048xf32, #tpu.memory_space<vmem>>, vector<16xf32>,
      tpu.vector_store %arg6[%parallel_loop3A_92, %parallel_loop3A_93], %parallel_loop3A_90 {strides = array<i32>} : memref<8x2048xf32, #tpu.memory_space<vmem>>, vector<16xf32>,
      %parallel_loop3A_95 = arith.constant 2 : i32
      %parallel_loop3A_96 = arith.index_cast %parallel_loop3A_95 : i32 to index
      %parallel_loop3A_97 = arith.index_cast %parallel_loop3A_44 : i32 to index
      %parallel_loop3A_98 = tpu.vector_load %arg6[%parallel_loop3A_96, %parallel_loop3A_97] {strides = array<i32>} : memref<8x2048xf32, #tpu.memory_space<vmem>>, vector<16xf32>,
      %parallel_loop3A_99 = arith.constant 1.000000e+02 : f32
      %parallel_loop3A_100 = vector.broadcast %parallel_loop3A_99 : f32 to vector<16xf32>
      %parallel_loop3A_101 = arith.mulf %parallel_loop3A_98, %parallel_loop3A_100 : vector<16xf32>
      %parallel_loop3A_102 = arith.constant 0x4B408000 : f32
      %parallel_loop3A_103 = vector.broadcast %parallel_loop3A_102 : f32 to vector<16xf32>
      %parallel_loop3A_104 = arith.addf %parallel_loop3A_101, %parallel_loop3A_103 : vector<16xf32>
      %parallel_loop3A_105 = vector.bitcast %parallel_loop3A_104 : vector<16xf32> to vector<16xi32>
      %parallel_loop3A_106 = arith.constant 1262485504 : i32
      %parallel_loop3A_107 = vector.broadcast %parallel_loop3A_106 : i32 to vector<16xi32>
      %parallel_loop3A_108 = arith.subi %parallel_loop3A_105, %parallel_loop3A_107 : vector<16xi32>
      %parallel_loop3A_109 = arith.constant 0 : i32
      %parallel_loop3A_110 = vector.broadcast %parallel_loop3A_109 : i32 to vector<16xi32>
      %parallel_loop3A_111 = arith.maxsi %parallel_loop3A_108, %parallel_loop3A_110 : vector<16xi32>
      %parallel_loop3A_112 = arith.constant 65535 : i32
      %parallel_loop3A_113 = vector.broadcast %parallel_loop3A_112 : i32 to vector<16xi32>
      %parallel_loop3A_114 = arith.minsi %parallel_loop3A_111, %parallel_loop3A_113 : vector<16xi32>
      %parallel_loop3A_115 = tpu.vector_load_idx %arg5[%parallel_loop3A_114] : memref<65536xf32, #tpu.memory_space<vmem>>[vector<16xi32>], vector<16xf32>,
      %parallel_loop3A_116 = arith.constant 2 : i32
      %parallel_loop3A_117 = arith.index_cast %parallel_loop3A_116 : i32 to index
      %parallel_loop3A_118 = arith.index_cast %parallel_loop3A_44 : i32 to index
      %parallel_loop3A_119 = tpu.vector_load %arg6[%parallel_loop3A_117, %parallel_loop3A_118] {strides = array<i32>} : memref<8x2048xf32, #tpu.memory_space<vmem>>, vector<16xf32>,
      tpu.vector_store %arg6[%parallel_loop3A_117, %parallel_loop3A_118], %parallel_loop3A_115 {strides = array<i32>} : memref<8x2048xf32, #tpu.memory_space<vmem>>, vector<16xf32>,
      %parallel_loop3A_120 = arith.constant 3 : i32
      %parallel_loop3A_121 = arith.index_cast %parallel_loop3A_120 : i32 to index
      %parallel_loop3A_122 = arith.index_cast %parallel_loop3A_44 : i32 to index
      %parallel_loop3A_123 = tpu.vector_load %arg6[%parallel_loop3A_121, %parallel_loop3A_122] {strides = array<i32>} : memref<8x2048xf32, #tpu.memory_space<vmem>>, vector<16xf32>,
      %parallel_loop3A_124 = arith.constant 1.000000e+02 : f32
      %parallel_loop3A_125 = vector.broadcast %parallel_loop3A_124 : f32 to vector<16xf32>
      %parallel_loop3A_126 = arith.mulf %parallel_loop3A_123, %parallel_loop3A_125 : vector<16xf32>
      %parallel_loop3A_127 = arith.constant 0x4B408000 : f32
      %parallel_loop3A_128 = vector.broadcast %parallel_loop3A_127 : f32 to vector<16xf32>
      %parallel_loop3A_129 = arith.addf %parallel_loop3A_126, %parallel_loop3A_128 : vector<16xf32>
      %parallel_loop3A_130 = vector.bitcast %parallel_loop3A_129 : vector<16xf32> to vector<16xi32>
      %parallel_loop3A_131 = arith.constant 1262485504 : i32
      %parallel_loop3A_132 = vector.broadcast %parallel_loop3A_131 : i32 to vector<16xi32>
      %parallel_loop3A_133 = arith.subi %parallel_loop3A_130, %parallel_loop3A_132 : vector<16xi32>
      %parallel_loop3A_134 = arith.constant 0 : i32
      %parallel_loop3A_135 = vector.broadcast %parallel_loop3A_134 : i32 to vector<16xi32>
      %parallel_loop3A_136 = arith.maxsi %parallel_loop3A_133, %parallel_loop3A_135 : vector<16xi32>
      %parallel_loop3A_137 = arith.constant 65535 : i32
      %parallel_loop3A_138 = vector.broadcast %parallel_loop3A_137 : i32 to vector<16xi32>
      %parallel_loop3A_139 = arith.minsi %parallel_loop3A_136, %parallel_loop3A_138 : vector<16xi32>
      %parallel_loop3A_140 = tpu.vector_load_idx %arg5[%parallel_loop3A_139] : memref<65536xf32, #tpu.memory_space<vmem>>[vector<16xi32>], vector<16xf32>,
      %parallel_loop3A_141 = arith.constant 3 : i32
      %parallel_loop3A_142 = arith.index_cast %parallel_loop3A_141 : i32 to index
      %parallel_loop3A_143 = arith.index_cast %parallel_loop3A_44 : i32 to index
      %parallel_loop3A_144 = tpu.vector_load %arg6[%parallel_loop3A_142, %parallel_loop3A_143] {strides = array<i32>} : memref<8x2048xf32, #tpu.memory_space<vmem>>, vector<16xf32>,
      tpu.vector_store %arg6[%parallel_loop3A_142, %parallel_loop3A_143], %parallel_loop3A_140 {strides = array<i32>} : memref<8x2048xf32, #tpu.memory_space<vmem>>, vector<16xf32>,
      %parallel_loop3A_145 = arith.constant 4 : i32
      %parallel_loop3A_146 = arith.index_cast %parallel_loop3A_145 : i32 to index
      %parallel_loop3A_147 = arith.index_cast %parallel_loop3A_44 : i32 to index
      %parallel_loop3A_148 = tpu.vector_load %arg6[%parallel_loop3A_146, %parallel_loop3A_147] {strides = array<i32>} : memref<8x2048xf32, #tpu.memory_space<vmem>>, vector<16xf32>,
      %parallel_loop3A_149 = arith.constant 1.000000e+02 : f32
      %parallel_loop3A_150 = vector.broadcast %parallel_loop3A_149 : f32 to vector<16xf32>
      %parallel_loop3A_151 = arith.mulf %parallel_loop3A_148, %parallel_loop3A_150 : vector<16xf32>
      %parallel_loop3A_152 = arith.constant 0x4B408000 : f32
      %parallel_loop3A_153 = vector.broadcast %parallel_loop3A_152 : f32 to vector<16xf32>
      %parallel_loop3A_154 = arith.addf %parallel_loop3A_151, %parallel_loop3A_153 : vector<16xf32>
      %parallel_loop3A_155 = vector.bitcast %parallel_loop3A_154 : vector<16xf32> to vector<16xi32>
      %parallel_loop3A_156 = arith.constant 1262485504 : i32
      %parallel_loop3A_157 = vector.broadcast %parallel_loop3A_156 : i32 to vector<16xi32>
      %parallel_loop3A_158 = arith.subi %parallel_loop3A_155, %parallel_loop3A_157 : vector<16xi32>
      %parallel_loop3A_159 = arith.constant 0 : i32
      %parallel_loop3A_160 = vector.broadcast %parallel_loop3A_159 : i32 to vector<16xi32>
      %parallel_loop3A_161 = arith.maxsi %parallel_loop3A_158, %parallel_loop3A_160 : vector<16xi32>
      %parallel_loop3A_162 = arith.constant 65535 : i32
      %parallel_loop3A_163 = vector.broadcast %parallel_loop3A_162 : i32 to vector<16xi32>
      %parallel_loop3A_164 = arith.minsi %parallel_loop3A_161, %parallel_loop3A_163 : vector<16xi32>
      %parallel_loop3A_165 = tpu.vector_load_idx %arg5[%parallel_loop3A_164] : memref<65536xf32, #tpu.memory_space<vmem>>[vector<16xi32>], vector<16xf32>,
      %parallel_loop3A_166 = arith.constant 4 : i32
      %parallel_loop3A_167 = arith.index_cast %parallel_loop3A_166 : i32 to index
      %parallel_loop3A_168 = arith.index_cast %parallel_loop3A_44 : i32 to index
      %parallel_loop3A_169 = tpu.vector_load %arg6[%parallel_loop3A_167, %parallel_loop3A_168] {strides = array<i32>} : memref<8x2048xf32, #tpu.memory_space<vmem>>, vector<16xf32>,
      tpu.vector_store %arg6[%parallel_loop3A_167, %parallel_loop3A_168], %parallel_loop3A_165 {strides = array<i32>} : memref<8x2048xf32, #tpu.memory_space<vmem>>, vector<16xf32>,
      %parallel_loop3A_170 = arith.constant 5 : i32
      %parallel_loop3A_171 = arith.index_cast %parallel_loop3A_170 : i32 to index
      %parallel_loop3A_172 = arith.index_cast %parallel_loop3A_44 : i32 to index
      %parallel_loop3A_173 = tpu.vector_load %arg6[%parallel_loop3A_171, %parallel_loop3A_172] {strides = array<i32>} : memref<8x2048xf32, #tpu.memory_space<vmem>>, vector<16xf32>,
      %parallel_loop3A_174 = arith.constant 1.000000e+02 : f32
      %parallel_loop3A_175 = vector.broadcast %parallel_loop3A_174 : f32 to vector<16xf32>
      %parallel_loop3A_176 = arith.mulf %parallel_loop3A_173, %parallel_loop3A_175 : vector<16xf32>
      %parallel_loop3A_177 = arith.constant 0x4B408000 : f32
      %parallel_loop3A_178 = vector.broadcast %parallel_loop3A_177 : f32 to vector<16xf32>
      %parallel_loop3A_179 = arith.addf %parallel_loop3A_176, %parallel_loop3A_178 : vector<16xf32>
      %parallel_loop3A_180 = vector.bitcast %parallel_loop3A_179 : vector<16xf32> to vector<16xi32>
      %parallel_loop3A_181 = arith.constant 1262485504 : i32
      %parallel_loop3A_182 = vector.broadcast %parallel_loop3A_181 : i32 to vector<16xi32>
      %parallel_loop3A_183 = arith.subi %parallel_loop3A_180, %parallel_loop3A_182 : vector<16xi32>
      %parallel_loop3A_184 = arith.constant 0 : i32
      %parallel_loop3A_185 = vector.broadcast %parallel_loop3A_184 : i32 to vector<16xi32>
      %parallel_loop3A_186 = arith.maxsi %parallel_loop3A_183, %parallel_loop3A_185 : vector<16xi32>
      %parallel_loop3A_187 = arith.constant 65535 : i32
      %parallel_loop3A_188 = vector.broadcast %parallel_loop3A_187 : i32 to vector<16xi32>
      %parallel_loop3A_189 = arith.minsi %parallel_loop3A_186, %parallel_loop3A_188 : vector<16xi32>
      %parallel_loop3A_190 = tpu.vector_load_idx %arg5[%parallel_loop3A_189] : memref<65536xf32, #tpu.memory_space<vmem>>[vector<16xi32>], vector<16xf32>,
      %parallel_loop3A_191 = arith.constant 5 : i32
      %parallel_loop3A_192 = arith.index_cast %parallel_loop3A_191 : i32 to index
      %parallel_loop3A_193 = arith.index_cast %parallel_loop3A_44 : i32 to index
      %parallel_loop3A_194 = tpu.vector_load %arg6[%parallel_loop3A_192, %parallel_loop3A_193] {strides = array<i32>} : memref<8x2048xf32, #tpu.memory_space<vmem>>, vector<16xf32>,
      tpu.vector_store %arg6[%parallel_loop3A_192, %parallel_loop3A_193], %parallel_loop3A_190 {strides = array<i32>} : memref<8x2048xf32, #tpu.memory_space<vmem>>, vector<16xf32>,
      %parallel_loop3A_195 = arith.constant 6 : i32
      %parallel_loop3A_196 = arith.index_cast %parallel_loop3A_195 : i32 to index
      %parallel_loop3A_197 = arith.index_cast %parallel_loop3A_44 : i32 to index
      %parallel_loop3A_198 = tpu.vector_load %arg6[%parallel_loop3A_196, %parallel_loop3A_197] {strides = array<i32>} : memref<8x2048xf32, #tpu.memory_space<vmem>>, vector<16xf32>,
      %parallel_loop3A_199 = arith.constant 1.000000e+02 : f32
      %parallel_loop3A_200 = vector.broadcast %parallel_loop3A_199 : f32 to vector<16xf32>
      %parallel_loop3A_201 = arith.mulf %parallel_loop3A_198, %parallel_loop3A_200 : vector<16xf32>
      %parallel_loop3A_202 = arith.constant 0x4B408000 : f32
      %parallel_loop3A_203 = vector.broadcast %parallel_loop3A_202 : f32 to vector<16xf32>
      %parallel_loop3A_204 = arith.addf %parallel_loop3A_201, %parallel_loop3A_203 : vector<16xf32>
      %parallel_loop3A_205 = vector.bitcast %parallel_loop3A_204 : vector<16xf32> to vector<16xi32>
      %parallel_loop3A_206 = arith.constant 1262485504 : i32
      %parallel_loop3A_207 = vector.broadcast %parallel_loop3A_206 : i32 to vector<16xi32>
      %parallel_loop3A_208 = arith.subi %parallel_loop3A_205, %parallel_loop3A_207 : vector<16xi32>
      %parallel_loop3A_209 = arith.constant 0 : i32
      %parallel_loop3A_210 = vector.broadcast %parallel_loop3A_209 : i32 to vector<16xi32>
      %parallel_loop3A_211 = arith.maxsi %parallel_loop3A_208, %parallel_loop3A_210 : vector<16xi32>
      %parallel_loop3A_212 = arith.constant 65535 : i32
      %parallel_loop3A_213 = vector.broadcast %parallel_loop3A_212 : i32 to vector<16xi32>
      %parallel_loop3A_214 = arith.minsi %parallel_loop3A_211, %parallel_loop3A_213 : vector<16xi32>
      %parallel_loop3A_215 = tpu.vector_load_idx %arg5[%parallel_loop3A_214] : memref<65536xf32, #tpu.memory_space<vmem>>[vector<16xi32>], vector<16xf32>,
      %parallel_loop3A_216 = arith.constant 6 : i32
      %parallel_loop3A_217 = arith.index_cast %parallel_loop3A_216 : i32 to index
      %parallel_loop3A_218 = arith.index_cast %parallel_loop3A_44 : i32 to index
      %parallel_loop3A_219 = tpu.vector_load %arg6[%parallel_loop3A_217, %parallel_loop3A_218] {strides = array<i32>} : memref<8x2048xf32, #tpu.memory_space<vmem>>, vector<16xf32>,
      tpu.vector_store %arg6[%parallel_loop3A_217, %parallel_loop3A_218], %parallel_loop3A_215 {strides = array<i32>} : memref<8x2048xf32, #tpu.memory_space<vmem>>, vector<16xf32>,
      %parallel_loop3A_220 = arith.constant 7 : i32
      %parallel_loop3A_221 = arith.index_cast %parallel_loop3A_220 : i32 to index
      %parallel_loop3A_222 = arith.index_cast %parallel_loop3A_44 : i32 to index
      %parallel_loop3A_223 = tpu.vector_load %arg6[%parallel_loop3A_221, %parallel_loop3A_222] {strides = array<i32>} : memref<8x2048xf32, #tpu.memory_space<vmem>>, vector<16xf32>,
      %parallel_loop3A_224 = arith.constant 1.000000e+02 : f32
      %parallel_loop3A_225 = vector.broadcast %parallel_loop3A_224 : f32 to vector<16xf32>
      %parallel_loop3A_226 = arith.mulf %parallel_loop3A_223, %parallel_loop3A_225 : vector<16xf32>
      %parallel_loop3A_227 = arith.constant 0x4B408000 : f32
      %parallel_loop3A_228 = vector.broadcast %parallel_loop3A_227 : f32 to vector<16xf32>
      %parallel_loop3A_229 = arith.addf %parallel_loop3A_226, %parallel_loop3A_228 : vector<16xf32>
      %parallel_loop3A_230 = vector.bitcast %parallel_loop3A_229 : vector<16xf32> to vector<16xi32>
      %parallel_loop3A_231 = arith.constant 1262485504 : i32
      %parallel_loop3A_232 = vector.broadcast %parallel_loop3A_231 : i32 to vector<16xi32>
      %parallel_loop3A_233 = arith.subi %parallel_loop3A_230, %parallel_loop3A_232 : vector<16xi32>
      %parallel_loop3A_234 = arith.constant 0 : i32
      %parallel_loop3A_235 = vector.broadcast %parallel_loop3A_234 : i32 to vector<16xi32>
      %parallel_loop3A_236 = arith.maxsi %parallel_loop3A_233, %parallel_loop3A_235 : vector<16xi32>
      %parallel_loop3A_237 = arith.constant 65535 : i32
      %parallel_loop3A_238 = vector.broadcast %parallel_loop3A_237 : i32 to vector<16xi32>
      %parallel_loop3A_239 = arith.minsi %parallel_loop3A_236, %parallel_loop3A_238 : vector<16xi32>
      %parallel_loop3A_240 = tpu.vector_load_idx %arg5[%parallel_loop3A_239] : memref<65536xf32, #tpu.memory_space<vmem>>[vector<16xi32>], vector<16xf32>,
      %parallel_loop3A_241 = arith.constant 7 : i32
      %parallel_loop3A_242 = arith.index_cast %parallel_loop3A_241 : i32 to index
      %parallel_loop3A_243 = arith.index_cast %parallel_loop3A_44 : i32 to index
      %parallel_loop3A_244 = tpu.vector_load %arg6[%parallel_loop3A_242, %parallel_loop3A_243] {strides = array<i32>} : memref<8x2048xf32, #tpu.memory_space<vmem>>, vector<16xf32>,
      tpu.vector_store %arg6[%parallel_loop3A_242, %parallel_loop3A_243], %parallel_loop3A_240 {strides = array<i32>} : memref<8x2048xf32, #tpu.memory_space<vmem>>, vector<16xf32>,
    } {sc.loop_unroll_factor = 1 : i64, sc.parallel_access}
    %add3A_26 = arith.constant 504 : i32
    %add3A_27 = arith.addi %mul3A_2, %add3A_26 : i32
    %dma_start3A_28 = arith.constant 0 : i32
    %dma_start3A_29 = tpu.memref_slice %arg4[%add3A_27, %dma_start3A_28] : memref<16384x2048xf32, #tpu.memory_space<hbm>> -> memref<8x2048xf32, #tpu.memory_space<hbm>>
    %dma_start3A_30 = arith.constant 0 : i32
    %dma_start3A_31 = tpu.memref_slice %arg4[%add3A_27, %dma_start3A_30] : memref<16384x2048xf32, #tpu.memory_space<hbm>> -> memref<8x2048xf32, #tpu.memory_space<hbm>>
    tpu.enqueue_dma source(%arg6 : memref<8x2048xf32, #tpu.memory_space<vmem>>) target(%dma_start3A_31 : memref<8x2048xf32, #tpu.memory_space<hbm>>) target_semaphore(%arg12 : memref<!tpu.dma_semaphore, #tpu.memory_space<semaphore_mem>>)
    %add3A_32 = arith.constant 496 : i32
    %add3A_33 = arith.addi %mul3A_2, %add3A_32 : i32
    %dma_wait3A_34 = arith.constant 0 : i32
    %dma_wait3A_35 = tpu.memref_slice %arg4[%add3A_33, %dma_wait3A_34] : memref<16384x2048xf32, #tpu.memory_space<hbm>> -> memref<8x2048xf32, #tpu.memory_space<hbm>>
    %dma_wait3A_36 = arith.constant 0 : i32
    %dma_wait3A_37 = tpu.memref_slice %arg4[%add3A_33, %dma_wait3A_36] : memref<16384x2048xf32, #tpu.memory_space<hbm>> -> memref<8x2048xf32, #tpu.memory_space<hbm>>
    tpu.wait_dma2 semaphore(%arg14 : memref<!tpu.dma_semaphore, #tpu.memory_space<semaphore_mem>>) src(%arg8 : memref<8x2048xf32, #tpu.memory_space<vmem>>) dst(%dma_wait3A_37 : memref<8x2048xf32, #tpu.memory_space<hbm>>)
    %add3A_38 = arith.constant 504 : i32
    %add3A_39 = arith.addi %mul3A_2, %add3A_38 : i32
    %dma_wait3A_40 = arith.constant 0 : i32
    %dma_wait3A_41 = tpu.memref_slice %arg4[%add3A_39, %dma_wait3A_40] : memref<16384x2048xf32, #tpu.memory_space<hbm>> -> memref<8x2048xf32, #tpu.memory_space<hbm>>
    %dma_wait3A_42 = arith.constant 0 : i32
    %dma_wait3A_43 = tpu.memref_slice %arg4[%add3A_39, %dma_wait3A_42] : memref<16384x2048xf32, #tpu.memory_space<hbm>> -> memref<8x2048xf32, #tpu.memory_space<hbm>>
    tpu.wait_dma2 semaphore(%arg12 : memref<!tpu.dma_semaphore, #tpu.memory_space<semaphore_mem>>) src(%arg6 : memref<8x2048xf32, #tpu.memory_space<vmem>>) dst(%dma_wait3A_43 : memref<8x2048xf32, #tpu.memory_space<hbm>>)
    return
  }
}

</mosaic_0001>

<sc_bundles>
// kernel: kernel.3.cloned.1.call-start
scs
__scs_entry_jumppad:
0x0: {  	(pc) =	sbr.rel $0x88, $3  }
0x1: {  	(tag) =	ssettag $0x0;
	lr =	simm.s32 $0x1  }
0x2: {  	[smem:$0x3F9E] =	sst lr;
	_ =	strace $0xD0000000  }
0x3: {  	_ = 	snop  }
0x4: {  	_ = 	snop  }
0x5: {  	_ = 	snop  }
0x6: {  	_ = 	snop  }
0x7: {  	_ = 	snop  }
__scs_overlays_trampoline_lowered:
0x8: {  	[smem:$0x3FAD] =	sst s0  }
0x9: {  	[smem:$0x3FAE] =	sst s1  }
0xa: {  	[smem:$0x3FAF] =	sst s2  }
0xb: {  	[smem:$0x3FB0] =	sst s3  }
0xc: {  	[smem:$0x3FB1] =	sst s4  }
0xd: {  	[smem:$0x3FB2] =	sst s5  }
0xe: {  	[smem:$0x3FB3] =	sst s6  }
0xf: {  	[smem:$0x3FB4] =	sst s7  }
0x10: {  	[smem:$0x3FB5] =	sst s8  }
0x11: {  	[smem:$0x3FB6] =	sst s9;
	s0 =	simm.s32 @!p0 $0x0  }
0x12: {  	s1 =	sld [smem:$0x3F9C];
	s0 =	simm.s32 @p0 $0x1  }
0x13: {  	[smem:$0x3FB7] =	sst s0;
	s0 =	simm.s32 @!p1 $0x0  }
0x14: {  	s2 =	sld [smem:$0x3F9B];
	s0 =	simm.s32 @p1 $0x1  }
0x15: {  	[smem:$0x3FB8] =	sst s0;
	s0 =	simm.s32 @!p2 $0x0  }
0x16: {  	s3 =	sld [smem:$0x3FDB];
	s0 =	simm.s32 @p2 $0x1  }
0x17: {  	s4 =	simm.s32 $0x1BF5;
	[smem:$0x3FBA] =	sst s0  }
0x18: {  	s0 =	sld [smem:$0x3F9D];
	_ =	swait.ge [sflag:s4], $0x0  }
0x19: {  	s7 =	sld [smem:$0x3F9E]  }
0x1a: {  	s8 =	sadd.s32 $0xFFFFE003, lr  }
0x1b: {  	s9 =	sadd.s32 $0xFFFFFEF7, lr;
	s5 =	simm.s32 $0xFFFFFFFF;
	p2 =	slt.u32 s8, $0xFFFFF086  }
0x1c: {  	p1 =	slt.u32 s9, $0xF7A;
	s5 =	simm.s32 @!p2 $0x0  }
0x1d: {  	s5 =	simm.s32 @p1 $0x1;
	p0 =	seq.s32 s7, s2  }
0x1e: {  	s7 =	smul.u32 @!p0 $0xF7A, s2;
	p2 =	seq.s32 @!p0 s5, $0x0  }
0x1f: {  	s9 =	smul.u32 $0xF7A, s1;
	s8 =	simm.s32 @!p0 $0x1BF5;
	p2 =	por !p2, p0  }
0x20: {  	[sflag:s8] =	ssyncset.s32 @!p0 $0xFFFFF086;
	s6 =	sadd.s32 @!p0 s3, s7;
	s7 =	simm.s32 @!p0 $0x108  }
0x21: {  	s3 =	sadd.s32 s3, s9;
	s6 =	sadd.s32 @!p0 $0x88, s6;
	s7 =	simm.s32 @p2 $0x1082  }
0x22: {  	[simem:s7], [sflag:s8] =	dma.local @!p0 [hbm:s6], $0xF7A  }
0x23: {  	s9 =	sor.u32 $0xD0000000, s2;
	s6 =	simm.s32 $0x108;
	_ =	swait.ge @!p0 [sflag:s8], $0x0  }
0x24: {  	s3 =	sadd.s32 $0x88, s3;
	s6 =	simm.s32 @!p1 $0x1082;
	[sflag:s4] =	ssyncset.s32 $0xFFFFF086  }
0x25: {  	[simem:s6], [sflag:s4] =	dma.local [hbm:s3], $0xF7A  }
0x26: {  	[smem:$0x3F9E] =	sst s1;
	(tag) =	ssettag s2;
	_ =	strace s9  }
0x27: {  	s1 =	sld [smem:$0x3FAE]  }
0x28: {  	s2 =	sld [smem:$0x3FAF]  }
0x29: {  	s4 =	sld [smem:$0x3FB1]  }
0x2a: {  	p0 =	seq.s32 s5, $0x0;
	s5 =	sld [smem:$0x3FB2]  }
0x2b: {  	s6 =	sld [smem:$0x3FB3]  }
0x2c: {  	s7 =	sld [smem:$0x3FB4]  }
0x2d: {  	s3 =	simm.s32 $0x108;
	s8 =	sld [smem:$0x3FB5]  }
0x2e: {  	s3 =	simm.s32 @!p0 $0x1082;
	s9 =	sld [smem:$0x3FB6]  }
0x2f: {  	lr =	sadd.s32 s0, s3;
	s0 =	sld [smem:$0x3FAD]  }
0x30: {  	s3 =	sld [smem:$0x3FB0]  }
0x31: {  	[smem:$0x3FB9] =	sst s10  }
0x32: {  	s10 =	sld [smem:$0x3FB7];
	_ =	sdelay $0x3  }
0x33: {  	p0 =	seq.s32 s10, $0x1;
	s10 =	sld [smem:$0x3FB9];
	_ =	sdelay $0x3  }
0x34: {  	[smem:$0x3FB9] =	sst s10  }
0x35: {  	s10 =	sld [smem:$0x3FB8];
	_ =	sdelay $0x3  }
0x36: {  	p1 =	seq.s32 s10, $0x1;
	s10 =	sld [smem:$0x3FB9];
	_ =	sdelay $0x3  }
0x37: {  	[smem:$0x3FB9] =	sst s10  }
0x38: {  	s10 =	sld [smem:$0x3FBA]  }
0x39: {  	_ = 	snop;
	(pc) =	sbr.ind lr, $3  }
0x3a: {  	_ = 	snop  }
0x3b: {  	_ = 	snop  }
0x3c: {  	p2 =	seq.s32 s10, $0x1;
	s10 =	sld [smem:$0x3FB9]  }
0x3d: {  	_ =	shalt  }
0x3e: {  	_ =	shalt  }
0x3f: {  	_ =	shalt  }
0x40: {  	_ =	shalt  }
0x41: {  	_ =	shalt  }
0x42: {  	_ =	shalt  }
0x43: {  	_ =	shalt  }
0x44: {  	_ =	shalt  }
0x45: {  	_ =	shalt  }
0x46: {  	_ =	shalt  }
0x47: {  	_ =	shalt  }
0x48: {  	_ =	shalt  }
0x49: {  	_ =	shalt  }
0x4a: {  	_ =	shalt  }
0x4b: {  	_ =	shalt  }
0x4c: {  	_ =	shalt  }
0x4d: {  	_ =	shalt  }
0x4e: {  	_ =	shalt  }
0x4f: {  	_ =	shalt  }
0x50: {  	_ =	shalt  }
0x51: {  	_ =	shalt  }
0x52: {  	_ =	shalt  }
0x53: {  	_ =	shalt  }
0x54: {  	_ =	shalt  }
0x55: {  	_ =	shalt  }
0x56: {  	_ =	shalt  }
0x57: {  	_ =	shalt  }
0x58: {  	_ =	shalt  }
0x59: {  	_ =	shalt  }
0x5a: {  	_ =	shalt  }
0x5b: {  	_ =	shalt  }
0x5c: {  	_ =	shalt  }
0x5d: {  	_ =	shalt  }
0x5e: {  	_ =	shalt  }
0x5f: {  	_ =	shalt  }
0x60: {  	_ =	shalt  }
0x61: {  	_ =	shalt  }
0x62: {  	_ =	shalt  }
0x63: {  	_ =	shalt  }
0x64: {  	_ =	shalt  }
0x65: {  	_ =	shalt  }
0x66: {  	_ =	shalt  }
0x67: {  	_ =	shalt  }
0x68: {  	_ =	shalt  }
0x69: {  	_ =	shalt  }
0x6a: {  	_ =	shalt  }
0x6b: {  	_ =	shalt  }
0x6c: {  	_ =	shalt  }
0x6d: {  	_ =	shalt  }
0x6e: {  	_ =	shalt  }
0x6f: {  	_ =	shalt  }
0x70: {  	_ =	shalt  }
0x71: {  	_ =	shalt  }
0x72: {  	_ =	shalt  }
0x73: {  	_ =	shalt  }
0x74: {  	_ =	shalt  }
0x75: {  	_ =	shalt  }
0x76: {  	_ =	shalt  }
0x77: {  	_ =	shalt  }
0x78: {  	_ =	shalt  }
0x79: {  	_ =	shalt  }
0x7a: {  	_ =	shalt  }
0x7b: {  	_ =	shalt  }
0x7c: {  	_ =	shalt  }
0x7d: {  	_ =	shalt  }
0x7e: {  	_ =	shalt  }
0x7f: {  	_ =	shalt  }
0x80: {  	_ =	shalt  }
0x81: {  	_ =	shalt  }
0x82: {  	_ =	shalt  }
0x83: {  	_ =	shalt  }
0x84: {  	_ =	shalt  }
0x85: {  	_ =	shalt  }
0x86: {  	_ =	shalt  }
0x87: {  	_ =	shalt  }
.Lfunc_end0:
.L_simem_size_0:
called_computation_lowered:
.L_overlay_start_0:
0x88: {  	s2 =	sld [smem:$0x3FD9]  }
0x89: {  	s3 =	sld [smem:$0x3FFE];
	_ =	sdelay $0x1  }
0x8a: {  	s1 =	srdreg.scid  }
0x8b: {  	s0 =	sand.u32 $0x1, s1  }
0x8c: {  	s17 =	sshll.u32 s0, $0xA;
	s2 =	sadd.s32 s3, s2  }
0x8d: {  	s2 =	sadd.s32 s2, s17  }
0x8e: {  	[smem:$0x3FC5] =	sst s2  }
0x8f: {  	_ = 	snop  }
0x90: {  	s2 =	sld [smem:$0x3FC9]  }
0x91: {  	s18 =	sld [smem:$0x3FD0];
	(tm) =	ssettm $0x1  }
0x92: {  	s4 =	sld [smem:$0x3FFB];
	_ =	sdelay $0x3  }
0x93: {  	_ =	strace s4  }
0x94: {  	s4 =	sld [smem:$0x3FFC];
	_ =	sdelay $0x3  }
0x95: {  	_ =	strace s4  }
0x96: {  	s4 =	sld [smem:$0x3FFD];
	_ =	sdelay $0x3  }
0x97: {  	_ =	strace s4  }
0x98: {  	_ =	strace $0x8FFFFFFF  }
0x99: {  	s19 =	sld [smem:$0x3FDB];
	_ =	sdelay $0x1  }
0x9a: {  	s5 =	simm.s32 $_scs_section_size  }
0x9b: {  	s6 =	simm.s32 $_size__tile_overlayer_lowered;
	s7 =	simm.s32 $_tile_overlayer_lowered  }
0x9c: {  	s22 =	simm.s32 $0x1BFF;
	s21 =	sshll.u32 s7, $0x1;
	s4 =	sadd.s32 s5, s19  }
0x9d: {  	s8 =	simm.s32 $0x0;
	s20 =	sshll.u32 s6, $0x1;
	s6 =	sadd.s32 s21, s4  }
0x9e: {  	[timem:s8], [sflag:s22] =	dma.local [hbm:s6], s20  }
0x9f: {  	_ =	swait.ge [sflag:s22], s20  }
0xa0: {  	s5 =	ssub.s32 $0x0, s20;
	[sflag:s22] =	ssyncset.done $0x0  }
0xa1: {  	[sflag:s22] =	ssyncadd.s32 s5;
	_ =	sdelay $0x1  }
0xa2: {  	s23 =	simm.s32 $0x1B8B  }
0xa3: {  	_ =	swait.ge [sflag:s23], $0x1  }
0xa4: {  	[sflag:s23] =	ssyncset.done $0x0  }
0xa5: {  	s25 =	simm.s32 $0x1B8E;
	s24 =	sld [smem:$0x3FFE];
	[sflag:s23] =	ssyncadd.s32 $0xFFFFFFFF  }
0xa6: {  	s26 =	simm.s32 $execute0_lowered;
	[smem:$0x3FD2] =	sst s25  }
0xa7: {  	s6 =	sshll.u32 s26, $0x1;
	_ =	strace $0x80000046;
	[dreg:$0x1] =	wrdreg $0xFFFFFFFF  }
0xa8: {  	s28 =	simm.s32 $_size_execute0_lowered;
	s4 =	sadd.s32 s4, s6;
	[dreg:$0x0] =	wrdreg $0x0  }
0xa9: {  	s6 =	sshll.u32 s28, $0x1;
	[dreg:$0x2] =	wrdreg s4  }
0xaa: {  	[dreg:$0x3] =	wrdreg s6  }
0xab: {  	[dreg:$0x4] =	wrdreg $0xC0  }
0xac: {  	_ =	task [dreg:s8], $0x5FFFF  }
0xad: {  	[dreg:$0x1] =	wrdreg $0xFFFFFFFF  }
0xae: {  	[dreg:$0x0] =	wrdreg $0x60  }
0xaf: {  	[dreg:$0x2] =	wrdreg s2  }
0xb0: {  	[dreg:$0x3] =	wrdreg s24  }
0xb1: {  	[dreg:$0x4] =	wrdreg s18  }
0xb2: {  	[dreg:$0x5] =	wrdreg $0x9  }
0xb3: {  	_ =	task.clear_ibuf [dreg:s8], $0x6FFFF;
	_ =	strace $0x90000046  }
0xb4: {  	s29 =	simm.s32 $0x9;
	_ =	strace $0x80000048  }
0xb5: {  	_ =	swait.ge [sflag:s29], $0x1  }
0xb6: {  	[sflag:s29] =	ssyncadd.s32 $0xFFFFFFFF  }
0xb7: {  	_ =	strace $0x90000048  }
0xb8: {  	_ =	sfence  }
0xb9: {  	s30 =	sld [smem:$0x0];
	_ =	sdelay $0x2  }
0xba: {  	s31 =	sshll.u32 s1, $0xD;
	s1 =	sshrl.u32 s1, $0x2  }
0xbb: {  	s3 =	sand.u32 $0x4000, s31;
	s1 =	sadd.s32 s1, s30  }
0xbc: {  	s0 =	sor.u32 s3, s0;
	s1 =	sshll.u32 s1, $0x11  }
0xbd: {  	s0 =	sor.u32 s1, s0  }
0xbe: {  	s0 =	sadd.s32 $0x8F2B, s0  }
0xbf: {  	[sflag:s0] =	ssyncadd.remote.s32 $0x1  }
0xc0: {  	_ =	sfence.sel $0xFFFF  }
0xc1: {  	[dreg:$0x0] =	wrdreg $0xFFFFFFFF;
	(pc) =	sbr.abs _section_cstart, $3  }
0xc2: {  	[dreg:$0x1] =	wrdreg $0xFFFFFFFF  }
0xc3: {  	_ =	task.clear_ibuf [dreg:s8], $0x2FFFF;
	_ =	strace $0x9FFFFFFF  }
0xc4: {  	(tm) =	ssettm $0x7FFFFFFF  }
0xc5: {  	_ =	shalt  }
tec
execute0_lowered:
.L_overlay_start_1:
0x0: {  	(tag) =	ssettag $0x1  }
0x1: {  	s1 =	rddreg [dreg:$0x0]  }
0x2: {  	s0 =	rddreg [dreg:$0x1]  }
0x3: {  	s3 =	rddreg [dreg:$0x2]  }
0x4: {  	s2 =	srdreg.scid;
	s5 =	stileid.u32  }
0x5: {  	s4 =	simm.s32 $0x0;
	s16 =	simm.s32 $0x10000;
	s17 =	simm.s32 $0x14000  }
0x6: {  	s18 =	simm.s32 $0x1;
	s19 =	simm.s32 $0x18000;
	s20 =	simm.s32 $0x2  }
0x7: {  	s21 =	simm.s32 $0x4;
	s22 =	simm.s32 $0x3;
	s2 =	sand.u32 $0x1, s2  }
0x8: {  	s5 =	sshll.u32 s5, $0xA;
	[smem:$0x7FF] =	sst s4;
	s6 =	sshll.u32 s2, $0x9  }
0x9: {  	s0 =	sadd.s32 $0x400, s0;
	_ =	strace $0x80000047;
	s5 =	sor.u32 s6, s5  }
0xa: {  	s2 =	ssub.s32 $0x2, s2;
	[dreg:$0x4] =	wrdreg s0;
	s6 =	sshll.u32 s5, $0x8  }
0xb: {  	s28 =	sshrl.u32 s2, $0x1;
	s30 =	sshrl.u32 s5, $0x3;
	s7 =	sadd.s32 s1, s6  }
0xc: {  	s9 =	smov.u32 s5;
	s5 =	sor.u32 $0x2, s30;
	[dreg:$0x5] =	wrdreg s7  }
0xd: {  	s0 =	ssub.s32 s2, s28;
	s2 =	sor.u32 $0x4, s30;
	[dreg:$0x7] =	wrdreg s5  }
0xe: {  	s23 =	simm.s32 $0x5;
	s0 =	smax.u32 s0, $0x1;
	[dreg:$0x8] =	wrdreg s2  }
0xf: {  	s6 =	sadd.s32 s6, s3;
	s29 =	sadd.s32 $0x800, s7;
	[dreg:$0xa] =	wrdreg s0  }
0x10: {  	s10 =	sor.u32 $0x1, s30;
	s31 =	sadd.s32 $0x1F800, s6;
	[dreg:$0x6] =	wrdreg s29  }
0x11: {  	s11 =	sor.u32 $0x3, s30;
	s2 =	simm.s32 $0x0;
	[dreg:$0x9] =	wrdreg s31  }
.LBB2_1:
0x12: {  	[dreg:$0xb] =	wrdreg s2  }
0x13: {  	s0 =	rddreg [dreg:$0x4];
	s29 =	simm.s32 $0x7  }
0x14: {  	[tilespmem:s4], [sflag:$0x7] =	stream.linear.gather [hbm4b:s0+s4], $0x10000, $0x38;
	[tilespmem:$0x1C000] =	vst v63  }
0x15: {  	_ =	swait.ge [sflag:s29], $0x10000  }
0x16: {  	[sflag:s29] =	ssyncset.done $0x0  }
0x17: {  	s30 =	rddreg [dreg:$0x5];
	[sflag:s29] =	ssyncadd.s32 $0xFFFF0000  }
0x18: {  	[tilespmem:s16], [sflag:$0x1] =	stream.linear.gather [hbm4b:s30+s4], $0x4000, $0x38;
	[tilespmem:$0x1C000] =	vst v63  }
0x19: {  	s26 =	simm.s32 $0x0;
	s31 =	rddreg [dreg:$0x6]  }
0x1a: {  	[tilespmem:s17], [sflag:$0x2] =	stream.linear.gather [hbm4b:s31+s4], $0x4000, $0x38;
	[tilespmem:$0x1C000] =	vst v63  }
.LBB2_2:
0x1b: {  	_ =	swait.ge [sflag:s18], $0x4000;
	s28 =	simm.s32 $0x0;
	s0 =	simm.s32 $0x0  }
0x1c: {  	[sflag:s18] =	ssyncset.done $0x0;
	s0 =	sand.u32 $0x70, s0;
	s2 =	sand.u32 $0x3C00, s28  }
0x1d: {  	[sflag:s18] =	ssyncadd.s32 $0xFFFFC000;
	s7 =	sor.u32 s0, s2  }
0x1e: {  	v0 =	vld [tilespmem:s7+$0x10000];
	_ =	sdelay $0x4  }
0x1f: {  	v0 =	vmul.f32 $1.000000000e+02, v0  }
0x20: {  	v1 =	vld [tilespmem:s7+$0x10080]  }
0x21: {  	v0 =	vadd.f32 $1.261568000e+07, v0;
	_ =	sdelay $0x1  }
0x22: {  	v0 =	vadd.s32 $0xB4C00000, v0  }
0x23: {  	s13 =	simm.s32 $0x10;
	s29 =	simm.s32 $0x80;
	vm0 =	vgt.s32 v0, $0x0  }
0x24: {  	s14 =	sand.u32 $0x3C00, s29;
	s0 =	sand.u32 $0x70, s13;
	v1 =	vmul.f32 $1.000000000e+02, v1;
	v0 =	vnsel vm0, $0x0, v0  }
0x25: {  	v2 =	vld [tilespmem:s7+$0x10100];
	s30 =	sor.u32 s0, s14;
	v0 =	vmin.u32 v0, $0xFFFF  }
0x26: {  	v3 =	vld [tilespmem:s30+$0x10000];
	v1 =	vadd.f32 $1.261568000e+07, v1;
	_ =	sdelay $0x1  }
0x27: {  	v1 =	vadd.s32 $0xB4C00000, v1  }
0x28: {  	vm0 =	vgt.s32 v1, $0x0  }
0x29: {  	v2 =	vmul.f32 $1.000000000e+02, v2;
	v1 =	vnsel vm0, $0x0, v1;
	v0 =	vld.idx.msk [tilespmem:v0+s4+$0x0], $0xffff  }
0x2a: {  	v4 =	vld [tilespmem:s7+$0x10180];
	v3 =	vmul.f32 $1.000000000e+02, v3;
	v1 =	vmin.u32 v1, $0xFFFF  }
0x2b: {  	v2 =	vadd.f32 $1.261568000e+07, v2  }
0x2c: {  	v5 =	vld [tilespmem:s30+$0x10080];
	v3 =	vadd.f32 $1.261568000e+07, v3  }
0x2d: {  	v2 =	vadd.s32 $0xB4C00000, v2  }
0x2e: {  	v3 =	vadd.s32 $0xB4C00000, v3;
	vm0 =	vgt.s32 v2, $0x0;
	[tilespmem:s7+$0x10000] =	vst v0  }
0x2f: {  	v2 =	vnsel vm0, $0x0, v2;
	vm0 =	vgt.s32 v3, $0x0;
	v0 =	vmul.f32 $1.000000000e+02, v4;
	v1 =	vld.idx.msk [tilespmem:v1+s4+$0x0], $0xffff  }
0x30: {  	v2 =	vmin.u32 v2, $0xFFFF;
	v3 =	vnsel vm0, $0x0, v3;
	v4 =	vld [tilespmem:s7+$0x10200]  }
0x31: {  	s15 =	simm.s32 $0x20;
	s0 =	simm.s32 $0x100;
	v5 =	vmul.f32 $1.000000000e+02, v5;
	v3 =	vmin.u32 v3, $0xFFFF;
	v0 =	vadd.f32 $1.261568000e+07, v0  }
0x32: {  	s2 =	sand.u32 $0x70, s15;
	s6 =	sand.u32 $0x3C00, s0;
	v6 =	vld [tilespmem:s30+$0x10100]  }
0x33: {  	s2 =	sor.u32 s2, s6;
	v5 =	vadd.f32 $1.261568000e+07, v5;
	v0 =	vadd.s32 $0xB4C00000, v0  }
0x34: {  	v7 =	vld [tilespmem:s2+$0x10000];
	vm0 =	vgt.s32 v0, $0x0;
	[tilespmem:s7+$0x10080] =	vst v1  }
0x35: {  	v4 =	vmul.f32 $1.000000000e+02, v4;
	v0 =	vnsel vm0, $0x0, v0;
	v1 =	vld.idx.msk [tilespmem:v2+s4+$0x0], $0xffff;
	v2 =	vadd.s32 $0xB4C00000, v5  }
0x36: {  	v3 =	vld.idx.msk [tilespmem:v3+s4+$0x0], $0xffff;
	v0 =	vmin.u32 v0, $0xFFFF;
	vm0 =	vgt.s32 v2, $0x0  }
0x37: {  	v6 =	vmul.f32 $1.000000000e+02, v6;
	v5 =	vld [tilespmem:s7+$0x10280];
	v4 =	vadd.f32 $1.261568000e+07, v4;
	v2 =	vnsel vm0, $0x0, v2  }
0x38: {  	v8 =	vld [tilespmem:s30+$0x10180];
	v2 =	vmin.u32 v2, $0xFFFF  }
0x39: {  	v7 =	vmul.f32 $1.000000000e+02, v7;
	v6 =	vadd.f32 $1.261568000e+07, v6;
	v4 =	vadd.s32 $0xB4C00000, v4  }
0x3a: {  	v9 =	vld [tilespmem:s2+$0x10080];
	vm0 =	vgt.s32 v4, $0x0;
	[tilespmem:s7+$0x10100] =	vst v1  }
0x3b: {  	v6 =	vadd.s32 $0xB4C00000, v6;
	v4 =	vnsel vm0, $0x0, v4;
	v1 =	vadd.f32 $1.261568000e+07, v7;
	v0 =	vld.idx.msk [tilespmem:v0+s4+$0x0], $0xffff  }
0x3c: {  	v10 =	vld [tilespmem:s30+$0x10200];
	[tilespmem:s30+$0x10000] =	vst v3;
	vm0 =	vgt.s32 v6, $0x0;
	v5 =	vmul.f32 $1.000000000e+02, v5;
	v3 =	vmin.u32 v4, $0xFFFF  }
0x3d: {  	v4 =	vmul.f32 $1.000000000e+02, v8;
	v6 =	vnsel vm0, $0x0, v6;
	v1 =	vadd.s32 $0xB4C00000, v1;
	v2 =	vld.idx.msk [tilespmem:v2+s4+$0x0], $0xffff  }
0x3e: {  	s24 =	simm.s32 $0x30;
	s8 =	simm.s32 $0x180;
	v7 =	vld [tilespmem:s7+$0x10300];
	v6 =	vmin.u32 v6, $0xFFFF;
	v5 =	vadd.f32 $1.261568000e+07, v5;
	vm0 =	vgt.s32 v1, $0x0  }
0x3f: {  	s13 =	sand.u32 $0x3C00, s8;
	s6 =	sand.u32 $0x70, s24;
	v11 =	vld [tilespmem:s2+$0x10100];
	v9 =	vmul.f32 $1.000000000e+02, v9;
	v1 =	vnsel vm0, $0x0, v1  }
0x40: {  	s6 =	sor.u32 s6, s13;
	v8 =	vld [tilespmem:s30+$0x10280];
	v4 =	vadd.f32 $1.261568000e+07, v4;
	v1 =	vmin.u32 v1, $0xFFFF;
	[tilespmem:s7+$0x10180] =	vst v0;
	v0 =	vadd.s32 $0xB4C00000, v5  }
0x41: {  	v5 =	vadd.f32 $1.261568000e+07, v9;
	v9 =	vld [tilespmem:s6+$0x10000];
	vm0 =	vgt.s32 v0, $0x0  }
0x42: {  	v3 =	vld.idx.msk [tilespmem:v3+s4+$0x0], $0xffff;
	[tilespmem:s30+$0x10080] =	vst v2;
	v2 =	vadd.s32 $0xB4C00000, v4;
	v0 =	vnsel vm0, $0x0, v0  }
0x43: {  	v5 =	vadd.s32 $0xB4C00000, v5;
	v4 =	vld.idx.msk [tilespmem:v6+s4+$0x0], $0xffff;
	vm0 =	vgt.s32 v2, $0x0;
	v6 =	vmul.f32 $1.000000000e+02, v7  }
0x44: {  	v0 =	vmin.u32 v0, $0xFFFF;
	v7 =	vmul.f32 $1.000000000e+02, v10;
	v2 =	vnsel vm0, $0x0, v2  }
0x45: {  	v1 =	vld.idx.msk [tilespmem:v1+s4+$0x0], $0xffff;
	vm0 =	vgt.s32 v5, $0x0;
	v2 =	vmin.u32 v2, $0xFFFF;
	v6 =	vadd.f32 $1.261568000e+07, v6  }
0x46: {  	v11 =	vmul.f32 $1.000000000e+02, v11;
	v10 =	vld [tilespmem:s2+$0x10180];
	v5 =	vnsel vm0, $0x0, v5  }
0x47: {  	v12 =	vld [tilespmem:s6+$0x10080];
	v7 =	vadd.f32 $1.261568000e+07, v7;
	v5 =	vmin.u32 v5, $0xFFFF;
	[tilespmem:s7+$0x10200] =	vst v3;
	v3 =	vadd.s32 $0xB4C00000, v6  }
0x48: {  	v13 =	vld [tilespmem:s6+$0x10180];
	v8 =	vmul.f32 $1.000000000e+02, v8;
	v6 =	vmul.f32 $1.000000000e+02, v9;
	vm0 =	vgt.s32 v3, $0x0  }
0x49: {  	v7 =	vadd.s32 $0xB4C00000, v7;
	v0 =	vld.idx.msk [tilespmem:v0+s4+$0x0], $0xffff;
	[tilespmem:s30+$0x10100] =	vst v4;
	v4 =	vadd.f32 $1.261568000e+07, v11;
	v3 =	vnsel vm0, $0x0, v3  }
0x4a: {  	vm0 =	vgt.s32 v7, $0x0;
	[tilespmem:s2+$0x10000] =	vst v1;
	v1 =	vadd.f32 $1.261568000e+07, v6;
	v2 =	vld.idx.msk [tilespmem:v2+s4+$0x0], $0xffff;
	v3 =	vmin.u32 v3, $0xFFFF  }
0x4b: {  	v9 =	vld [tilespmem:s30+$0x10300];
	v10 =	vmul.f32 $1.000000000e+02, v10;
	v4 =	vadd.s32 $0xB4C00000, v4;
	v7 =	vnsel vm0, $0x0, v7  }
0x4c: {  	v5 =	vld.idx.msk [tilespmem:v5+s4+$0x0], $0xffff;
	vm0 =	vgt.s32 v4, $0x0;
	v7 =	vmin.u32 v7, $0xFFFF;
	v1 =	vadd.s32 $0xB4C00000, v1  }
0x4d: {  	v8 =	vadd.f32 $1.261568000e+07, v8;
	v11 =	vld [tilespmem:s2+$0x10200];
	v4 =	vnsel vm0, $0x0, v4;
	vm0 =	vgt.s32 v1, $0x0  }
0x4e: {  	v6 =	vld [tilespmem:s2+$0x10280];
	v10 =	vadd.f32 $1.261568000e+07, v10;
	v4 =	vmin.u32 v4, $0xFFFF;
	[tilespmem:s7+$0x10280] =	vst v0;
	v1 =	vnsel vm0, $0x0, v1  }
0x4f: {  	s15 =	simm.s32 $0x40;
	s24 =	simm.s32 $0x200;
	v0 =	vmul.f32 $1.000000000e+02, v12;
	v1 =	vmin.u32 v1, $0xFFFF;
	v3 =	vld.idx.msk [tilespmem:v3+s4+$0x0], $0xffff;
	[tilespmem:s30+$0x10180] =	vst v2;
	v2 =	vadd.s32 $0xB4C00000, v8  }
0x50: {  	s25 =	sand.u32 $0x70, s15;
	s14 =	sand.u32 $0x3C00, s24;
	v12 =	vld [tilespmem:s6+$0x10100];
	vm0 =	vgt.s32 v2, $0x0  }
0x51: {  	s31 =	sand.u32 $0x7, s28;
	s14 =	sor.u32 s25, s14;
	v0 =	vadd.f32 $1.261568000e+07, v0;
	v7 =	vld.idx.msk [tilespmem:v7+s4+$0x0], $0xffff;
	[tilespmem:s2+$0x10080] =	vst v5;
	v5 =	vadd.s32 $0xB4C00000, v10;
	v2 =	vnsel vm0, $0x0, v2  }
0x52: {  	s13 =	sshll.u32 s31, $0x4;
	v9 =	vmul.f32 $1.000000000e+02, v9;
	v8 =	vld [tilespmem:s14+$0x10000];
	vm0 =	vgt.s32 v5, $0x0;
	v2 =	vmin.u32 v2, $0xFFFF  }
0x53: {  	s13 =	sadd.s32 $0x0, s13;
	v10 =	vmul.f32 $1.000000000e+02, v11;
	v0 =	vadd.s32 $0xB4C00000, v0;
	v4 =	vld.idx.msk [tilespmem:v4+s4+$0x0], $0xffff;
	v5 =	vnsel vm0, $0x0, v5  }
0x54: {  	s13 =	sor.u32 $0x380, s13;
	vm0 =	vgt.s32 v0, $0x0;
	v11 =	vld.idx.msk [tilespmem:v1+s4+$0x0], $0xffff;
	v1 =	vmin.u32 v5, $0xFFFF;
	v5 =	vadd.f32 $1.261568000e+07, v9;
	[tilespmem:s7+$0x10300] =	vst v3  }
0x55: {  	v14 =	vmul.f32 $1.000000000e+02, v6;
	v10 =	vadd.f32 $1.261568000e+07, v10;
	v0 =	vnsel vm0, $0x0, v0;
	v6 =	vld [tilespmem:s13+$0x10000]  }
0x56: {  	v9 =	vld [tilespmem:s14+$0x10080];
	v3 =	vmul.f32 $1.000000000e+02, v12;
	v0 =	vmin.u32 v0, $0xFFFF;
	[tilespmem:s30+$0x10200] =	vst v7;
	v5 =	vadd.s32 $0xB4C00000, v5  }
0x57: {  	v8 =	vmul.f32 $1.000000000e+02, v8;
	v10 =	vadd.s32 $0xB4C00000, v10;
	vm0 =	vgt.s32 v5, $0x0;
	v15 =	vld.idx.msk [tilespmem:v2+s4+$0x0], $0xffff  }
0x58: {  	v7 =	vmul.f32 $1.000000000e+02, v13;
	v3 =	vadd.f32 $1.261568000e+07, v3;
	[tilespmem:s2+$0x10100] =	vst v4;
	v2 =	vld [tilespmem:s2+$0x10300];
	v5 =	vnsel vm0, $0x0, v5  }
0x59: {  	v8 =	vadd.f32 $1.261568000e+07, v8;
	vm0 =	vgt.s32 v10, $0x0;
	v4 =	vld.idx.msk [tilespmem:v1+s4+$0x0], $0xffff;
	v1 =	vmin.u32 v5, $0xFFFF  }
0x5a: {  	[tilespmem:s6+$0x10000] =	vst v11;
	v11 =	vadd.s32 $0xB4C00000, v3;
	v3 =	vld [tilespmem:s6+$0x10280];
	v5 =	vnsel vm0, $0x0, v10;
	v6 =	vmul.f32 $1.000000000e+02, v6  }
0x5b: {  	v13 =	vadd.s32 $0xB4C00000, v8;
	v8 =	vld [tilespmem:s6+$0x10200];
	vm0 =	vgt.s32 v11, $0x0;
	v5 =	vmin.u32 v5, $0xFFFF  }
0x5c: {  	v12 =	vmul.f32 $1.000000000e+02, v9;
	v9 =	vld.idx.msk [tilespmem:v0+s4+$0x0], $0xffff;
	v10 =	vnsel vm0, $0x0, v11;
	v0 =	vadd.f32 $1.261568000e+07, v6  }
0x5d: {  	s7 =	simm.s32 $0x200;
	vm0 =	vgt.s32 v13, $0x0;
	v11 =	vadd.f32 $1.261568000e+07, v14;
	v10 =	vmin.u32 v10, $0xFFFF;
	v6 =	vld [tilespmem:s14+$0x10180];
	[tilespmem:s30+$0x10280] =	vst v15  }
.LBB2_3:
0x5e: {  	s15 =	sadd.s32 $0x10, s15;
	v13 =	vnsel vm0, $0x0, v13;
	s24 =	sadd.s32 $0x80, s24;
	v7 =	vadd.f32 $1.261568000e+07, v7;
	v1 =	vld.idx.msk [tilespmem:v1+s4+$0x0], $0xffff;
	v0 =	vadd.s32 $0xB4C00000, v0  }
0x5f: {  	s25 =	sand.u32 $0x70, s15;
	s31 =	sand.u32 $0x3C00, s24;
	v13 =	vmin.u32 v13, $0xFFFF;
	v14 =	vld [tilespmem:s14+$0x10100];
	[tilespmem:s2+$0x10180] =	vst v4;
	v4 =	vadd.s32 $0xB4C00000, v11;
	vm0 =	vgt.s32 v0, $0x0  }
0x60: {  	s28 =	sadd.s32 $0x1, s28;
	p0 =	slt.u32 s15, $0x7F0;
	v11 =	vadd.f32 $1.261568000e+07, v12;
	s25 =	sor.u32 s25, s31;
	v5 =	vld.idx.msk [tilespmem:v5+s4+$0x0], $0xffff;
	vm1 =	vgt.s32 v4, $0x0;
	v0 =	vnsel vm0, $0x0, v0  }
0x61: {  	v7 =	vadd.s32 $0xB4C00000, v7;
	s31 =	sand.u32 $0x7, s28;
	v12 =	vld [tilespmem:s25+$0x10000];
	[tilespmem:s6+$0x10080] =	vst v9;
	v4 =	vnsel vm1, $0x0, v4;
	v0 =	vmin.u32 v0, $0xFFFF  }
0x62: {  	v2 =	vmul.f32 $1.000000000e+02, v2;
	vm0 =	vgt.s32 v7, $0x0;
	s31 =	sshll.u32 s31, $0x4;
	v9 =	vld.idx.msk [tilespmem:v10+s4+$0x0], $0xffff;
	v4 =	vmin.u32 v4, $0xFFFF  }
0x63: {  	v11 =	vadd.s32 $0xB4C00000, v11;
	v8 =	vmul.f32 $1.000000000e+02, v8;
	v7 =	vnsel vm0, $0x0, v7;
	s31 =	sadd.s32 s31, s29;
	s29 =	smov.u32 s0;
	s0 =	smov.u32 s8;
	v10 =	vld [tilespmem:s25+$0x10080]  }
0x64: {  	v2 =	vadd.f32 $1.261568000e+07, v2;
	vm0 =	vgt.s32 v11, $0x0;
	s8 =	smov.u32 s7;
	s7 =	smov.u32 s24;
	v15 =	vmin.u32 v7, $0xFFFF;
	s31 =	sor.u32 $0x380, s31;
	v13 =	vld.idx.msk [tilespmem:v13+s4+$0x0], $0xffff;
	[tilespmem:s30+$0x10300] =	vst v1  }
0x65: {  	v1 =	vnsel vm0, $0x0, v11;
	v11 =	vmul.f32 $1.000000000e+02, v14;
	v14 =	vmul.f32 $1.000000000e+02, v3;
	s30 =	smov.u32 s2;
	s2 =	smov.u32 s6;
	s6 =	smov.u32 s14;
	v16 =	vld [tilespmem:s31+$0x10000]  }
0x66: {  	v3 =	vadd.s32 $0xB4C00000, v2;
	s14 =	smov.u32 s25;
	v17 =	vmin.u32 v1, $0xFFFF;
	v1 =	vadd.f32 $1.261568000e+07, v8;
	[tilespmem:s30+$0x10200] =	vst v5;
	v18 =	vld.idx.msk [tilespmem:v0+s4+$0x0], $0xffff  }
0x67: {  	v7 =	vmul.f32 $1.000000000e+02, v6;
	vm0 =	vgt.s32 v3, $0x0;
	v0 =	vmul.f32 $1.000000000e+02, v12;
	v19 =	vld.idx.msk [tilespmem:v4+s4+$0x0], $0xffff  }
0x68: {  	v5 =	vadd.f32 $1.261568000e+07, v11;
	v6 =	vadd.s32 $0xB4C00000, v1;
	v1 =	vnsel vm0, $0x0, v3;
	[tilespmem:s2+$0x10100] =	vst v9;
	v2 =	vld [tilespmem:s2+$0x10300]  }
.Ltmp0:
0x69: {  	v0 =	vadd.f32 $1.261568000e+07, v0;
	vm0 =	vgt.s32 v6, $0x0;
	v1 =	vmin.u32 v1, $0xFFFF;
	v4 =	vld.idx.msk [tilespmem:v15+s4+$0x0], $0xffff;
	(pc) =	sbr.rel @p0 .LBB2_3-.Ltmp0, $4  }
0x6a: {  	v8 =	vadd.s32 $0xB4C00000, v5;
	v5 =	vnsel vm0, $0x0, v6;
	[tilespmem:s6+$0x10000] =	vst v13;
	v3 =	vld [tilespmem:s6+$0x10280];
	v6 =	vmul.f32 $1.000000000e+02, v16  }
0x6b: {  	v12 =	vmul.f32 $1.000000000e+02, v10;
	vm0 =	vgt.s32 v8, $0x0;
	v5 =	vmin.u32 v5, $0xFFFF;
	v9 =	vld.idx.msk [tilespmem:v17+s4+$0x0], $0xffff  }
0x6c: {  	v13 =	vadd.s32 $0xB4C00000, v0;
	v10 =	vnsel vm0, $0x0, v8;
	v8 =	vld [tilespmem:s6+$0x10200];
	v0 =	vadd.f32 $1.261568000e+07, v6;
	[tilespmem:s13+$0x10000] =	vst v18;
	s13 =	smov.u32 s31  }
0x6d: {  	v11 =	vadd.f32 $1.261568000e+07, v14;
	vm0 =	vgt.s32 v13, $0x0;
	v10 =	vmin.u32 v10, $0xFFFF;
	v6 =	vld [tilespmem:s14+$0x10180];
	[tilespmem:s30+$0x10280] =	vst v19  }
0x6e: {  	v13 =	vnsel vm0, $0x0, v13  }
0x6f: {  	v14 =	vld [tilespmem:s14+$0x10100];
	v13 =	vmin.u32 v13, $0xFFFF  }
0x70: {  	v12 =	vadd.f32 $1.261568000e+07, v12;
	_ =	sdelay $0x1  }
0x71: {  	v12 =	vadd.s32 $0xB4C00000, v12  }
0x72: {  	vm0 =	vgt.s32 v12, $0x0  }
0x73: {  	v12 =	vnsel vm0, $0x0, v12;
	v14 =	vmul.f32 $1.000000000e+02, v14;
	v13 =	vld.idx.msk [tilespmem:v13+s4+$0x0], $0xffff  }
0x74: {  	v12 =	vmin.u32 v12, $0xFFFF  }
0x75: {  	v14 =	vadd.f32 $1.261568000e+07, v14;
	_ =	sdelay $0x1  }
0x76: {  	v14 =	vadd.s32 $0xB4C00000, v14  }
0x77: {  	vm0 =	vgt.s32 v14, $0x0;
	[tilespmem:s14+$0x10000] =	vst v13  }
0x78: {  	v6 =	vmul.f32 $1.000000000e+02, v6;
	v13 =	vnsel vm0, $0x0, v14;
	v12 =	vld.idx.msk [tilespmem:v12+s4+$0x0], $0xffff  }
0x79: {  	v7 =	vadd.f32 $1.261568000e+07, v7;
	v14 =	vld [tilespmem:s14+$0x10200];
	v13 =	vmin.u32 v13, $0xFFFF  }
0x7a: {  	v6 =	vadd.f32 $1.261568000e+07, v6  }
0x7b: {  	v7 =	vadd.s32 $0xB4C00000, v7  }
0x7c: {  	[tilespmem:s6+$0x10080] =	vst v9;
	v6 =	vadd.s32 $0xB4C00000, v6;
	vm0 =	vgt.s32 v7, $0x0  }
0x7d: {  	v9 =	vld.idx.msk [tilespmem:v10+s4+$0x0], $0xffff;
	v8 =	vmul.f32 $1.000000000e+02, v8;
	v7 =	vnsel vm0, $0x0, v7;
	vm0 =	vgt.s32 v6, $0x0;
	[tilespmem:s14+$0x10080] =	vst v12  }
0x7e: {  	v7 =	vmin.u32 v7, $0xFFFF;
	v6 =	vnsel vm0, $0x0, v6;
	v12 =	vld.idx.msk [tilespmem:v13+s4+$0x0], $0xffff;
	v13 =	vmul.f32 $1.000000000e+02, v14  }
0x7f: {  	v10 =	vld [tilespmem:s14+$0x10280];
	v8 =	vadd.f32 $1.261568000e+07, v8;
	v6 =	vmin.u32 v6, $0xFFFF  }
0x80: {  	v13 =	vadd.f32 $1.261568000e+07, v13  }
0x81: {  	v8 =	vadd.s32 $0xB4C00000, v8  }
0x82: {  	[tilespmem:s6+$0x10100] =	vst v9;
	v9 =	vadd.s32 $0xB4C00000, v11;
	v11 =	vld [tilespmem:s6+$0x10300];
	vm0 =	vgt.s32 v8, $0x0;
	v13 =	vadd.s32 $0xB4C00000, v13  }
0x83: {  	v3 =	vmul.f32 $1.000000000e+02, v3;
	v8 =	vnsel vm0, $0x0, v8;
	v7 =	vld.idx.msk [tilespmem:v7+s4+$0x0], $0xffff;
	[tilespmem:s14+$0x10100] =	vst v12;
	vm0 =	vgt.s32 v13, $0x0  }
0x84: {  	v10 =	vmul.f32 $1.000000000e+02, v10;
	v8 =	vmin.u32 v8, $0xFFFF;
	v6 =	vld.idx.msk [tilespmem:v6+s4+$0x0], $0xffff;
	v12 =	vnsel vm0, $0x0, v13  }
0x85: {  	v2 =	vmul.f32 $1.000000000e+02, v2;
	v3 =	vadd.f32 $1.261568000e+07, v3;
	v13 =	vld [tilespmem:s14+$0x10300];
	v12 =	vmin.u32 v12, $0xFFFF  }
0x86: {  	v10 =	vadd.f32 $1.261568000e+07, v10;
	vm0 =	vgt.s32 v9, $0x0  }
0x87: {  	[tilespmem:s2+$0x10180] =	vst v4;
	v2 =	vadd.f32 $1.261568000e+07, v2;
	v3 =	vadd.s32 $0xB4C00000, v3;
	v9 =	vnsel vm0, $0x0, v9  }
0x88: {  	v5 =	vld.idx.msk [tilespmem:v5+s4+$0x0], $0xffff;
	[tilespmem:s6+$0x10180] =	vst v7;
	v7 =	vadd.s32 $0xB4C00000, v10;
	vm0 =	vgt.s32 v3, $0x0;
	v4 =	vmin.u32 v9, $0xFFFF  }
0x89: {  	v8 =	vld.idx.msk [tilespmem:v8+s4+$0x0], $0xffff;
	v3 =	vnsel vm0, $0x0, v3;
	v9 =	vmul.f32 $1.000000000e+02, v11;
	vm0 =	vgt.s32 v7, $0x0;
	[tilespmem:s14+$0x10180] =	vst v6  }
0x8a: {  	v3 =	vmin.u32 v3, $0xFFFF;
	v7 =	vnsel vm0, $0x0, v7;
	v10 =	vmul.f32 $1.000000000e+02, v13;
	v6 =	vld.idx.msk [tilespmem:v12+s4+$0x0], $0xffff  }
0x8b: {  	v9 =	vadd.f32 $1.261568000e+07, v9;
	v7 =	vmin.u32 v7, $0xFFFF  }
0x8c: {  	v2 =	vadd.s32 $0xB4C00000, v2;
	v10 =	vadd.f32 $1.261568000e+07, v10  }
0x8d: {  	[tilespmem:s2+$0x10200] =	vst v5;
	vm0 =	vgt.s32 v2, $0x0;
	v5 =	vadd.s32 $0xB4C00000, v9  }
0x8e: {  	v2 =	vnsel vm0, $0x0, v2;
	[tilespmem:s6+$0x10200] =	vst v8;
	v4 =	vld.idx.msk [tilespmem:v4+s4+$0x0], $0xffff;
	vm0 =	vgt.s32 v5, $0x0;
	v8 =	vadd.s32 $0xB4C00000, v10  }
0x8f: {  	v2 =	vmin.u32 v2, $0xFFFF;
	v3 =	vld.idx.msk [tilespmem:v3+s4+$0x0], $0xffff;
	v5 =	vnsel vm0, $0x0, v5;
	vm0 =	vgt.s32 v8, $0x0;
	[tilespmem:s14+$0x10200] =	vst v6  }
0x90: {  	v5 =	vmin.u32 v5, $0xFFFF;
	v6 =	vld.idx.msk [tilespmem:v7+s4+$0x0], $0xffff;
	v7 =	vnsel vm0, $0x0, v8  }
0x91: {  	v1 =	vld.idx.msk [tilespmem:v1+s4+$0x0], $0xffff;
	v7 =	vmin.u32 v7, $0xFFFF  }
0x92: {  	s15 =	sadd.s32 $0x1, s28  }
0x93: {  	s24 =	sand.u32 $0x7, s15;
	[tilespmem:s2+$0x10280] =	vst v4  }
0x94: {  	s24 =	sshll.u32 s24, $0x4;
	v2 =	vld.idx.msk [tilespmem:v2+s4+$0x0], $0xffff;
	[tilespmem:s6+$0x10280] =	vst v3  }
0x95: {  	s15 =	sadd.s32 $0x1, s15;
	s24 =	sadd.s32 s24, s29;
	v3 =	vld.idx.msk [tilespmem:v5+s4+$0x0], $0xffff;
	[tilespmem:s14+$0x10280] =	vst v6  }
0x96: {  	s25 =	sand.u32 $0x7, s15;
	s15 =	sadd.s32 $0x1, s15;
	s24 =	sor.u32 $0x380, s24;
	[tilespmem:s30+$0x10300] =	vst v1;
	v4 =	vld.idx.msk [tilespmem:v7+s4+$0x0], $0xffff  }
0x97: {  	s25 =	sshll.u32 s25, $0x4;
	s28 =	sand.u32 $0x7, s15;
	s15 =	sadd.s32 $0x1, s15;
	v1 =	vld [tilespmem:s24+$0x10000]  }
0x98: {  	s0 =	sadd.s32 s25, s0;
	s5 =	sshll.u32 s28, $0x4;
	s15 =	sand.u32 $0x7, s15  }
0x99: {  	s0 =	sor.u32 $0x380, s0;
	s12 =	sadd.s32 s5, s8;
	s15 =	sshll.u32 s15, $0x4;
	[tilespmem:s2+$0x10300] =	vst v2  }
0x9a: {  	s25 =	sadd.s32 s15, s7;
	s2 =	sor.u32 $0x380, s12;
	v2 =	vld [tilespmem:s0+$0x10000];
	[tilespmem:s6+$0x10300] =	vst v3  }
0x9b: {  	s6 =	sor.u32 $0x380, s25;
	v3 =	vld [tilespmem:s2+$0x10000];
	[tilespmem:s14+$0x10300] =	vst v4  }
0x9c: {  	v1 =	vmul.f32 $1.000000000e+02, v1;
	v4 =	vld [tilespmem:s6+$0x10000];
	_ =	sdelay $0x1  }
0x9d: {  	v1 =	vadd.f32 $1.261568000e+07, v1  }
0x9e: {  	v0 =	vadd.s32 $0xB4C00000, v0;
	v2 =	vmul.f32 $1.000000000e+02, v2  }
0x9f: {  	v1 =	vadd.s32 $0xB4C00000, v1;
	vm0 =	vgt.s32 v0, $0x0;
	v3 =	vmul.f32 $1.000000000e+02, v3  }
0xa0: {  	v0 =	vnsel vm0, $0x0, v0;
	v2 =	vadd.f32 $1.261568000e+07, v2;
	v4 =	vmul.f32 $1.000000000e+02, v4  }
0xa1: {  	vm0 =	vgt.s32 v1, $0x0;
	v0 =	vmin.u32 v0, $0xFFFF;
	v3 =	vadd.f32 $1.261568000e+07, v3  }
0xa2: {  	v1 =	vnsel vm0, $0x0, v1;
	v2 =	vadd.s32 $0xB4C00000, v2;
	v4 =	vadd.f32 $1.261568000e+07, v4  }
0xa3: {  	v1 =	vmin.u32 v1, $0xFFFF;
	vm0 =	vgt.s32 v2, $0x0;
	v3 =	vadd.s32 $0xB4C00000, v3  }
0xa4: {  	v2 =	vnsel vm0, $0x0, v2;
	vm0 =	vgt.s32 v3, $0x0;
	v4 =	vadd.s32 $0xB4C00000, v4  }
0xa5: {  	v2 =	vmin.u32 v2, $0xFFFF;
	v3 =	vnsel vm0, $0x0, v3;
	vm0 =	vgt.s32 v4, $0x0  }
0xa6: {  	v3 =	vmin.u32 v3, $0xFFFF;
	v4 =	vnsel vm0, $0x0, v4  }
0xa7: {  	v4 =	vmin.u32 v4, $0xFFFF  }
0xa8: {  	v0 =	vld.idx.msk [tilespmem:v0+s4+$0x0], $0xffff  }
0xa9: {  	v1 =	vld.idx.msk [tilespmem:v1+s4+$0x0], $0xffff  }
0xaa: {  	v2 =	vld.idx.msk [tilespmem:v2+s4+$0x0], $0xffff  }
0xab: {  	v3 =	vld.idx.msk [tilespmem:v3+s4+$0x0], $0xffff  }
0xac: {  	v4 =	vld.idx.msk [tilespmem:v4+s4+$0x0], $0xffff  }
0xad: {  	s5 =	smul.u32 $0x18, s26;
	[tilespmem:s13+$0x10000] =	vst v0  }
0xae: {  	[tilespmem:s24+$0x10000] =	vst v1  }
0xaf: {  	s7 =	sadd.s32 s9, s5;
	[tilespmem:s0+$0x10000] =	vst v2  }
0xb0: {  	s0 =	sshll.u32 s7, $0x8;
	[tilespmem:s2+$0x10000] =	vst v3  }
0xb1: {  	p0 =	seq.s32 s26, $0x0;
	s0 =	sadd.s32 s3, s0;
	[tilespmem:s6+$0x10000] =	vst v4  }
0xb2: {  	[hbm4b:s0+s4] =	stream.linear.scatter [tilespmem:s16], [sflag:$0x4], $0x4000, $0x38;
	[tilespmem:$0x1C000] =	vst v63  }
0xb3: {  	s0 =	simm.s32 @!p0 $0x6  }
0xb4: {  	s28 =	smul.u32 $0x3, s26;
	_ =	swait.ge @!p0 [sflag:s0], $0x4000  }
0xb5: {  	s8 =	rddreg [dreg:$0x7]  }
0xb6: {  	s2 =	sadd.s32 s28, s8  }
0xb7: {  	[sflag:s0] =	ssyncset.done @!p0 $0x0;
	s29 =	sshll.u32 s2, $0xB  }
0xb8: {  	s30 =	simm.s32 $0x0;
	[sflag:s0] =	ssyncadd.s32 @!p0 $0xFFFFC000;
	s12 =	sadd.s32 s1, s29  }
0xb9: {  	[tilespmem:s19], [sflag:$0x3] =	stream.linear.gather [hbm4b:s12+s30], $0x4000, $0x38;
	[tilespmem:$0x1C000] =	vst v63  }
0xba: {  	s13 =	simm.s32 $0x0;
	_ =	swait.ge [sflag:s20], $0x4000  }
0xbb: {  	s14 =	sand.u32 $0x3C00, s30;
	s0 =	sand.u32 $0x70, s13;
	[sflag:s20] =	ssyncset.done $0x0  }
0xbc: {  	s14 =	sor.u32 s0, s14;
	[sflag:s20] =	ssyncadd.s32 $0xFFFFC000  }
0xbd: {  	v0 =	vld [tilespmem:s14+$0x14000];
	_ =	sdelay $0x4  }
0xbe: {  	v0 =	vmul.f32 $1.000000000e+02, v0  }
0xbf: {  	v1 =	vld [tilespmem:s14+$0x14080]  }
0xc0: {  	v0 =	vadd.f32 $1.261568000e+07, v0;
	_ =	sdelay $0x1  }
0xc1: {  	v0 =	vadd.s32 $0xB4C00000, v0  }
0xc2: {  	s31 =	simm.s32 $0x80;
	s15 =	simm.s32 $0x10;
	vm0 =	vgt.s32 v0, $0x0  }
0xc3: {  	s24 =	sand.u32 $0x3C00, s31;
	s0 =	sand.u32 $0x70, s15;
	v1 =	vmul.f32 $1.000000000e+02, v1;
	v0 =	vnsel vm0, $0x0, v0  }
0xc4: {  	s0 =	sor.u32 s0, s24;
	v2 =	vld [tilespmem:s14+$0x14100];
	v0 =	vmin.u32 v0, $0xFFFF  }
0xc5: {  	v3 =	vld [tilespmem:s0+$0x14000];
	v1 =	vadd.f32 $1.261568000e+07, v1;
	_ =	sdelay $0x1  }
0xc6: {  	v1 =	vadd.s32 $0xB4C00000, v1  }
0xc7: {  	vm0 =	vgt.s32 v1, $0x0  }
0xc8: {  	v2 =	vmul.f32 $1.000000000e+02, v2;
	v1 =	vnsel vm0, $0x0, v1;
	v0 =	vld.idx.msk [tilespmem:v0+s4+$0x0], $0xffff  }
0xc9: {  	v4 =	vld [tilespmem:s14+$0x14180];
	v3 =	vmul.f32 $1.000000000e+02, v3;
	v1 =	vmin.u32 v1, $0xFFFF  }
0xca: {  	v2 =	vadd.f32 $1.261568000e+07, v2  }
0xcb: {  	v5 =	vld [tilespmem:s0+$0x14080];
	v3 =	vadd.f32 $1.261568000e+07, v3  }
0xcc: {  	v2 =	vadd.s32 $0xB4C00000, v2  }
0xcd: {  	v3 =	vadd.s32 $0xB4C00000, v3;
	vm0 =	vgt.s32 v2, $0x0;
	[tilespmem:s14+$0x14000] =	vst v0  }
0xce: {  	v2 =	vnsel vm0, $0x0, v2;
	vm0 =	vgt.s32 v3, $0x0;
	v0 =	vmul.f32 $1.000000000e+02, v4;
	v1 =	vld.idx.msk [tilespmem:v1+s4+$0x0], $0xffff  }
0xcf: {  	v2 =	vmin.u32 v2, $0xFFFF;
	v3 =	vnsel vm0, $0x0, v3;
	v4 =	vld [tilespmem:s14+$0x14200]  }
0xd0: {  	s25 =	simm.s32 $0x20;
	s2 =	simm.s32 $0x100;
	v5 =	vmul.f32 $1.000000000e+02, v5;
	v3 =	vmin.u32 v3, $0xFFFF;
	v0 =	vadd.f32 $1.261568000e+07, v0  }
0xd1: {  	s6 =	sand.u32 $0x70, s25;
	s5 =	sand.u32 $0x3C00, s2;
	v6 =	vld [tilespmem:s0+$0x14100]  }
0xd2: {  	s6 =	sor.u32 s6, s5;
	v5 =	vadd.f32 $1.261568000e+07, v5;
	v0 =	vadd.s32 $0xB4C00000, v0  }
0xd3: {  	v7 =	vld [tilespmem:s6+$0x14000];
	vm0 =	vgt.s32 v0, $0x0;
	[tilespmem:s14+$0x14080] =	vst v1  }
0xd4: {  	v4 =	vmul.f32 $1.000000000e+02, v4;
	v0 =	vnsel vm0, $0x0, v0;
	v1 =	vld.idx.msk [tilespmem:v2+s4+$0x0], $0xffff;
	v2 =	vadd.s32 $0xB4C00000, v5  }
0xd5: {  	v3 =	vld.idx.msk [tilespmem:v3+s4+$0x0], $0xffff;
	v0 =	vmin.u32 v0, $0xFFFF;
	vm0 =	vgt.s32 v2, $0x0  }
0xd6: {  	v6 =	vmul.f32 $1.000000000e+02, v6;
	v5 =	vld [tilespmem:s14+$0x14280];
	v4 =	vadd.f32 $1.261568000e+07, v4;
	v2 =	vnsel vm0, $0x0, v2  }
0xd7: {  	v8 =	vld [tilespmem:s0+$0x14180];
	v2 =	vmin.u32 v2, $0xFFFF  }
0xd8: {  	v7 =	vmul.f32 $1.000000000e+02, v7;
	v6 =	vadd.f32 $1.261568000e+07, v6;
	v4 =	vadd.s32 $0xB4C00000, v4  }
0xd9: {  	v9 =	vld [tilespmem:s6+$0x14080];
	vm0 =	vgt.s32 v4, $0x0;
	[tilespmem:s14+$0x14100] =	vst v1  }
0xda: {  	v6 =	vadd.s32 $0xB4C00000, v6;
	v4 =	vnsel vm0, $0x0, v4;
	v1 =	vadd.f32 $1.261568000e+07, v7;
	v0 =	vld.idx.msk [tilespmem:v0+s4+$0x0], $0xffff  }
0xdb: {  	v10 =	vld [tilespmem:s0+$0x14200];
	[tilespmem:s0+$0x14000] =	vst v3;
	vm0 =	vgt.s32 v6, $0x0;
	v5 =	vmul.f32 $1.000000000e+02, v5;
	v3 =	vmin.u32 v4, $0xFFFF  }
0xdc: {  	v4 =	vmul.f32 $1.000000000e+02, v8;
	v6 =	vnsel vm0, $0x0, v6;
	v1 =	vadd.s32 $0xB4C00000, v1;
	v2 =	vld.idx.msk [tilespmem:v2+s4+$0x0], $0xffff  }
0xdd: {  	s8 =	simm.s32 $0x30;
	s13 =	simm.s32 $0x180;
	v7 =	vld [tilespmem:s14+$0x14300];
	v6 =	vmin.u32 v6, $0xFFFF;
	v5 =	vadd.f32 $1.261568000e+07, v5;
	vm0 =	vgt.s32 v1, $0x0  }
0xde: {  	s7 =	sand.u32 $0x70, s8;
	s12 =	sand.u32 $0x3C00, s13;
	v11 =	vld [tilespmem:s6+$0x14100];
	v9 =	vmul.f32 $1.000000000e+02, v9;
	v1 =	vnsel vm0, $0x0, v1  }
0xdf: {  	s8 =	sor.u32 s7, s12;
	v8 =	vld [tilespmem:s0+$0x14280];
	v4 =	vadd.f32 $1.261568000e+07, v4;
	v1 =	vmin.u32 v1, $0xFFFF;
	[tilespmem:s14+$0x14180] =	vst v0;
	v0 =	vadd.s32 $0xB4C00000, v5  }
0xe0: {  	v5 =	vadd.f32 $1.261568000e+07, v9;
	v9 =	vld [tilespmem:s8+$0x14000];
	vm0 =	vgt.s32 v0, $0x0  }
0xe1: {  	v3 =	vld.idx.msk [tilespmem:v3+s4+$0x0], $0xffff;
	[tilespmem:s0+$0x14080] =	vst v2;
	v2 =	vadd.s32 $0xB4C00000, v4;
	v0 =	vnsel vm0, $0x0, v0  }
0xe2: {  	v5 =	vadd.s32 $0xB4C00000, v5;
	v4 =	vld.idx.msk [tilespmem:v6+s4+$0x0], $0xffff;
	vm0 =	vgt.s32 v2, $0x0;
	v6 =	vmul.f32 $1.000000000e+02, v7  }
0xe3: {  	v0 =	vmin.u32 v0, $0xFFFF;
	v7 =	vmul.f32 $1.000000000e+02, v10;
	v2 =	vnsel vm0, $0x0, v2  }
0xe4: {  	v1 =	vld.idx.msk [tilespmem:v1+s4+$0x0], $0xffff;
	vm0 =	vgt.s32 v5, $0x0;
	v2 =	vmin.u32 v2, $0xFFFF;
	v6 =	vadd.f32 $1.261568000e+07, v6  }
0xe5: {  	v11 =	vmul.f32 $1.000000000e+02, v11;
	v10 =	vld [tilespmem:s6+$0x14180];
	v5 =	vnsel vm0, $0x0, v5  }
0xe6: {  	v12 =	vld [tilespmem:s8+$0x14080];
	v7 =	vadd.f32 $1.261568000e+07, v7;
	v5 =	vmin.u32 v5, $0xFFFF;
	[tilespmem:s14+$0x14200] =	vst v3;
	v3 =	vadd.s32 $0xB4C00000, v6  }
0xe7: {  	v13 =	vld [tilespmem:s8+$0x14180];
	v8 =	vmul.f32 $1.000000000e+02, v8;
	v6 =	vmul.f32 $1.000000000e+02, v9;
	vm0 =	vgt.s32 v3, $0x0  }
0xe8: {  	v7 =	vadd.s32 $0xB4C00000, v7;
	v0 =	vld.idx.msk [tilespmem:v0+s4+$0x0], $0xffff;
	[tilespmem:s0+$0x14100] =	vst v4;
	v4 =	vadd.f32 $1.261568000e+07, v11;
	v3 =	vnsel vm0, $0x0, v3  }
0xe9: {  	vm0 =	vgt.s32 v7, $0x0;
	[tilespmem:s6+$0x14000] =	vst v1;
	v1 =	vadd.f32 $1.261568000e+07, v6;
	v2 =	vld.idx.msk [tilespmem:v2+s4+$0x0], $0xffff;
	v3 =	vmin.u32 v3, $0xFFFF  }
0xea: {  	v9 =	vld [tilespmem:s0+$0x14300];
	v10 =	vmul.f32 $1.000000000e+02, v10;
	v4 =	vadd.s32 $0xB4C00000, v4;
	v7 =	vnsel vm0, $0x0, v7  }
0xeb: {  	v5 =	vld.idx.msk [tilespmem:v5+s4+$0x0], $0xffff;
	vm0 =	vgt.s32 v4, $0x0;
	v7 =	vmin.u32 v7, $0xFFFF;
	v1 =	vadd.s32 $0xB4C00000, v1  }
0xec: {  	v8 =	vadd.f32 $1.261568000e+07, v8;
	v11 =	vld [tilespmem:s6+$0x14200];
	v4 =	vnsel vm0, $0x0, v4;
	vm0 =	vgt.s32 v1, $0x0  }
0xed: {  	v6 =	vld [tilespmem:s6+$0x14280];
	v10 =	vadd.f32 $1.261568000e+07, v10;
	v4 =	vmin.u32 v4, $0xFFFF;
	[tilespmem:s14+$0x14280] =	vst v0;
	v1 =	vnsel vm0, $0x0, v1  }
0xee: {  	s25 =	simm.s32 $0x200;
	s24 =	simm.s32 $0x40;
	v0 =	vmul.f32 $1.000000000e+02, v12;
	v1 =	vmin.u32 v1, $0xFFFF;
	v3 =	vld.idx.msk [tilespmem:v3+s4+$0x0], $0xffff;
	[tilespmem:s0+$0x14180] =	vst v2;
	v2 =	vadd.s32 $0xB4C00000, v8  }
0xef: {  	s15 =	sand.u32 $0x70, s24;
	s5 =	sand.u32 $0x3C00, s25;
	v12 =	vld [tilespmem:s8+$0x14100];
	vm0 =	vgt.s32 v2, $0x0  }
0xf0: {  	s7 =	sor.u32 s15, s5;
	s12 =	sand.u32 $0x7, s30;
	v0 =	vadd.f32 $1.261568000e+07, v0;
	v7 =	vld.idx.msk [tilespmem:v7+s4+$0x0], $0xffff;
	[tilespmem:s6+$0x14080] =	vst v5;
	v5 =	vadd.s32 $0xB4C00000, v10;
	v2 =	vnsel vm0, $0x0, v2  }
0xf1: {  	s15 =	sshll.u32 s12, $0x4;
	v9 =	vmul.f32 $1.000000000e+02, v9;
	v8 =	vld [tilespmem:s7+$0x14000];
	vm0 =	vgt.s32 v5, $0x0;
	v2 =	vmin.u32 v2, $0xFFFF  }
0xf2: {  	s15 =	sadd.s32 $0x0, s15;
	v10 =	vmul.f32 $1.000000000e+02, v11;
	v0 =	vadd.s32 $0xB4C00000, v0;
	v4 =	vld.idx.msk [tilespmem:v4+s4+$0x0], $0xffff;
	v5 =	vnsel vm0, $0x0, v5  }
0xf3: {  	vm0 =	vgt.s32 v0, $0x0;
	v11 =	vld.idx.msk [tilespmem:v1+s4+$0x0], $0xffff;
	v1 =	vmin.u32 v5, $0xFFFF;
	v5 =	vadd.f32 $1.261568000e+07, v9;
	[tilespmem:s14+$0x14300] =	vst v3;
	s14 =	sor.u32 $0x380, s15  }
0xf4: {  	v14 =	vmul.f32 $1.000000000e+02, v6;
	v10 =	vadd.f32 $1.261568000e+07, v10;
	v0 =	vnsel vm0, $0x0, v0;
	v6 =	vld [tilespmem:s14+$0x14000]  }
0xf5: {  	v9 =	vld [tilespmem:s7+$0x14080];
	v3 =	vmul.f32 $1.000000000e+02, v12;
	v0 =	vmin.u32 v0, $0xFFFF;
	[tilespmem:s0+$0x14200] =	vst v7;
	v5 =	vadd.s32 $0xB4C00000, v5  }
0xf6: {  	v8 =	vmul.f32 $1.000000000e+02, v8;
	v10 =	vadd.s32 $0xB4C00000, v10;
	vm0 =	vgt.s32 v5, $0x0;
	v15 =	vld.idx.msk [tilespmem:v2+s4+$0x0], $0xffff  }
0xf7: {  	v7 =	vmul.f32 $1.000000000e+02, v13;
	v3 =	vadd.f32 $1.261568000e+07, v3;
	[tilespmem:s6+$0x14100] =	vst v4;
	v2 =	vld [tilespmem:s6+$0x14300];
	v5 =	vnsel vm0, $0x0, v5  }
0xf8: {  	v8 =	vadd.f32 $1.261568000e+07, v8;
	vm0 =	vgt.s32 v10, $0x0;
	v4 =	vld.idx.msk [tilespmem:v1+s4+$0x0], $0xffff;
	v1 =	vmin.u32 v5, $0xFFFF  }
0xf9: {  	[tilespmem:s8+$0x14000] =	vst v11;
	v11 =	vadd.s32 $0xB4C00000, v3;
	v3 =	vld [tilespmem:s8+$0x14280];
	v5 =	vnsel vm0, $0x0, v10;
	v6 =	vmul.f32 $1.000000000e+02, v6  }
0xfa: {  	v13 =	vadd.s32 $0xB4C00000, v8;
	v8 =	vld [tilespmem:s8+$0x14200];
	vm0 =	vgt.s32 v11, $0x0;
	v5 =	vmin.u32 v5, $0xFFFF  }
0xfb: {  	v12 =	vmul.f32 $1.000000000e+02, v9;
	v9 =	vld.idx.msk [tilespmem:v0+s4+$0x0], $0xffff;
	v10 =	vnsel vm0, $0x0, v11;
	v0 =	vadd.f32 $1.261568000e+07, v6  }
0xfc: {  	s15 =	simm.s32 $0x200;
	vm0 =	vgt.s32 v13, $0x0;
	v11 =	vadd.f32 $1.261568000e+07, v14;
	v10 =	vmin.u32 v10, $0xFFFF;
	v6 =	vld [tilespmem:s7+$0x14180];
	[tilespmem:s0+$0x14280] =	vst v15  }
.LBB2_5:
0xfd: {  	s24 =	sadd.s32 $0x10, s24;
	v13 =	vnsel vm0, $0x0, v13;
	s25 =	sadd.s32 $0x80, s25;
	v7 =	vadd.f32 $1.261568000e+07, v7;
	v1 =	vld.idx.msk [tilespmem:v1+s4+$0x0], $0xffff;
	v0 =	vadd.s32 $0xB4C00000, v0  }
0xfe: {  	s12 =	sand.u32 $0x70, s24;
	s5 =	sand.u32 $0x3C00, s25;
	v13 =	vmin.u32 v13, $0xFFFF;
	v14 =	vld [tilespmem:s7+$0x14100];
	[tilespmem:s6+$0x14180] =	vst v4;
	v4 =	vadd.s32 $0xB4C00000, v11;
	vm0 =	vgt.s32 v0, $0x0  }
0xff: {  	s30 =	sadd.s32 $0x1, s30;
	p0 =	slt.u32 s24, $0x7F0;
	v11 =	vadd.f32 $1.261568000e+07, v12;
	s5 =	sor.u32 s12, s5;
	v5 =	vld.idx.msk [tilespmem:v5+s4+$0x0], $0xffff;
	vm1 =	vgt.s32 v4, $0x0;
	v0 =	vnsel vm0, $0x0, v0  }
0x100: {  	v7 =	vadd.s32 $0xB4C00000, v7;
	s12 =	sand.u32 $0x7, s30;
	v12 =	vld [tilespmem:s5+$0x14000];
	[tilespmem:s8+$0x14080] =	vst v9;
	v4 =	vnsel vm1, $0x0, v4;
	v0 =	vmin.u32 v0, $0xFFFF  }
0x101: {  	v2 =	vmul.f32 $1.000000000e+02, v2;
	vm0 =	vgt.s32 v7, $0x0;
	s12 =	sshll.u32 s12, $0x4;
	v9 =	vld.idx.msk [tilespmem:v10+s4+$0x0], $0xffff;
	v4 =	vmin.u32 v4, $0xFFFF  }
0x102: {  	v11 =	vadd.s32 $0xB4C00000, v11;
	v8 =	vmul.f32 $1.000000000e+02, v8;
	v7 =	vnsel vm0, $0x0, v7;
	s12 =	sadd.s32 s12, s31;
	s31 =	smov.u32 s2;
	s2 =	smov.u32 s13;
	v10 =	vld [tilespmem:s5+$0x14080]  }
0x103: {  	v2 =	vadd.f32 $1.261568000e+07, v2;
	vm0 =	vgt.s32 v11, $0x0;
	s13 =	smov.u32 s15;
	s15 =	smov.u32 s25;
	v15 =	vmin.u32 v7, $0xFFFF;
	s12 =	sor.u32 $0x380, s12;
	v13 =	vld.idx.msk [tilespmem:v13+s4+$0x0], $0xffff;
	[tilespmem:s0+$0x14300] =	vst v1  }
0x104: {  	v1 =	vnsel vm0, $0x0, v11;
	v11 =	vmul.f32 $1.000000000e+02, v14;
	v14 =	vmul.f32 $1.000000000e+02, v3;
	s0 =	smov.u32 s6;
	s6 =	smov.u32 s8;
	s8 =	smov.u32 s7;
	v16 =	vld [tilespmem:s12+$0x14000]  }
0x105: {  	v3 =	vadd.s32 $0xB4C00000, v2;
	s7 =	smov.u32 s5;
	v17 =	vmin.u32 v1, $0xFFFF;
	v1 =	vadd.f32 $1.261568000e+07, v8;
	[tilespmem:s0+$0x14200] =	vst v5;
	v18 =	vld.idx.msk [tilespmem:v0+s4+$0x0], $0xffff  }
0x106: {  	v7 =	vmul.f32 $1.000000000e+02, v6;
	vm0 =	vgt.s32 v3, $0x0;
	v0 =	vmul.f32 $1.000000000e+02, v12;
	v19 =	vld.idx.msk [tilespmem:v4+s4+$0x0], $0xffff  }
0x107: {  	v5 =	vadd.f32 $1.261568000e+07, v11;
	v6 =	vadd.s32 $0xB4C00000, v1;
	v1 =	vnsel vm0, $0x0, v3;
	[tilespmem:s6+$0x14100] =	vst v9;
	v2 =	vld [tilespmem:s6+$0x14300]  }
.Ltmp1:
0x108: {  	v0 =	vadd.f32 $1.261568000e+07, v0;
	vm0 =	vgt.s32 v6, $0x0;
	v1 =	vmin.u32 v1, $0xFFFF;
	v4 =	vld.idx.msk [tilespmem:v15+s4+$0x0], $0xffff;
	(pc) =	sbr.rel @p0 .LBB2_5-.Ltmp1, $4  }
0x109: {  	v8 =	vadd.s32 $0xB4C00000, v5;
	v5 =	vnsel vm0, $0x0, v6;
	[tilespmem:s8+$0x14000] =	vst v13;
	v3 =	vld [tilespmem:s8+$0x14280];
	v6 =	vmul.f32 $1.000000000e+02, v16  }
0x10a: {  	v12 =	vmul.f32 $1.000000000e+02, v10;
	vm0 =	vgt.s32 v8, $0x0;
	v5 =	vmin.u32 v5, $0xFFFF;
	v9 =	vld.idx.msk [tilespmem:v17+s4+$0x0], $0xffff  }
0x10b: {  	v13 =	vadd.s32 $0xB4C00000, v0;
	v10 =	vnsel vm0, $0x0, v8;
	v8 =	vld [tilespmem:s8+$0x14200];
	v0 =	vadd.f32 $1.261568000e+07, v6;
	[tilespmem:s14+$0x14000] =	vst v18;
	s14 =	smov.u32 s12  }
0x10c: {  	v11 =	vadd.f32 $1.261568000e+07, v14;
	vm0 =	vgt.s32 v13, $0x0;
	v10 =	vmin.u32 v10, $0xFFFF;
	v6 =	vld [tilespmem:s7+$0x14180];
	[tilespmem:s0+$0x14280] =	vst v19  }
0x10d: {  	v13 =	vnsel vm0, $0x0, v13  }
0x10e: {  	v14 =	vld [tilespmem:s7+$0x14100];
	v13 =	vmin.u32 v13, $0xFFFF  }
0x10f: {  	v12 =	vadd.f32 $1.261568000e+07, v12;
	_ =	sdelay $0x1  }
0x110: {  	v12 =	vadd.s32 $0xB4C00000, v12  }
0x111: {  	vm0 =	vgt.s32 v12, $0x0  }
0x112: {  	v12 =	vnsel vm0, $0x0, v12;
	v14 =	vmul.f32 $1.000000000e+02, v14;
	v13 =	vld.idx.msk [tilespmem:v13+s4+$0x0], $0xffff  }
0x113: {  	v12 =	vmin.u32 v12, $0xFFFF  }
0x114: {  	v14 =	vadd.f32 $1.261568000e+07, v14;
	_ =	sdelay $0x1  }
0x115: {  	v14 =	vadd.s32 $0xB4C00000, v14  }
0x116: {  	vm0 =	vgt.s32 v14, $0x0;
	[tilespmem:s7+$0x14000] =	vst v13  }
0x117: {  	v6 =	vmul.f32 $1.000000000e+02, v6;
	v13 =	vnsel vm0, $0x0, v14;
	v12 =	vld.idx.msk [tilespmem:v12+s4+$0x0], $0xffff  }
0x118: {  	v7 =	vadd.f32 $1.261568000e+07, v7;
	v14 =	vld [tilespmem:s7+$0x14200];
	v13 =	vmin.u32 v13, $0xFFFF  }
0x119: {  	v6 =	vadd.f32 $1.261568000e+07, v6  }
0x11a: {  	v7 =	vadd.s32 $0xB4C00000, v7  }
0x11b: {  	[tilespmem:s8+$0x14080] =	vst v9;
	v6 =	vadd.s32 $0xB4C00000, v6;
	vm0 =	vgt.s32 v7, $0x0  }
0x11c: {  	v9 =	vld.idx.msk [tilespmem:v10+s4+$0x0], $0xffff;
	v8 =	vmul.f32 $1.000000000e+02, v8;
	v7 =	vnsel vm0, $0x0, v7;
	vm0 =	vgt.s32 v6, $0x0;
	[tilespmem:s7+$0x14080] =	vst v12  }
0x11d: {  	v7 =	vmin.u32 v7, $0xFFFF;
	v6 =	vnsel vm0, $0x0, v6;
	v12 =	vld.idx.msk [tilespmem:v13+s4+$0x0], $0xffff;
	v13 =	vmul.f32 $1.000000000e+02, v14  }
0x11e: {  	v10 =	vld [tilespmem:s7+$0x14280];
	v8 =	vadd.f32 $1.261568000e+07, v8;
	v6 =	vmin.u32 v6, $0xFFFF  }
0x11f: {  	v13 =	vadd.f32 $1.261568000e+07, v13  }
0x120: {  	v8 =	vadd.s32 $0xB4C00000, v8  }
0x121: {  	[tilespmem:s8+$0x14100] =	vst v9;
	v9 =	vadd.s32 $0xB4C00000, v11;
	v11 =	vld [tilespmem:s8+$0x14300];
	vm0 =	vgt.s32 v8, $0x0;
	v13 =	vadd.s32 $0xB4C00000, v13  }
0x122: {  	v3 =	vmul.f32 $1.000000000e+02, v3;
	v8 =	vnsel vm0, $0x0, v8;
	v7 =	vld.idx.msk [tilespmem:v7+s4+$0x0], $0xffff;
	[tilespmem:s7+$0x14100] =	vst v12;
	vm0 =	vgt.s32 v13, $0x0  }
0x123: {  	v10 =	vmul.f32 $1.000000000e+02, v10;
	v8 =	vmin.u32 v8, $0xFFFF;
	v6 =	vld.idx.msk [tilespmem:v6+s4+$0x0], $0xffff;
	v12 =	vnsel vm0, $0x0, v13  }
0x124: {  	v2 =	vmul.f32 $1.000000000e+02, v2;
	v3 =	vadd.f32 $1.261568000e+07, v3;
	v13 =	vld [tilespmem:s7+$0x14300];
	v12 =	vmin.u32 v12, $0xFFFF  }
0x125: {  	v10 =	vadd.f32 $1.261568000e+07, v10;
	vm0 =	vgt.s32 v9, $0x0  }
0x126: {  	[tilespmem:s6+$0x14180] =	vst v4;
	v2 =	vadd.f32 $1.261568000e+07, v2;
	v3 =	vadd.s32 $0xB4C00000, v3;
	v9 =	vnsel vm0, $0x0, v9  }
0x127: {  	v5 =	vld.idx.msk [tilespmem:v5+s4+$0x0], $0xffff;
	[tilespmem:s8+$0x14180] =	vst v7;
	v7 =	vadd.s32 $0xB4C00000, v10;
	vm0 =	vgt.s32 v3, $0x0;
	v4 =	vmin.u32 v9, $0xFFFF  }
0x128: {  	v8 =	vld.idx.msk [tilespmem:v8+s4+$0x0], $0xffff;
	v3 =	vnsel vm0, $0x0, v3;
	v9 =	vmul.f32 $1.000000000e+02, v11;
	vm0 =	vgt.s32 v7, $0x0;
	[tilespmem:s7+$0x14180] =	vst v6  }
0x129: {  	v3 =	vmin.u32 v3, $0xFFFF;
	v7 =	vnsel vm0, $0x0, v7;
	v10 =	vmul.f32 $1.000000000e+02, v13;
	v6 =	vld.idx.msk [tilespmem:v12+s4+$0x0], $0xffff  }
0x12a: {  	v9 =	vadd.f32 $1.261568000e+07, v9;
	v7 =	vmin.u32 v7, $0xFFFF  }
0x12b: {  	v2 =	vadd.s32 $0xB4C00000, v2;
	v10 =	vadd.f32 $1.261568000e+07, v10  }
0x12c: {  	[tilespmem:s6+$0x14200] =	vst v5;
	vm0 =	vgt.s32 v2, $0x0;
	v5 =	vadd.s32 $0xB4C00000, v9  }
0x12d: {  	v2 =	vnsel vm0, $0x0, v2;
	[tilespmem:s8+$0x14200] =	vst v8;
	v4 =	vld.idx.msk [tilespmem:v4+s4+$0x0], $0xffff;
	vm0 =	vgt.s32 v5, $0x0;
	v8 =	vadd.s32 $0xB4C00000, v10  }
0x12e: {  	v2 =	vmin.u32 v2, $0xFFFF;
	v3 =	vld.idx.msk [tilespmem:v3+s4+$0x0], $0xffff;
	v5 =	vnsel vm0, $0x0, v5;
	vm0 =	vgt.s32 v8, $0x0;
	[tilespmem:s7+$0x14200] =	vst v6  }
0x12f: {  	v5 =	vmin.u32 v5, $0xFFFF;
	v6 =	vld.idx.msk [tilespmem:v7+s4+$0x0], $0xffff;
	v7 =	vnsel vm0, $0x0, v8  }
0x130: {  	v1 =	vld.idx.msk [tilespmem:v1+s4+$0x0], $0xffff;
	v7 =	vmin.u32 v7, $0xFFFF  }
0x131: {  	s5 =	sadd.s32 $0x1, s30  }
0x132: {  	s12 =	sand.u32 $0x7, s5;
	[tilespmem:s6+$0x14280] =	vst v4  }
0x133: {  	s12 =	sshll.u32 s12, $0x4;
	v2 =	vld.idx.msk [tilespmem:v2+s4+$0x0], $0xffff;
	[tilespmem:s8+$0x14280] =	vst v3  }
0x134: {  	s5 =	sadd.s32 $0x1, s5;
	s12 =	sadd.s32 s12, s31;
	v3 =	vld.idx.msk [tilespmem:v5+s4+$0x0], $0xffff;
	[tilespmem:s7+$0x14280] =	vst v6  }
0x135: {  	s24 =	sand.u32 $0x7, s5;
	s5 =	sadd.s32 $0x1, s5;
	s12 =	sor.u32 $0x380, s12;
	[tilespmem:s0+$0x14300] =	vst v1;
	v4 =	vld.idx.msk [tilespmem:v7+s4+$0x0], $0xffff  }
0x136: {  	s24 =	sshll.u32 s24, $0x4;
	s25 =	sand.u32 $0x7, s5;
	s5 =	sadd.s32 $0x1, s5;
	v1 =	vld [tilespmem:s12+$0x14000]  }
0x137: {  	s5 =	sand.u32 $0x7, s5;
	s0 =	sadd.s32 s24, s2;
	s24 =	sshll.u32 s25, $0x4  }
0x138: {  	s5 =	sshll.u32 s5, $0x4;
	s0 =	sor.u32 $0x380, s0;
	s2 =	sadd.s32 s24, s13;
	[tilespmem:s6+$0x14300] =	vst v2  }
0x139: {  	s5 =	sadd.s32 s5, s15;
	s2 =	sor.u32 $0x380, s2;
	v2 =	vld [tilespmem:s0+$0x14000];
	[tilespmem:s8+$0x14300] =	vst v3  }
0x13a: {  	s5 =	sor.u32 $0x380, s5;
	v3 =	vld [tilespmem:s2+$0x14000];
	[tilespmem:s7+$0x14300] =	vst v4  }
0x13b: {  	v1 =	vmul.f32 $1.000000000e+02, v1;
	v4 =	vld [tilespmem:s5+$0x14000];
	_ =	sdelay $0x1  }
0x13c: {  	v1 =	vadd.f32 $1.261568000e+07, v1  }
0x13d: {  	v0 =	vadd.s32 $0xB4C00000, v0;
	v2 =	vmul.f32 $1.000000000e+02, v2  }
0x13e: {  	v1 =	vadd.s32 $0xB4C00000, v1;
	vm0 =	vgt.s32 v0, $0x0;
	v3 =	vmul.f32 $1.000000000e+02, v3  }
0x13f: {  	v0 =	vnsel vm0, $0x0, v0;
	v2 =	vadd.f32 $1.261568000e+07, v2;
	v4 =	vmul.f32 $1.000000000e+02, v4  }
0x140: {  	vm0 =	vgt.s32 v1, $0x0;
	v0 =	vmin.u32 v0, $0xFFFF;
	v3 =	vadd.f32 $1.261568000e+07, v3  }
0x141: {  	v1 =	vnsel vm0, $0x0, v1;
	v2 =	vadd.s32 $0xB4C00000, v2;
	v4 =	vadd.f32 $1.261568000e+07, v4  }
0x142: {  	v1 =	vmin.u32 v1, $0xFFFF;
	vm0 =	vgt.s32 v2, $0x0;
	v3 =	vadd.s32 $0xB4C00000, v3  }
0x143: {  	v2 =	vnsel vm0, $0x0, v2;
	vm0 =	vgt.s32 v3, $0x0;
	v4 =	vadd.s32 $0xB4C00000, v4  }
0x144: {  	v2 =	vmin.u32 v2, $0xFFFF;
	v3 =	vnsel vm0, $0x0, v3;
	vm0 =	vgt.s32 v4, $0x0  }
0x145: {  	v3 =	vmin.u32 v3, $0xFFFF;
	v4 =	vnsel vm0, $0x0, v4  }
0x146: {  	v4 =	vmin.u32 v4, $0xFFFF  }
0x147: {  	v0 =	vld.idx.msk [tilespmem:v0+s4+$0x0], $0xffff  }
0x148: {  	v1 =	vld.idx.msk [tilespmem:v1+s4+$0x0], $0xffff  }
0x149: {  	v2 =	vld.idx.msk [tilespmem:v2+s4+$0x0], $0xffff  }
0x14a: {  	v3 =	vld.idx.msk [tilespmem:v3+s4+$0x0], $0xffff  }
0x14b: {  	v4 =	vld.idx.msk [tilespmem:v4+s4+$0x0], $0xffff  }
0x14c: {  	[tilespmem:s14+$0x14000] =	vst v0  }
0x14d: {  	[tilespmem:s12+$0x14000] =	vst v1  }
0x14e: {  	s25 =	sadd.s32 s28, s10;
	[tilespmem:s0+$0x14000] =	vst v2  }
0x14f: {  	s0 =	sshll.u32 s25, $0xB;
	[tilespmem:s2+$0x14000] =	vst v3  }
0x150: {  	s30 =	simm.s32 $0x0;
	s0 =	sadd.s32 s3, s0;
	[tilespmem:s5+$0x14000] =	vst v4  }
0x151: {  	[hbm4b:s0+s30] =	stream.linear.scatter [tilespmem:s17], [sflag:$0x5], $0x4000, $0x38;
	[tilespmem:$0x1C000] =	vst v63  }
0x152: {  	s5 =	sadd.s32 s28, s11;
	_ =	swait.ge [sflag:s21], $0x4000  }
0x153: {  	s0 =	sshll.u32 s5, $0xB;
	[sflag:s21] =	ssyncset.done $0x0  }
0x154: {  	s0 =	sadd.s32 s1, s0;
	[sflag:s21] =	ssyncadd.s32 $0xFFFFC000  }
0x155: {  	[tilespmem:s16], [sflag:$0x1] =	stream.linear.gather [hbm4b:s0+s30], $0x4000, $0x38;
	[tilespmem:$0x1C000] =	vst v63  }
0x156: {  	s6 =	simm.s32 $0x0;
	_ =	swait.ge [sflag:s22], $0x4000  }
0x157: {  	s7 =	sand.u32 $0x3C00, s30;
	s0 =	sand.u32 $0x70, s6;
	[sflag:s22] =	ssyncset.done $0x0  }
0x158: {  	s14 =	sor.u32 s0, s7;
	[sflag:s22] =	ssyncadd.s32 $0xFFFFC000  }
0x159: {  	v0 =	vld [tilespmem:s14+$0x18000];
	_ =	sdelay $0x4  }
0x15a: {  	v0 =	vmul.f32 $1.000000000e+02, v0  }
0x15b: {  	v1 =	vld [tilespmem:s14+$0x18080]  }
0x15c: {  	v0 =	vadd.f32 $1.261568000e+07, v0;
	_ =	sdelay $0x1  }
0x15d: {  	v0 =	vadd.s32 $0xB4C00000, v0  }
0x15e: {  	s31 =	simm.s32 $0x80;
	s8 =	simm.s32 $0x10;
	vm0 =	vgt.s32 v0, $0x0  }
0x15f: {  	s12 =	sand.u32 $0x3C00, s31;
	s0 =	sand.u32 $0x70, s8;
	v1 =	vmul.f32 $1.000000000e+02, v1;
	v0 =	vnsel vm0, $0x0, v0  }
0x160: {  	s0 =	sor.u32 s0, s12;
	v2 =	vld [tilespmem:s14+$0x18100];
	v0 =	vmin.u32 v0, $0xFFFF  }
0x161: {  	v3 =	vld [tilespmem:s0+$0x18000];
	v1 =	vadd.f32 $1.261568000e+07, v1;
	_ =	sdelay $0x1  }
0x162: {  	v1 =	vadd.s32 $0xB4C00000, v1  }
0x163: {  	vm0 =	vgt.s32 v1, $0x0  }
0x164: {  	v2 =	vmul.f32 $1.000000000e+02, v2;
	v1 =	vnsel vm0, $0x0, v1;
	v0 =	vld.idx.msk [tilespmem:v0+s4+$0x0], $0xffff  }
0x165: {  	v4 =	vld [tilespmem:s14+$0x18180];
	v3 =	vmul.f32 $1.000000000e+02, v3;
	v1 =	vmin.u32 v1, $0xFFFF  }
0x166: {  	v2 =	vadd.f32 $1.261568000e+07, v2  }
0x167: {  	v5 =	vld [tilespmem:s0+$0x18080];
	v3 =	vadd.f32 $1.261568000e+07, v3  }
0x168: {  	v2 =	vadd.s32 $0xB4C00000, v2  }
0x169: {  	v3 =	vadd.s32 $0xB4C00000, v3;
	vm0 =	vgt.s32 v2, $0x0;
	[tilespmem:s14+$0x18000] =	vst v0  }
0x16a: {  	v2 =	vnsel vm0, $0x0, v2;
	vm0 =	vgt.s32 v3, $0x0;
	v0 =	vmul.f32 $1.000000000e+02, v4;
	v1 =	vld.idx.msk [tilespmem:v1+s4+$0x0], $0xffff  }
0x16b: {  	v2 =	vmin.u32 v2, $0xFFFF;
	v3 =	vnsel vm0, $0x0, v3;
	v4 =	vld [tilespmem:s14+$0x18200]  }
0x16c: {  	s13 =	simm.s32 $0x20;
	s2 =	simm.s32 $0x100;
	v5 =	vmul.f32 $1.000000000e+02, v5;
	v3 =	vmin.u32 v3, $0xFFFF;
	v0 =	vadd.f32 $1.261568000e+07, v0  }
0x16d: {  	s15 =	sand.u32 $0x3C00, s2;
	s5 =	sand.u32 $0x70, s13;
	v6 =	vld [tilespmem:s0+$0x18100]  }
0x16e: {  	s6 =	sor.u32 s5, s15;
	v5 =	vadd.f32 $1.261568000e+07, v5;
	v0 =	vadd.s32 $0xB4C00000, v0  }
0x16f: {  	v7 =	vld [tilespmem:s6+$0x18000];
	vm0 =	vgt.s32 v0, $0x0;
	[tilespmem:s14+$0x18080] =	vst v1  }
0x170: {  	v4 =	vmul.f32 $1.000000000e+02, v4;
	v0 =	vnsel vm0, $0x0, v0;
	v1 =	vld.idx.msk [tilespmem:v2+s4+$0x0], $0xffff;
	v2 =	vadd.s32 $0xB4C00000, v5  }
0x171: {  	v3 =	vld.idx.msk [tilespmem:v3+s4+$0x0], $0xffff;
	v0 =	vmin.u32 v0, $0xFFFF;
	vm0 =	vgt.s32 v2, $0x0  }
0x172: {  	v6 =	vmul.f32 $1.000000000e+02, v6;
	v5 =	vld [tilespmem:s14+$0x18280];
	v4 =	vadd.f32 $1.261568000e+07, v4;
	v2 =	vnsel vm0, $0x0, v2  }
0x173: {  	v8 =	vld [tilespmem:s0+$0x18180];
	v2 =	vmin.u32 v2, $0xFFFF  }
0x174: {  	v7 =	vmul.f32 $1.000000000e+02, v7;
	v6 =	vadd.f32 $1.261568000e+07, v6;
	v4 =	vadd.s32 $0xB4C00000, v4  }
0x175: {  	v9 =	vld [tilespmem:s6+$0x18080];
	vm0 =	vgt.s32 v4, $0x0;
	[tilespmem:s14+$0x18100] =	vst v1  }
0x176: {  	v6 =	vadd.s32 $0xB4C00000, v6;
	v4 =	vnsel vm0, $0x0, v4;
	v1 =	vadd.f32 $1.261568000e+07, v7;
	v0 =	vld.idx.msk [tilespmem:v0+s4+$0x0], $0xffff  }
0x177: {  	v10 =	vld [tilespmem:s0+$0x18200];
	[tilespmem:s0+$0x18000] =	vst v3;
	vm0 =	vgt.s32 v6, $0x0;
	v5 =	vmul.f32 $1.000000000e+02, v5;
	v3 =	vmin.u32 v4, $0xFFFF  }
0x178: {  	v4 =	vmul.f32 $1.000000000e+02, v8;
	v6 =	vnsel vm0, $0x0, v6;
	v1 =	vadd.s32 $0xB4C00000, v1;
	v2 =	vld.idx.msk [tilespmem:v2+s4+$0x0], $0xffff  }
0x179: {  	s24 =	simm.s32 $0x30;
	s13 =	simm.s32 $0x180;
	v7 =	vld [tilespmem:s14+$0x18300];
	v6 =	vmin.u32 v6, $0xFFFF;
	v5 =	vadd.f32 $1.261568000e+07, v5;
	vm0 =	vgt.s32 v1, $0x0  }
0x17a: {  	s25 =	sand.u32 $0x3C00, s13;
	s5 =	sand.u32 $0x70, s24;
	v11 =	vld [tilespmem:s6+$0x18100];
	v9 =	vmul.f32 $1.000000000e+02, v9;
	v1 =	vnsel vm0, $0x0, v1  }
0x17b: {  	s8 =	sor.u32 s5, s25;
	v8 =	vld [tilespmem:s0+$0x18280];
	v4 =	vadd.f32 $1.261568000e+07, v4;
	v1 =	vmin.u32 v1, $0xFFFF;
	[tilespmem:s14+$0x18180] =	vst v0;
	v0 =	vadd.s32 $0xB4C00000, v5  }
0x17c: {  	v5 =	vadd.f32 $1.261568000e+07, v9;
	v9 =	vld [tilespmem:s8+$0x18000];
	vm0 =	vgt.s32 v0, $0x0  }
0x17d: {  	v3 =	vld.idx.msk [tilespmem:v3+s4+$0x0], $0xffff;
	[tilespmem:s0+$0x18080] =	vst v2;
	v2 =	vadd.s32 $0xB4C00000, v4;
	v0 =	vnsel vm0, $0x0, v0  }
0x17e: {  	v5 =	vadd.s32 $0xB4C00000, v5;
	v4 =	vld.idx.msk [tilespmem:v6+s4+$0x0], $0xffff;
	vm0 =	vgt.s32 v2, $0x0;
	v6 =	vmul.f32 $1.000000000e+02, v7  }
0x17f: {  	v0 =	vmin.u32 v0, $0xFFFF;
	v7 =	vmul.f32 $1.000000000e+02, v10;
	v2 =	vnsel vm0, $0x0, v2  }
0x180: {  	v1 =	vld.idx.msk [tilespmem:v1+s4+$0x0], $0xffff;
	vm0 =	vgt.s32 v5, $0x0;
	v2 =	vmin.u32 v2, $0xFFFF;
	v6 =	vadd.f32 $1.261568000e+07, v6  }
0x181: {  	v11 =	vmul.f32 $1.000000000e+02, v11;
	v10 =	vld [tilespmem:s6+$0x18180];
	v5 =	vnsel vm0, $0x0, v5  }
0x182: {  	v12 =	vld [tilespmem:s8+$0x18080];
	v7 =	vadd.f32 $1.261568000e+07, v7;
	v5 =	vmin.u32 v5, $0xFFFF;
	[tilespmem:s14+$0x18200] =	vst v3;
	v3 =	vadd.s32 $0xB4C00000, v6  }
0x183: {  	v13 =	vld [tilespmem:s8+$0x18180];
	v8 =	vmul.f32 $1.000000000e+02, v8;
	v6 =	vmul.f32 $1.000000000e+02, v9;
	vm0 =	vgt.s32 v3, $0x0  }
0x184: {  	v7 =	vadd.s32 $0xB4C00000, v7;
	v0 =	vld.idx.msk [tilespmem:v0+s4+$0x0], $0xffff;
	[tilespmem:s0+$0x18100] =	vst v4;
	v4 =	vadd.f32 $1.261568000e+07, v11;
	v3 =	vnsel vm0, $0x0, v3  }
0x185: {  	vm0 =	vgt.s32 v7, $0x0;
	[tilespmem:s6+$0x18000] =	vst v1;
	v1 =	vadd.f32 $1.261568000e+07, v6;
	v2 =	vld.idx.msk [tilespmem:v2+s4+$0x0], $0xffff;
	v3 =	vmin.u32 v3, $0xFFFF  }
0x186: {  	v9 =	vld [tilespmem:s0+$0x18300];
	v10 =	vmul.f32 $1.000000000e+02, v10;
	v4 =	vadd.s32 $0xB4C00000, v4;
	v7 =	vnsel vm0, $0x0, v7  }
0x187: {  	v5 =	vld.idx.msk [tilespmem:v5+s4+$0x0], $0xffff;
	vm0 =	vgt.s32 v4, $0x0;
	v7 =	vmin.u32 v7, $0xFFFF;
	v1 =	vadd.s32 $0xB4C00000, v1  }
0x188: {  	v8 =	vadd.f32 $1.261568000e+07, v8;
	v11 =	vld [tilespmem:s6+$0x18200];
	v4 =	vnsel vm0, $0x0, v4;
	vm0 =	vgt.s32 v1, $0x0  }
0x189: {  	v6 =	vld [tilespmem:s6+$0x18280];
	v10 =	vadd.f32 $1.261568000e+07, v10;
	v4 =	vmin.u32 v4, $0xFFFF;
	[tilespmem:s14+$0x18280] =	vst v0;
	v1 =	vnsel vm0, $0x0, v1  }
0x18a: {  	s24 =	simm.s32 $0x40;
	s25 =	simm.s32 $0x200;
	v0 =	vmul.f32 $1.000000000e+02, v12;
	v1 =	vmin.u32 v1, $0xFFFF;
	v3 =	vld.idx.msk [tilespmem:v3+s4+$0x0], $0xffff;
	[tilespmem:s0+$0x18180] =	vst v2;
	v2 =	vadd.s32 $0xB4C00000, v8  }
0x18b: {  	s7 =	sand.u32 $0x70, s24;
	s12 =	sand.u32 $0x3C00, s25;
	v12 =	vld [tilespmem:s8+$0x18100];
	vm0 =	vgt.s32 v2, $0x0  }
0x18c: {  	s15 =	sand.u32 $0x7, s30;
	s7 =	sor.u32 s7, s12;
	v0 =	vadd.f32 $1.261568000e+07, v0;
	v7 =	vld.idx.msk [tilespmem:v7+s4+$0x0], $0xffff;
	[tilespmem:s6+$0x18080] =	vst v5;
	v5 =	vadd.s32 $0xB4C00000, v10;
	v2 =	vnsel vm0, $0x0, v2  }
0x18d: {  	s5 =	sshll.u32 s15, $0x4;
	v9 =	vmul.f32 $1.000000000e+02, v9;
	v8 =	vld [tilespmem:s7+$0x18000];
	vm0 =	vgt.s32 v5, $0x0;
	v2 =	vmin.u32 v2, $0xFFFF  }
0x18e: {  	s5 =	sadd.s32 $0x0, s5;
	v10 =	vmul.f32 $1.000000000e+02, v11;
	v0 =	vadd.s32 $0xB4C00000, v0;
	v4 =	vld.idx.msk [tilespmem:v4+s4+$0x0], $0xffff;
	v5 =	vnsel vm0, $0x0, v5  }
0x18f: {  	vm0 =	vgt.s32 v0, $0x0;
	v11 =	vld.idx.msk [tilespmem:v1+s4+$0x0], $0xffff;
	v1 =	vmin.u32 v5, $0xFFFF;
	v5 =	vadd.f32 $1.261568000e+07, v9;
	[tilespmem:s14+$0x18300] =	vst v3;
	s14 =	sor.u32 $0x380, s5  }
0x190: {  	v14 =	vmul.f32 $1.000000000e+02, v6;
	v10 =	vadd.f32 $1.261568000e+07, v10;
	v0 =	vnsel vm0, $0x0, v0;
	v6 =	vld [tilespmem:s14+$0x18000]  }
0x191: {  	v9 =	vld [tilespmem:s7+$0x18080];
	v3 =	vmul.f32 $1.000000000e+02, v12;
	v0 =	vmin.u32 v0, $0xFFFF;
	[tilespmem:s0+$0x18200] =	vst v7;
	v5 =	vadd.s32 $0xB4C00000, v5  }
0x192: {  	v8 =	vmul.f32 $1.000000000e+02, v8;
	v10 =	vadd.s32 $0xB4C00000, v10;
	vm0 =	vgt.s32 v5, $0x0;
	v15 =	vld.idx.msk [tilespmem:v2+s4+$0x0], $0xffff  }
0x193: {  	v7 =	vmul.f32 $1.000000000e+02, v13;
	v3 =	vadd.f32 $1.261568000e+07, v3;
	[tilespmem:s6+$0x18100] =	vst v4;
	v2 =	vld [tilespmem:s6+$0x18300];
	v5 =	vnsel vm0, $0x0, v5  }
0x194: {  	v8 =	vadd.f32 $1.261568000e+07, v8;
	vm0 =	vgt.s32 v10, $0x0;
	v4 =	vld.idx.msk [tilespmem:v1+s4+$0x0], $0xffff;
	v1 =	vmin.u32 v5, $0xFFFF  }
0x195: {  	[tilespmem:s8+$0x18000] =	vst v11;
	v11 =	vadd.s32 $0xB4C00000, v3;
	v3 =	vld [tilespmem:s8+$0x18280];
	v5 =	vnsel vm0, $0x0, v10;
	v6 =	vmul.f32 $1.000000000e+02, v6  }
0x196: {  	v13 =	vadd.s32 $0xB4C00000, v8;
	v8 =	vld [tilespmem:s8+$0x18200];
	vm0 =	vgt.s32 v11, $0x0;
	v5 =	vmin.u32 v5, $0xFFFF  }
0x197: {  	v12 =	vmul.f32 $1.000000000e+02, v9;
	v9 =	vld.idx.msk [tilespmem:v0+s4+$0x0], $0xffff;
	v10 =	vnsel vm0, $0x0, v11;
	v0 =	vadd.f32 $1.261568000e+07, v6  }
0x198: {  	s15 =	simm.s32 $0x200;
	vm0 =	vgt.s32 v13, $0x0;
	v11 =	vadd.f32 $1.261568000e+07, v14;
	v10 =	vmin.u32 v10, $0xFFFF;
	v6 =	vld [tilespmem:s7+$0x18180];
	[tilespmem:s0+$0x18280] =	vst v15  }
.LBB2_7:
0x199: {  	s24 =	sadd.s32 $0x10, s24;
	v13 =	vnsel vm0, $0x0, v13;
	s25 =	sadd.s32 $0x80, s25;
	v7 =	vadd.f32 $1.261568000e+07, v7;
	v1 =	vld.idx.msk [tilespmem:v1+s4+$0x0], $0xffff;
	v0 =	vadd.s32 $0xB4C00000, v0  }
0x19a: {  	s5 =	sand.u32 $0x70, s24;
	s12 =	sand.u32 $0x3C00, s25;
	v13 =	vmin.u32 v13, $0xFFFF;
	v14 =	vld [tilespmem:s7+$0x18100];
	[tilespmem:s6+$0x18180] =	vst v4;
	v4 =	vadd.s32 $0xB4C00000, v11;
	vm0 =	vgt.s32 v0, $0x0  }
0x19b: {  	s30 =	sadd.s32 $0x1, s30;
	p0 =	slt.u32 s24, $0x7F0;
	v11 =	vadd.f32 $1.261568000e+07, v12;
	s5 =	sor.u32 s5, s12;
	v5 =	vld.idx.msk [tilespmem:v5+s4+$0x0], $0xffff;
	vm1 =	vgt.s32 v4, $0x0;
	v0 =	vnsel vm0, $0x0, v0  }
0x19c: {  	v7 =	vadd.s32 $0xB4C00000, v7;
	s12 =	sand.u32 $0x7, s30;
	v12 =	vld [tilespmem:s5+$0x18000];
	[tilespmem:s8+$0x18080] =	vst v9;
	v4 =	vnsel vm1, $0x0, v4;
	v0 =	vmin.u32 v0, $0xFFFF  }
0x19d: {  	v2 =	vmul.f32 $1.000000000e+02, v2;
	vm0 =	vgt.s32 v7, $0x0;
	s12 =	sshll.u32 s12, $0x4;
	v9 =	vld.idx.msk [tilespmem:v10+s4+$0x0], $0xffff;
	v4 =	vmin.u32 v4, $0xFFFF  }
0x19e: {  	v11 =	vadd.s32 $0xB4C00000, v11;
	v8 =	vmul.f32 $1.000000000e+02, v8;
	v7 =	vnsel vm0, $0x0, v7;
	s12 =	sadd.s32 s12, s31;
	s31 =	smov.u32 s2;
	s2 =	smov.u32 s13;
	v10 =	vld [tilespmem:s5+$0x18080]  }
0x19f: {  	v2 =	vadd.f32 $1.261568000e+07, v2;
	vm0 =	vgt.s32 v11, $0x0;
	s13 =	smov.u32 s15;
	s15 =	smov.u32 s25;
	v15 =	vmin.u32 v7, $0xFFFF;
	s12 =	sor.u32 $0x380, s12;
	v13 =	vld.idx.msk [tilespmem:v13+s4+$0x0], $0xffff;
	[tilespmem:s0+$0x18300] =	vst v1  }
0x1a0: {  	v1 =	vnsel vm0, $0x0, v11;
	v11 =	vmul.f32 $1.000000000e+02, v14;
	v14 =	vmul.f32 $1.000000000e+02, v3;
	s0 =	smov.u32 s6;
	s6 =	smov.u32 s8;
	s8 =	smov.u32 s7;
	v16 =	vld [tilespmem:s12+$0x18000]  }
0x1a1: {  	v3 =	vadd.s32 $0xB4C00000, v2;
	s7 =	smov.u32 s5;
	v17 =	vmin.u32 v1, $0xFFFF;
	v1 =	vadd.f32 $1.261568000e+07, v8;
	[tilespmem:s0+$0x18200] =	vst v5;
	v18 =	vld.idx.msk [tilespmem:v0+s4+$0x0], $0xffff  }
0x1a2: {  	v7 =	vmul.f32 $1.000000000e+02, v6;
	vm0 =	vgt.s32 v3, $0x0;
	v0 =	vmul.f32 $1.000000000e+02, v12;
	v19 =	vld.idx.msk [tilespmem:v4+s4+$0x0], $0xffff  }
0x1a3: {  	v5 =	vadd.f32 $1.261568000e+07, v11;
	v6 =	vadd.s32 $0xB4C00000, v1;
	v1 =	vnsel vm0, $0x0, v3;
	[tilespmem:s6+$0x18100] =	vst v9;
	v2 =	vld [tilespmem:s6+$0x18300]  }
.Ltmp2:
0x1a4: {  	v0 =	vadd.f32 $1.261568000e+07, v0;
	vm0 =	vgt.s32 v6, $0x0;
	v1 =	vmin.u32 v1, $0xFFFF;
	v4 =	vld.idx.msk [tilespmem:v15+s4+$0x0], $0xffff;
	(pc) =	sbr.rel @p0 .LBB2_7-.Ltmp2, $4  }
0x1a5: {  	v8 =	vadd.s32 $0xB4C00000, v5;
	v5 =	vnsel vm0, $0x0, v6;
	[tilespmem:s8+$0x18000] =	vst v13;
	v3 =	vld [tilespmem:s8+$0x18280];
	v6 =	vmul.f32 $1.000000000e+02, v16  }
0x1a6: {  	v12 =	vmul.f32 $1.000000000e+02, v10;
	vm0 =	vgt.s32 v8, $0x0;
	v5 =	vmin.u32 v5, $0xFFFF;
	v9 =	vld.idx.msk [tilespmem:v17+s4+$0x0], $0xffff  }
0x1a7: {  	v13 =	vadd.s32 $0xB4C00000, v0;
	v10 =	vnsel vm0, $0x0, v8;
	v8 =	vld [tilespmem:s8+$0x18200];
	v0 =	vadd.f32 $1.261568000e+07, v6;
	[tilespmem:s14+$0x18000] =	vst v18;
	s14 =	smov.u32 s12  }
0x1a8: {  	v11 =	vadd.f32 $1.261568000e+07, v14;
	vm0 =	vgt.s32 v13, $0x0;
	v10 =	vmin.u32 v10, $0xFFFF;
	v6 =	vld [tilespmem:s7+$0x18180];
	[tilespmem:s0+$0x18280] =	vst v19  }
0x1a9: {  	v13 =	vnsel vm0, $0x0, v13  }
0x1aa: {  	v14 =	vld [tilespmem:s7+$0x18100];
	v13 =	vmin.u32 v13, $0xFFFF  }
0x1ab: {  	v12 =	vadd.f32 $1.261568000e+07, v12;
	_ =	sdelay $0x1  }
0x1ac: {  	v12 =	vadd.s32 $0xB4C00000, v12  }
0x1ad: {  	vm11 =	vgt.s32 v12, $0x0  }
0x1ae: {  	v12 =	vnsel vm11, $0x0, v12;
	v14 =	vmul.f32 $1.000000000e+02, v14;
	v13 =	vld.idx.msk [tilespmem:v13+s4+$0x0], $0xffff  }
0x1af: {  	v12 =	vmin.u32 v12, $0xFFFF  }
0x1b0: {  	v14 =	vadd.f32 $1.261568000e+07, v14;
	_ =	sdelay $0x1  }
0x1b1: {  	v14 =	vadd.s32 $0xB4C00000, v14  }
0x1b2: {  	vm12 =	vgt.s32 v14, $0x0;
	[tilespmem:s7+$0x18000] =	vst v13  }
0x1b3: {  	v6 =	vmul.f32 $1.000000000e+02, v6;
	v48 =	vnsel vm12, $0x0, v14;
	v12 =	vld.idx.msk [tilespmem:v12+s4+$0x0], $0xffff  }
0x1b4: {  	v7 =	vadd.f32 $1.261568000e+07, v7;
	v49 =	vld [tilespmem:s7+$0x18200];
	v13 =	vmin.u32 v48, $0xFFFF  }
0x1b5: {  	v6 =	vadd.f32 $1.261568000e+07, v6  }
0x1b6: {  	v7 =	vadd.s32 $0xB4C00000, v7  }
0x1b7: {  	[tilespmem:s8+$0x18080] =	vst v9;
	vm13 =	vgt.s32 v7, $0x0;
	v6 =	vadd.s32 $0xB4C00000, v6  }
0x1b8: {  	v9 =	vld.idx.msk [tilespmem:v10+s4+$0x0], $0xffff;
	v8 =	vmul.f32 $1.000000000e+02, v8;
	v7 =	vnsel vm13, $0x0, v7;
	vm14 =	vgt.s32 v6, $0x0;
	[tilespmem:s7+$0x18080] =	vst v12  }
0x1b9: {  	v7 =	vmin.u32 v7, $0xFFFF;
	v51 =	vmul.f32 $1.000000000e+02, v49;
	v6 =	vnsel vm14, $0x0, v6;
	v12 =	vld.idx.msk [tilespmem:v13+s4+$0x0], $0xffff  }
0x1ba: {  	v50 =	vld [tilespmem:s7+$0x18280];
	v8 =	vadd.f32 $1.261568000e+07, v8;
	v6 =	vmin.u32 v6, $0xFFFF  }
0x1bb: {  	v13 =	vadd.f32 $1.261568000e+07, v51  }
0x1bc: {  	v8 =	vadd.s32 $0xB4C00000, v8  }
0x1bd: {  	v53 =	vld [tilespmem:s8+$0x18300];
	v2 =	vmul.f32 $1.000000000e+02, v2;
	[tilespmem:s8+$0x18100] =	vst v9;
	vm15 =	vgt.s32 v8, $0x0;
	v13 =	vadd.s32 $0xB4C00000, v13  }
0x1be: {  	v3 =	vmul.f32 $1.000000000e+02, v3;
	v8 =	vnsel vm15, $0x0, v8;
	v7 =	vld.idx.msk [tilespmem:v7+s4+$0x0], $0xffff;
	vm4 =	vgt.s32 v13, $0x0;
	[tilespmem:s7+$0x18100] =	vst v12  }
0x1bf: {  	v10 =	vmul.f32 $1.000000000e+02, v50;
	v8 =	vmin.u32 v8, $0xFFFF;
	v54 =	vnsel vm4, $0x0, v13;
	v6 =	vld.idx.msk [tilespmem:v6+s4+$0x0], $0xffff  }
0x1c0: {  	v55 =	vld [tilespmem:s7+$0x18300];
	v52 =	vadd.s32 $0xB4C00000, v11;
	v3 =	vadd.f32 $1.261568000e+07, v3;
	v12 =	vmin.u32 v54, $0xFFFF  }
0x1c1: {  	vm5 =	vgt.s32 v52, $0x0;
	v10 =	vadd.f32 $1.261568000e+07, v10  }
0x1c2: {  	[tilespmem:s6+$0x18180] =	vst v4;
	v2 =	vadd.f32 $1.261568000e+07, v2;
	v3 =	vadd.s32 $0xB4C00000, v3;
	v58 =	vmul.f32 $1.000000000e+02, v53  }
0x1c3: {  	v5 =	vld.idx.msk [tilespmem:v5+s4+$0x0], $0xffff;
	vm6 =	vgt.s32 v3, $0x0;
	v9 =	vnsel vm5, $0x0, v52;
	v57 =	vadd.s32 $0xB4C00000, v10;
	[tilespmem:s8+$0x18180] =	vst v7  }
0x1c4: {  	v3 =	vnsel vm6, $0x0, v3;
	v56 =	vmin.u32 v9, $0xFFFF;
	vm7 =	vgt.s32 v57, $0x0;
	v8 =	vld.idx.msk [tilespmem:v8+s4+$0x0], $0xffff;
	[tilespmem:s7+$0x18180] =	vst v6  }
0x1c5: {  	v59 =	vmul.f32 $1.000000000e+02, v55;
	v3 =	vmin.u32 v3, $0xFFFF;
	v7 =	vnsel vm7, $0x0, v57;
	v6 =	vld.idx.msk [tilespmem:v12+s4+$0x0], $0xffff  }
0x1c6: {  	v9 =	vadd.f32 $1.261568000e+07, v58;
	v7 =	vmin.u32 v7, $0xFFFF  }
0x1c7: {  	v2 =	vadd.s32 $0xB4C00000, v2;
	v10 =	vadd.f32 $1.261568000e+07, v59  }
0x1c8: {  	vm8 =	vgt.s32 v2, $0x0;
	[tilespmem:s6+$0x18200] =	vst v5;
	v60 =	vadd.s32 $0xB4C00000, v9  }
0x1c9: {  	v2 =	vnsel vm8, $0x0, v2;
	v61 =	vadd.s32 $0xB4C00000, v10;
	vm9 =	vgt.s32 v60, $0x0;
	v4 =	vld.idx.msk [tilespmem:v56+s4+$0x0], $0xffff;
	[tilespmem:s8+$0x18200] =	vst v8  }
0x1ca: {  	v2 =	vmin.u32 v2, $0xFFFF;
	vm10 =	vgt.s32 v61, $0x0;
	v5 =	vnsel vm9, $0x0, v60;
	v3 =	vld.idx.msk [tilespmem:v3+s4+$0x0], $0xffff;
	[tilespmem:s7+$0x18200] =	vst v6  }
0x1cb: {  	v62 =	vnsel vm10, $0x0, v61;
	v5 =	vmin.u32 v5, $0xFFFF;
	v6 =	vld.idx.msk [tilespmem:v7+s4+$0x0], $0xffff  }
0x1cc: {  	v7 =	vmin.u32 v62, $0xFFFF  }
0x1cd: {  	v1 =	vld.idx.msk [tilespmem:v1+s4+$0x0], $0xffff  }
0x1ce: {  	s5 =	sadd.s32 $0x1, s30;
	[tilespmem:s6+$0x18280] =	vst v4  }
0x1cf: {  	s12 =	sand.u32 $0x7, s5;
	s5 =	sadd.s32 $0x1, s5;
	v2 =	vld.idx.msk [tilespmem:v2+s4+$0x0], $0xffff;
	[tilespmem:s8+$0x18280] =	vst v3  }
0x1d0: {  	s12 =	sshll.u32 s12, $0x4;
	s24 =	sand.u32 $0x7, s5;
	v3 =	vld.idx.msk [tilespmem:v5+s4+$0x0], $0xffff;
	[tilespmem:s7+$0x18280] =	vst v6  }
0x1d1: {  	s5 =	sadd.s32 $0x1, s5;
	s12 =	sadd.s32 s12, s31;
	s24 =	sshll.u32 s24, $0x4;
	v63 =	vld.idx.msk [tilespmem:v7+s4+$0x0], $0xffff  }
0x1d2: {  	s25 =	sand.u32 $0x7, s5;
	s5 =	sadd.s32 $0x1, s5;
	s12 =	sor.u32 $0x380, s12;
	[tilespmem:s0+$0x18300] =	vst v1  }
0x1d3: {  	s30 =	sshll.u32 s25, $0x4;
	s5 =	sand.u32 $0x7, s5;
	s0 =	sadd.s32 s24, s2;
	v1 =	vld [tilespmem:s12+$0x18000]  }
0x1d4: {  	s2 =	sadd.s32 s30, s13;
	s5 =	sshll.u32 s5, $0x4;
	s0 =	sor.u32 $0x380, s0;
	[tilespmem:s6+$0x18300] =	vst v2  }
0x1d5: {  	s2 =	sor.u32 $0x380, s2;
	s5 =	sadd.s32 s5, s15;
	v2 =	vld [tilespmem:s0+$0x18000];
	[tilespmem:s8+$0x18300] =	vst v3  }
0x1d6: {  	s5 =	sor.u32 $0x380, s5;
	v3 =	vld [tilespmem:s2+$0x18000];
	[tilespmem:s7+$0x18300] =	vst v63  }
0x1d7: {  	v4 =	vld [tilespmem:s5+$0x18000]  }
0x1d8: {  	v1 =	vmul.f32 $1.000000000e+02, v1  }
0x1d9: {  	v0 =	vadd.s32 $0xB4C00000, v0  }
0x1da: {  	vm11 =	vgt.s32 v0, $0x0;
	v1 =	vadd.f32 $1.261568000e+07, v1;
	v2 =	vmul.f32 $1.000000000e+02, v2  }
0x1db: {  	v0 =	vnsel vm11, $0x0, v0;
	v3 =	vmul.f32 $1.000000000e+02, v3  }
0x1dc: {  	v1 =	vadd.s32 $0xB4C00000, v1;
	v2 =	vadd.f32 $1.261568000e+07, v2;
	v4 =	vmul.f32 $1.000000000e+02, v4  }
0x1dd: {  	v0 =	vmin.u32 v0, $0xFFFF;
	vm12 =	vgt.s32 v1, $0x0;
	v3 =	vadd.f32 $1.261568000e+07, v3  }
0x1de: {  	v1 =	vnsel vm12, $0x0, v1;
	v2 =	vadd.s32 $0xB4C00000, v2;
	v4 =	vadd.f32 $1.261568000e+07, v4  }
0x1df: {  	v1 =	vmin.u32 v1, $0xFFFF;
	vm13 =	vgt.s32 v2, $0x0;
	v3 =	vadd.s32 $0xB4C00000, v3  }
0x1e0: {  	v2 =	vnsel vm13, $0x0, v2;
	vm14 =	vgt.s32 v3, $0x0;
	v4 =	vadd.s32 $0xB4C00000, v4  }
0x1e1: {  	v2 =	vmin.u32 v2, $0xFFFF;
	v3 =	vnsel vm14, $0x0, v3;
	vm15 =	vgt.s32 v4, $0x0  }
0x1e2: {  	v3 =	vmin.u32 v3, $0xFFFF;
	v4 =	vnsel vm15, $0x0, v4  }
0x1e3: {  	v4 =	vmin.u32 v4, $0xFFFF  }
0x1e4: {  	v0 =	vld.idx.msk [tilespmem:v0+s4+$0x0], $0xffff  }
0x1e5: {  	v1 =	vld.idx.msk [tilespmem:v1+s4+$0x0], $0xffff  }
0x1e6: {  	v2 =	vld.idx.msk [tilespmem:v2+s4+$0x0], $0xffff  }
0x1e7: {  	v3 =	vld.idx.msk [tilespmem:v3+s4+$0x0], $0xffff  }
0x1e8: {  	v4 =	vld.idx.msk [tilespmem:v4+s4+$0x0], $0xffff  }
0x1e9: {  	[tilespmem:s14+$0x18000] =	vst v0  }
0x1ea: {  	[tilespmem:s12+$0x18000] =	vst v1  }
0x1eb: {  	[tilespmem:s0+$0x18000] =	vst v2  }
0x1ec: {  	p0 =	seq.s32 s26, $0x14;
	[tilespmem:s2+$0x18000] =	vst v3  }
.Ltmp3:
0x1ed: {  	s31 =	sadd.s32 s3, s29;
	[tilespmem:s5+$0x18000] =	vst v4;
	(pc) =	sbr.rel @p0 .LBB2_10-.Ltmp3, $4  }
0x1ee: {  	[hbm4b:s31+s4] =	stream.linear.scatter [tilespmem:s19], [sflag:$0x6], $0x4000, $0x38;
	[tilespmem:$0x1C000] =	vst v63  }
0x1ef: {  	_ =	swait.ge [sflag:s23], $0x4000  }
0x1f0: {  	[sflag:s23] =	ssyncset.done $0x0  }
0x1f1: {  	[sflag:s23] =	ssyncadd.s32 $0xFFFFC000  }
.Ltmp4:
0x1f2: {  	s0 =	rddreg [dreg:$0x8];
	(pc) =	sbr.rel .LBB2_2-.Ltmp4, $4  }
0x1f3: {  	s0 =	sadd.s32 s28, s0  }
0x1f4: {  	s0 =	sshll.u32 s0, $0xB  }
0x1f5: {  	s26 =	sadd.s32 $0x1, s26;
	s0 =	sadd.s32 s1, s0  }
0x1f6: {  	[tilespmem:s17], [sflag:$0x2] =	stream.linear.gather [hbm4b:s0+s4], $0x4000, $0x38;
	[tilespmem:$0x1C000] =	vst v63  }
.LBB2_10:
0x1f7: {  	_ =	swait.ge [sflag:s18], $0x4000;
	s26 =	simm.s32 $0x0;
	s0 =	simm.s32 $0x0  }
0x1f8: {  	[sflag:s18] =	ssyncset.done $0x0;
	s0 =	sand.u32 $0x70, s0;
	s2 =	sand.u32 $0x3C00, s26  }
0x1f9: {  	[sflag:s18] =	ssyncadd.s32 $0xFFFFC000;
	s14 =	sor.u32 s0, s2  }
0x1fa: {  	v0 =	vld [tilespmem:s14+$0x10000];
	_ =	sdelay $0x4  }
0x1fb: {  	v0 =	vmul.f32 $1.000000000e+02, v0  }
0x1fc: {  	v1 =	vld [tilespmem:s14+$0x10080]  }
0x1fd: {  	v0 =	vadd.f32 $1.261568000e+07, v0;
	_ =	sdelay $0x1  }
0x1fe: {  	v0 =	vadd.s32 $0xB4C00000, v0  }
0x1ff: {  	s15 =	simm.s32 $0x10;
	s28 =	simm.s32 $0x80;
	vm0 =	vgt.s32 v0, $0x0  }
0x200: {  	s24 =	sand.u32 $0x3C00, s28;
	s0 =	sand.u32 $0x70, s15;
	v1 =	vmul.f32 $1.000000000e+02, v1;
	v0 =	vnsel vm0, $0x0, v0  }
0x201: {  	v2 =	vld [tilespmem:s14+$0x10100];
	s0 =	sor.u32 s0, s24;
	v0 =	vmin.u32 v0, $0xFFFF  }
0x202: {  	v3 =	vld [tilespmem:s0+$0x10000];
	v1 =	vadd.f32 $1.261568000e+07, v1;
	_ =	sdelay $0x1  }
0x203: {  	v1 =	vadd.s32 $0xB4C00000, v1  }
0x204: {  	vm0 =	vgt.s32 v1, $0x0  }
0x205: {  	v2 =	vmul.f32 $1.000000000e+02, v2;
	v1 =	vnsel vm0, $0x0, v1;
	v0 =	vld.idx.msk [tilespmem:v0+s4+$0x0], $0xffff  }
0x206: {  	v4 =	vld [tilespmem:s14+$0x10180];
	v3 =	vmul.f32 $1.000000000e+02, v3;
	v1 =	vmin.u32 v1, $0xFFFF  }
0x207: {  	v2 =	vadd.f32 $1.261568000e+07, v2  }
0x208: {  	v5 =	vld [tilespmem:s0+$0x10080];
	v3 =	vadd.f32 $1.261568000e+07, v3  }
0x209: {  	v2 =	vadd.s32 $0xB4C00000, v2  }
0x20a: {  	v3 =	vadd.s32 $0xB4C00000, v3;
	vm0 =	vgt.s32 v2, $0x0;
	[tilespmem:s14+$0x10000] =	vst v0  }
0x20b: {  	v2 =	vnsel vm0, $0x0, v2;
	vm0 =	vgt.s32 v3, $0x0;
	v0 =	vmul.f32 $1.000000000e+02, v4;
	v1 =	vld.idx.msk [tilespmem:v1+s4+$0x0], $0xffff  }
0x20c: {  	v2 =	vmin.u32 v2, $0xFFFF;
	v3 =	vnsel vm0, $0x0, v3;
	v4 =	vld [tilespmem:s14+$0x10200]  }
0x20d: {  	s5 =	simm.s32 $0x20;
	s2 =	simm.s32 $0x100;
	v5 =	vmul.f32 $1.000000000e+02, v5;
	v3 =	vmin.u32 v3, $0xFFFF;
	v0 =	vadd.f32 $1.261568000e+07, v0  }
0x20e: {  	s5 =	sand.u32 $0x70, s5;
	s6 =	sand.u32 $0x3C00, s2;
	v6 =	vld [tilespmem:s0+$0x10100]  }
0x20f: {  	s6 =	sor.u32 s5, s6;
	v5 =	vadd.f32 $1.261568000e+07, v5;
	v0 =	vadd.s32 $0xB4C00000, v0  }
0x210: {  	v7 =	vld [tilespmem:s6+$0x10000];
	vm0 =	vgt.s32 v0, $0x0;
	[tilespmem:s14+$0x10080] =	vst v1  }
0x211: {  	v4 =	vmul.f32 $1.000000000e+02, v4;
	v0 =	vnsel vm0, $0x0, v0;
	v1 =	vld.idx.msk [tilespmem:v2+s4+$0x0], $0xffff;
	v2 =	vadd.s32 $0xB4C00000, v5  }
0x212: {  	v3 =	vld.idx.msk [tilespmem:v3+s4+$0x0], $0xffff;
	v0 =	vmin.u32 v0, $0xFFFF;
	vm0 =	vgt.s32 v2, $0x0  }
0x213: {  	v6 =	vmul.f32 $1.000000000e+02, v6;
	v5 =	vld [tilespmem:s14+$0x10280];
	v4 =	vadd.f32 $1.261568000e+07, v4;
	v2 =	vnsel vm0, $0x0, v2  }
0x214: {  	v8 =	vld [tilespmem:s0+$0x10180];
	v2 =	vmin.u32 v2, $0xFFFF  }
0x215: {  	v7 =	vmul.f32 $1.000000000e+02, v7;
	v6 =	vadd.f32 $1.261568000e+07, v6;
	v4 =	vadd.s32 $0xB4C00000, v4  }
0x216: {  	v9 =	vld [tilespmem:s6+$0x10080];
	vm0 =	vgt.s32 v4, $0x0;
	[tilespmem:s14+$0x10100] =	vst v1  }
0x217: {  	v6 =	vadd.s32 $0xB4C00000, v6;
	v4 =	vnsel vm0, $0x0, v4;
	v1 =	vadd.f32 $1.261568000e+07, v7;
	v0 =	vld.idx.msk [tilespmem:v0+s4+$0x0], $0xffff  }
0x218: {  	v10 =	vld [tilespmem:s0+$0x10200];
	[tilespmem:s0+$0x10000] =	vst v3;
	vm0 =	vgt.s32 v6, $0x0;
	v5 =	vmul.f32 $1.000000000e+02, v5;
	v3 =	vmin.u32 v4, $0xFFFF  }
0x219: {  	v4 =	vmul.f32 $1.000000000e+02, v8;
	v6 =	vnsel vm0, $0x0, v6;
	v1 =	vadd.s32 $0xB4C00000, v1;
	v2 =	vld.idx.msk [tilespmem:v2+s4+$0x0], $0xffff  }
0x21a: {  	s25 =	simm.s32 $0x30;
	s13 =	simm.s32 $0x180;
	v7 =	vld [tilespmem:s14+$0x10300];
	v6 =	vmin.u32 v6, $0xFFFF;
	v5 =	vadd.f32 $1.261568000e+07, v5;
	vm0 =	vgt.s32 v1, $0x0  }
0x21b: {  	s7 =	sand.u32 $0x3C00, s13;
	s5 =	sand.u32 $0x70, s25;
	v11 =	vld [tilespmem:s6+$0x10100];
	v9 =	vmul.f32 $1.000000000e+02, v9;
	v1 =	vnsel vm0, $0x0, v1  }
0x21c: {  	s8 =	sor.u32 s5, s7;
	v8 =	vld [tilespmem:s0+$0x10280];
	v4 =	vadd.f32 $1.261568000e+07, v4;
	v1 =	vmin.u32 v1, $0xFFFF;
	[tilespmem:s14+$0x10180] =	vst v0;
	v0 =	vadd.s32 $0xB4C00000, v5  }
0x21d: {  	v5 =	vadd.f32 $1.261568000e+07, v9;
	v9 =	vld [tilespmem:s8+$0x10000];
	vm0 =	vgt.s32 v0, $0x0  }
0x21e: {  	v3 =	vld.idx.msk [tilespmem:v3+s4+$0x0], $0xffff;
	[tilespmem:s0+$0x10080] =	vst v2;
	v2 =	vadd.s32 $0xB4C00000, v4;
	v0 =	vnsel vm0, $0x0, v0  }
0x21f: {  	v5 =	vadd.s32 $0xB4C00000, v5;
	v4 =	vld.idx.msk [tilespmem:v6+s4+$0x0], $0xffff;
	vm0 =	vgt.s32 v2, $0x0;
	v6 =	vmul.f32 $1.000000000e+02, v7  }
0x220: {  	v0 =	vmin.u32 v0, $0xFFFF;
	v7 =	vmul.f32 $1.000000000e+02, v10;
	v2 =	vnsel vm0, $0x0, v2  }
0x221: {  	v1 =	vld.idx.msk [tilespmem:v1+s4+$0x0], $0xffff;
	vm0 =	vgt.s32 v5, $0x0;
	v2 =	vmin.u32 v2, $0xFFFF;
	v6 =	vadd.f32 $1.261568000e+07, v6  }
0x222: {  	v11 =	vmul.f32 $1.000000000e+02, v11;
	v10 =	vld [tilespmem:s6+$0x10180];
	v5 =	vnsel vm0, $0x0, v5  }
0x223: {  	v12 =	vld [tilespmem:s8+$0x10080];
	v7 =	vadd.f32 $1.261568000e+07, v7;
	v5 =	vmin.u32 v5, $0xFFFF;
	[tilespmem:s14+$0x10200] =	vst v3;
	v3 =	vadd.s32 $0xB4C00000, v6  }
0x224: {  	v13 =	vld [tilespmem:s8+$0x10180];
	v8 =	vmul.f32 $1.000000000e+02, v8;
	v6 =	vmul.f32 $1.000000000e+02, v9;
	vm0 =	vgt.s32 v3, $0x0  }
0x225: {  	v7 =	vadd.s32 $0xB4C00000, v7;
	v0 =	vld.idx.msk [tilespmem:v0+s4+$0x0], $0xffff;
	[tilespmem:s0+$0x10100] =	vst v4;
	v4 =	vadd.f32 $1.261568000e+07, v11;
	v3 =	vnsel vm0, $0x0, v3  }
0x226: {  	vm0 =	vgt.s32 v7, $0x0;
	[tilespmem:s6+$0x10000] =	vst v1;
	v1 =	vadd.f32 $1.261568000e+07, v6;
	v2 =	vld.idx.msk [tilespmem:v2+s4+$0x0], $0xffff;
	v3 =	vmin.u32 v3, $0xFFFF  }
0x227: {  	v9 =	vld [tilespmem:s0+$0x10300];
	v10 =	vmul.f32 $1.000000000e+02, v10;
	v4 =	vadd.s32 $0xB4C00000, v4;
	v7 =	vnsel vm0, $0x0, v7  }
0x228: {  	v5 =	vld.idx.msk [tilespmem:v5+s4+$0x0], $0xffff;
	vm0 =	vgt.s32 v4, $0x0;
	v7 =	vmin.u32 v7, $0xFFFF;
	v1 =	vadd.s32 $0xB4C00000, v1  }
0x229: {  	v8 =	vadd.f32 $1.261568000e+07, v8;
	v11 =	vld [tilespmem:s6+$0x10200];
	v4 =	vnsel vm0, $0x0, v4;
	vm0 =	vgt.s32 v1, $0x0  }
0x22a: {  	v6 =	vld [tilespmem:s6+$0x10280];
	v10 =	vadd.f32 $1.261568000e+07, v10;
	v4 =	vmin.u32 v4, $0xFFFF;
	[tilespmem:s14+$0x10280] =	vst v0;
	v1 =	vnsel vm0, $0x0, v1  }
0x22b: {  	s24 =	simm.s32 $0x40;
	s25 =	simm.s32 $0x200;
	v0 =	vmul.f32 $1.000000000e+02, v12;
	v1 =	vmin.u32 v1, $0xFFFF;
	v3 =	vld.idx.msk [tilespmem:v3+s4+$0x0], $0xffff;
	[tilespmem:s0+$0x10180] =	vst v2;
	v2 =	vadd.s32 $0xB4C00000, v8  }
0x22c: {  	s29 =	sand.u32 $0x70, s24;
	s30 =	sand.u32 $0x3C00, s25;
	v12 =	vld [tilespmem:s8+$0x10100];
	vm0 =	vgt.s32 v2, $0x0  }
0x22d: {  	s31 =	sand.u32 $0x7, s26;
	s7 =	sor.u32 s29, s30;
	v0 =	vadd.f32 $1.261568000e+07, v0;
	v7 =	vld.idx.msk [tilespmem:v7+s4+$0x0], $0xffff;
	[tilespmem:s6+$0x10080] =	vst v5;
	v5 =	vadd.s32 $0xB4C00000, v10;
	v2 =	vnsel vm0, $0x0, v2  }
0x22e: {  	s5 =	sshll.u32 s31, $0x4;
	v9 =	vmul.f32 $1.000000000e+02, v9;
	v8 =	vld [tilespmem:s7+$0x10000];
	vm0 =	vgt.s32 v5, $0x0;
	v2 =	vmin.u32 v2, $0xFFFF  }
0x22f: {  	s5 =	sadd.s32 $0x0, s5;
	v10 =	vmul.f32 $1.000000000e+02, v11;
	v0 =	vadd.s32 $0xB4C00000, v0;
	v4 =	vld.idx.msk [tilespmem:v4+s4+$0x0], $0xffff;
	v5 =	vnsel vm0, $0x0, v5  }
0x230: {  	vm0 =	vgt.s32 v0, $0x0;
	v11 =	vld.idx.msk [tilespmem:v1+s4+$0x0], $0xffff;
	v1 =	vmin.u32 v5, $0xFFFF;
	v5 =	vadd.f32 $1.261568000e+07, v9;
	[tilespmem:s14+$0x10300] =	vst v3;
	s14 =	sor.u32 $0x380, s5  }
0x231: {  	v14 =	vmul.f32 $1.000000000e+02, v6;
	v10 =	vadd.f32 $1.261568000e+07, v10;
	v0 =	vnsel vm0, $0x0, v0;
	v6 =	vld [tilespmem:s14+$0x10000]  }
0x232: {  	v9 =	vld [tilespmem:s7+$0x10080];
	v3 =	vmul.f32 $1.000000000e+02, v12;
	v0 =	vmin.u32 v0, $0xFFFF;
	[tilespmem:s0+$0x10200] =	vst v7;
	v5 =	vadd.s32 $0xB4C00000, v5  }
0x233: {  	v8 =	vmul.f32 $1.000000000e+02, v8;
	v10 =	vadd.s32 $0xB4C00000, v10;
	vm0 =	vgt.s32 v5, $0x0;
	v15 =	vld.idx.msk [tilespmem:v2+s4+$0x0], $0xffff  }
0x234: {  	v7 =	vmul.f32 $1.000000000e+02, v13;
	v3 =	vadd.f32 $1.261568000e+07, v3;
	[tilespmem:s6+$0x10100] =	vst v4;
	v2 =	vld [tilespmem:s6+$0x10300];
	v5 =	vnsel vm0, $0x0, v5  }
0x235: {  	v8 =	vadd.f32 $1.261568000e+07, v8;
	vm0 =	vgt.s32 v10, $0x0;
	v4 =	vld.idx.msk [tilespmem:v1+s4+$0x0], $0xffff;
	v1 =	vmin.u32 v5, $0xFFFF  }
0x236: {  	[tilespmem:s8+$0x10000] =	vst v11;
	v11 =	vadd.s32 $0xB4C00000, v3;
	v3 =	vld [tilespmem:s8+$0x10280];
	v5 =	vnsel vm0, $0x0, v10;
	v6 =	vmul.f32 $1.000000000e+02, v6  }
0x237: {  	v13 =	vadd.s32 $0xB4C00000, v8;
	v8 =	vld [tilespmem:s8+$0x10200];
	vm0 =	vgt.s32 v11, $0x0;
	v5 =	vmin.u32 v5, $0xFFFF  }
0x238: {  	v12 =	vmul.f32 $1.000000000e+02, v9;
	v9 =	vld.idx.msk [tilespmem:v0+s4+$0x0], $0xffff;
	v10 =	vnsel vm0, $0x0, v11;
	v0 =	vadd.f32 $1.261568000e+07, v6  }
0x239: {  	s15 =	simm.s32 $0x200;
	vm0 =	vgt.s32 v13, $0x0;
	v11 =	vadd.f32 $1.261568000e+07, v14;
	v10 =	vmin.u32 v10, $0xFFFF;
	v6 =	vld [tilespmem:s7+$0x10180];
	[tilespmem:s0+$0x10280] =	vst v15  }
.LBB2_11:
0x23a: {  	s24 =	sadd.s32 $0x10, s24;
	v13 =	vnsel vm0, $0x0, v13;
	s25 =	sadd.s32 $0x80, s25;
	v7 =	vadd.f32 $1.261568000e+07, v7;
	v1 =	vld.idx.msk [tilespmem:v1+s4+$0x0], $0xffff;
	v0 =	vadd.s32 $0xB4C00000, v0  }
0x23b: {  	s5 =	sand.u32 $0x70, s24;
	s12 =	sand.u32 $0x3C00, s25;
	v13 =	vmin.u32 v13, $0xFFFF;
	v14 =	vld [tilespmem:s7+$0x10100];
	[tilespmem:s6+$0x10180] =	vst v4;
	v4 =	vadd.s32 $0xB4C00000, v11;
	vm0 =	vgt.s32 v0, $0x0  }
0x23c: {  	s26 =	sadd.s32 $0x1, s26;
	p0 =	slt.u32 s24, $0x7F0;
	v11 =	vadd.f32 $1.261568000e+07, v12;
	s5 =	sor.u32 s5, s12;
	v5 =	vld.idx.msk [tilespmem:v5+s4+$0x0], $0xffff;
	vm1 =	vgt.s32 v4, $0x0;
	v0 =	vnsel vm0, $0x0, v0  }
0x23d: {  	v7 =	vadd.s32 $0xB4C00000, v7;
	s12 =	sand.u32 $0x7, s26;
	v12 =	vld [tilespmem:s5+$0x10000];
	[tilespmem:s8+$0x10080] =	vst v9;
	v4 =	vnsel vm1, $0x0, v4;
	v0 =	vmin.u32 v0, $0xFFFF  }
0x23e: {  	v2 =	vmul.f32 $1.000000000e+02, v2;
	vm0 =	vgt.s32 v7, $0x0;
	s12 =	sshll.u32 s12, $0x4;
	v9 =	vld.idx.msk [tilespmem:v10+s4+$0x0], $0xffff;
	v4 =	vmin.u32 v4, $0xFFFF  }
0x23f: {  	v11 =	vadd.s32 $0xB4C00000, v11;
	v8 =	vmul.f32 $1.000000000e+02, v8;
	v7 =	vnsel vm0, $0x0, v7;
	s12 =	sadd.s32 s12, s28;
	s28 =	smov.u32 s2;
	s2 =	smov.u32 s13;
	v10 =	vld [tilespmem:s5+$0x10080]  }
0x240: {  	v2 =	vadd.f32 $1.261568000e+07, v2;
	vm0 =	vgt.s32 v11, $0x0;
	s13 =	smov.u32 s15;
	s15 =	smov.u32 s25;
	v15 =	vmin.u32 v7, $0xFFFF;
	s12 =	sor.u32 $0x380, s12;
	v13 =	vld.idx.msk [tilespmem:v13+s4+$0x0], $0xffff;
	[tilespmem:s0+$0x10300] =	vst v1  }
0x241: {  	v1 =	vnsel vm0, $0x0, v11;
	v11 =	vmul.f32 $1.000000000e+02, v14;
	v14 =	vmul.f32 $1.000000000e+02, v3;
	s0 =	smov.u32 s6;
	s6 =	smov.u32 s8;
	s8 =	smov.u32 s7;
	v16 =	vld [tilespmem:s12+$0x10000]  }
0x242: {  	v3 =	vadd.s32 $0xB4C00000, v2;
	s7 =	smov.u32 s5;
	v17 =	vmin.u32 v1, $0xFFFF;
	v1 =	vadd.f32 $1.261568000e+07, v8;
	[tilespmem:s0+$0x10200] =	vst v5;
	v18 =	vld.idx.msk [tilespmem:v0+s4+$0x0], $0xffff  }
0x243: {  	v7 =	vmul.f32 $1.000000000e+02, v6;
	vm0 =	vgt.s32 v3, $0x0;
	v0 =	vmul.f32 $1.000000000e+02, v12;
	v19 =	vld.idx.msk [tilespmem:v4+s4+$0x0], $0xffff  }
0x244: {  	v5 =	vadd.f32 $1.261568000e+07, v11;
	v6 =	vadd.s32 $0xB4C00000, v1;
	v1 =	vnsel vm0, $0x0, v3;
	[tilespmem:s6+$0x10100] =	vst v9;
	v2 =	vld [tilespmem:s6+$0x10300]  }
.Ltmp5:
0x245: {  	v0 =	vadd.f32 $1.261568000e+07, v0;
	vm0 =	vgt.s32 v6, $0x0;
	v1 =	vmin.u32 v1, $0xFFFF;
	v4 =	vld.idx.msk [tilespmem:v15+s4+$0x0], $0xffff;
	(pc) =	sbr.rel @p0 .LBB2_11-.Ltmp5, $4  }
0x246: {  	v8 =	vadd.s32 $0xB4C00000, v5;
	v5 =	vnsel vm0, $0x0, v6;
	[tilespmem:s8+$0x10000] =	vst v13;
	v3 =	vld [tilespmem:s8+$0x10280];
	v6 =	vmul.f32 $1.000000000e+02, v16  }
0x247: {  	v12 =	vmul.f32 $1.000000000e+02, v10;
	vm0 =	vgt.s32 v8, $0x0;
	v5 =	vmin.u32 v5, $0xFFFF;
	v9 =	vld.idx.msk [tilespmem:v17+s4+$0x0], $0xffff  }
0x248: {  	v13 =	vadd.s32 $0xB4C00000, v0;
	v10 =	vnsel vm0, $0x0, v8;
	v8 =	vld [tilespmem:s8+$0x10200];
	v0 =	vadd.f32 $1.261568000e+07, v6;
	[tilespmem:s14+$0x10000] =	vst v18;
	s14 =	smov.u32 s12  }
0x249: {  	v11 =	vadd.f32 $1.261568000e+07, v14;
	vm0 =	vgt.s32 v13, $0x0;
	v10 =	vmin.u32 v10, $0xFFFF;
	v6 =	vld [tilespmem:s7+$0x10180];
	[tilespmem:s0+$0x10280] =	vst v19  }
0x24a: {  	v13 =	vnsel vm0, $0x0, v13  }
0x24b: {  	v14 =	vld [tilespmem:s7+$0x10100];
	v13 =	vmin.u32 v13, $0xFFFF  }
0x24c: {  	v12 =	vadd.f32 $1.261568000e+07, v12;
	_ =	sdelay $0x1  }
0x24d: {  	v12 =	vadd.s32 $0xB4C00000, v12  }
0x24e: {  	vm11 =	vgt.s32 v12, $0x0  }
0x24f: {  	v12 =	vnsel vm11, $0x0, v12;
	v14 =	vmul.f32 $1.000000000e+02, v14;
	v13 =	vld.idx.msk [tilespmem:v13+s4+$0x0], $0xffff  }
0x250: {  	v12 =	vmin.u32 v12, $0xFFFF  }
0x251: {  	v14 =	vadd.f32 $1.261568000e+07, v14;
	_ =	sdelay $0x1  }
0x252: {  	v14 =	vadd.s32 $0xB4C00000, v14  }
0x253: {  	vm12 =	vgt.s32 v14, $0x0;
	[tilespmem:s7+$0x10000] =	vst v13  }
0x254: {  	v6 =	vmul.f32 $1.000000000e+02, v6;
	v48 =	vnsel vm12, $0x0, v14;
	v12 =	vld.idx.msk [tilespmem:v12+s4+$0x0], $0xffff  }
0x255: {  	v7 =	vadd.f32 $1.261568000e+07, v7;
	v49 =	vld [tilespmem:s7+$0x10200];
	v13 =	vmin.u32 v48, $0xFFFF  }
0x256: {  	v6 =	vadd.f32 $1.261568000e+07, v6  }
0x257: {  	v7 =	vadd.s32 $0xB4C00000, v7  }
0x258: {  	[tilespmem:s8+$0x10080] =	vst v9;
	vm13 =	vgt.s32 v7, $0x0;
	v6 =	vadd.s32 $0xB4C00000, v6  }
0x259: {  	v9 =	vld.idx.msk [tilespmem:v10+s4+$0x0], $0xffff;
	v8 =	vmul.f32 $1.000000000e+02, v8;
	v7 =	vnsel vm13, $0x0, v7;
	vm14 =	vgt.s32 v6, $0x0;
	[tilespmem:s7+$0x10080] =	vst v12  }
0x25a: {  	v7 =	vmin.u32 v7, $0xFFFF;
	v51 =	vmul.f32 $1.000000000e+02, v49;
	v6 =	vnsel vm14, $0x0, v6;
	v12 =	vld.idx.msk [tilespmem:v13+s4+$0x0], $0xffff  }
0x25b: {  	v50 =	vld [tilespmem:s7+$0x10280];
	v8 =	vadd.f32 $1.261568000e+07, v8;
	v6 =	vmin.u32 v6, $0xFFFF  }
0x25c: {  	v13 =	vadd.f32 $1.261568000e+07, v51  }
0x25d: {  	v8 =	vadd.s32 $0xB4C00000, v8  }
0x25e: {  	v53 =	vld [tilespmem:s8+$0x10300];
	v2 =	vmul.f32 $1.000000000e+02, v2;
	[tilespmem:s8+$0x10100] =	vst v9;
	vm15 =	vgt.s32 v8, $0x0;
	v13 =	vadd.s32 $0xB4C00000, v13  }
0x25f: {  	v3 =	vmul.f32 $1.000000000e+02, v3;
	v8 =	vnsel vm15, $0x0, v8;
	v7 =	vld.idx.msk [tilespmem:v7+s4+$0x0], $0xffff;
	vm4 =	vgt.s32 v13, $0x0;
	[tilespmem:s7+$0x10100] =	vst v12  }
0x260: {  	v10 =	vmul.f32 $1.000000000e+02, v50;
	v8 =	vmin.u32 v8, $0xFFFF;
	v54 =	vnsel vm4, $0x0, v13;
	v6 =	vld.idx.msk [tilespmem:v6+s4+$0x0], $0xffff  }
0x261: {  	v55 =	vld [tilespmem:s7+$0x10300];
	v52 =	vadd.s32 $0xB4C00000, v11;
	v3 =	vadd.f32 $1.261568000e+07, v3;
	v12 =	vmin.u32 v54, $0xFFFF  }
0x262: {  	vm5 =	vgt.s32 v52, $0x0;
	v10 =	vadd.f32 $1.261568000e+07, v10  }
0x263: {  	[tilespmem:s6+$0x10180] =	vst v4;
	v2 =	vadd.f32 $1.261568000e+07, v2;
	v3 =	vadd.s32 $0xB4C00000, v3;
	v58 =	vmul.f32 $1.000000000e+02, v53  }
0x264: {  	v5 =	vld.idx.msk [tilespmem:v5+s4+$0x0], $0xffff;
	vm6 =	vgt.s32 v3, $0x0;
	v9 =	vnsel vm5, $0x0, v52;
	v57 =	vadd.s32 $0xB4C00000, v10;
	[tilespmem:s8+$0x10180] =	vst v7  }
0x265: {  	v3 =	vnsel vm6, $0x0, v3;
	v56 =	vmin.u32 v9, $0xFFFF;
	vm7 =	vgt.s32 v57, $0x0;
	v8 =	vld.idx.msk [tilespmem:v8+s4+$0x0], $0xffff;
	[tilespmem:s7+$0x10180] =	vst v6  }
0x266: {  	v59 =	vmul.f32 $1.000000000e+02, v55;
	v3 =	vmin.u32 v3, $0xFFFF;
	v7 =	vnsel vm7, $0x0, v57;
	v6 =	vld.idx.msk [tilespmem:v12+s4+$0x0], $0xffff  }
0x267: {  	v9 =	vadd.f32 $1.261568000e+07, v58;
	v7 =	vmin.u32 v7, $0xFFFF  }
0x268: {  	v2 =	vadd.s32 $0xB4C00000, v2;
	v10 =	vadd.f32 $1.261568000e+07, v59  }
0x269: {  	vm8 =	vgt.s32 v2, $0x0;
	[tilespmem:s6+$0x10200] =	vst v5;
	v60 =	vadd.s32 $0xB4C00000, v9  }
0x26a: {  	v2 =	vnsel vm8, $0x0, v2;
	v61 =	vadd.s32 $0xB4C00000, v10;
	vm9 =	vgt.s32 v60, $0x0;
	v4 =	vld.idx.msk [tilespmem:v56+s4+$0x0], $0xffff;
	[tilespmem:s8+$0x10200] =	vst v8  }
0x26b: {  	v2 =	vmin.u32 v2, $0xFFFF;
	vm10 =	vgt.s32 v61, $0x0;
	v5 =	vnsel vm9, $0x0, v60;
	v3 =	vld.idx.msk [tilespmem:v3+s4+$0x0], $0xffff;
	[tilespmem:s7+$0x10200] =	vst v6  }
0x26c: {  	v62 =	vnsel vm10, $0x0, v61;
	v5 =	vmin.u32 v5, $0xFFFF;
	v6 =	vld.idx.msk [tilespmem:v7+s4+$0x0], $0xffff  }
0x26d: {  	v7 =	vmin.u32 v62, $0xFFFF  }
0x26e: {  	v1 =	vld.idx.msk [tilespmem:v1+s4+$0x0], $0xffff  }
0x26f: {  	s5 =	sadd.s32 $0x1, s26;
	[tilespmem:s6+$0x10280] =	vst v4  }
0x270: {  	s12 =	sand.u32 $0x7, s5;
	s5 =	sadd.s32 $0x1, s5;
	v2 =	vld.idx.msk [tilespmem:v2+s4+$0x0], $0xffff;
	[tilespmem:s8+$0x10280] =	vst v3  }
0x271: {  	s12 =	sshll.u32 s12, $0x4;
	s24 =	sand.u32 $0x7, s5;
	v3 =	vld.idx.msk [tilespmem:v5+s4+$0x0], $0xffff;
	[tilespmem:s7+$0x10280] =	vst v6  }
0x272: {  	s5 =	sadd.s32 $0x1, s5;
	s12 =	sadd.s32 s12, s28;
	s25 =	sshll.u32 s24, $0x4;
	v63 =	vld.idx.msk [tilespmem:v7+s4+$0x0], $0xffff  }
0x273: {  	s26 =	sand.u32 $0x7, s5;
	s5 =	sadd.s32 $0x1, s5;
	s12 =	sor.u32 $0x380, s12;
	[tilespmem:s0+$0x10300] =	vst v1  }
0x274: {  	s28 =	sshll.u32 s26, $0x4;
	s5 =	sand.u32 $0x7, s5;
	s0 =	sadd.s32 s25, s2;
	v1 =	vld [tilespmem:s12+$0x10000]  }
0x275: {  	s2 =	sadd.s32 s28, s13;
	s5 =	sshll.u32 s5, $0x4;
	s0 =	sor.u32 $0x380, s0;
	[tilespmem:s6+$0x10300] =	vst v2  }
0x276: {  	s2 =	sor.u32 $0x380, s2;
	s5 =	sadd.s32 s5, s15;
	v2 =	vld [tilespmem:s0+$0x10000];
	[tilespmem:s8+$0x10300] =	vst v3  }
0x277: {  	s5 =	sor.u32 $0x380, s5;
	v3 =	vld [tilespmem:s2+$0x10000];
	[tilespmem:s7+$0x10300] =	vst v63  }
0x278: {  	v4 =	vld [tilespmem:s5+$0x10000]  }
0x279: {  	v1 =	vmul.f32 $1.000000000e+02, v1  }
0x27a: {  	v0 =	vadd.s32 $0xB4C00000, v0  }
0x27b: {  	vm11 =	vgt.s32 v0, $0x0;
	v1 =	vadd.f32 $1.261568000e+07, v1;
	v2 =	vmul.f32 $1.000000000e+02, v2  }
0x27c: {  	v0 =	vnsel vm11, $0x0, v0;
	v3 =	vmul.f32 $1.000000000e+02, v3  }
0x27d: {  	v1 =	vadd.s32 $0xB4C00000, v1;
	v2 =	vadd.f32 $1.261568000e+07, v2;
	v4 =	vmul.f32 $1.000000000e+02, v4  }
0x27e: {  	v0 =	vmin.u32 v0, $0xFFFF;
	vm12 =	vgt.s32 v1, $0x0;
	v3 =	vadd.f32 $1.261568000e+07, v3  }
0x27f: {  	v1 =	vnsel vm12, $0x0, v1;
	v2 =	vadd.s32 $0xB4C00000, v2;
	v4 =	vadd.f32 $1.261568000e+07, v4  }
0x280: {  	v1 =	vmin.u32 v1, $0xFFFF;
	vm13 =	vgt.s32 v2, $0x0;
	v3 =	vadd.s32 $0xB4C00000, v3  }
0x281: {  	v2 =	vnsel vm13, $0x0, v2;
	vm14 =	vgt.s32 v3, $0x0;
	v4 =	vadd.s32 $0xB4C00000, v4  }
0x282: {  	v2 =	vmin.u32 v2, $0xFFFF;
	v3 =	vnsel vm14, $0x0, v3;
	vm15 =	vgt.s32 v4, $0x0  }
0x283: {  	v3 =	vmin.u32 v3, $0xFFFF;
	v4 =	vnsel vm15, $0x0, v4  }
0x284: {  	v4 =	vmin.u32 v4, $0xFFFF  }
0x285: {  	v0 =	vld.idx.msk [tilespmem:v0+s4+$0x0], $0xffff  }
0x286: {  	v1 =	vld.idx.msk [tilespmem:v1+s4+$0x0], $0xffff  }
0x287: {  	v2 =	vld.idx.msk [tilespmem:v2+s4+$0x0], $0xffff  }
0x288: {  	v3 =	vld.idx.msk [tilespmem:v3+s4+$0x0], $0xffff  }
0x289: {  	v4 =	vld.idx.msk [tilespmem:v4+s4+$0x0], $0xffff  }
0x28a: {  	[tilespmem:s14+$0x10000] =	vst v0  }
0x28b: {  	[tilespmem:s12+$0x10000] =	vst v1  }
0x28c: {  	[tilespmem:s0+$0x10000] =	vst v2  }
0x28d: {  	[tilespmem:s2+$0x10000] =	vst v3  }
0x28e: {  	[tilespmem:s5+$0x10000] =	vst v4  }
0x28f: {  	s29 =	simm.s32 $0x6;
	s0 =	rddreg [dreg:$0x9]  }
0x290: {  	[hbm4b:s0+s4] =	stream.linear.scatter [tilespmem:s16], [sflag:$0x4], $0x4000, $0x38;
	[tilespmem:$0x1C000] =	vst v63  }
0x291: {  	_ =	swait.ge [sflag:s29], $0x4000  }
0x292: {  	[sflag:s29] =	ssyncset.done $0x0  }
0x293: {  	[sflag:s29] =	ssyncadd.s32 $0xFFFFC000  }
0x294: {  	_ =	swait.ge [sflag:s21], $0x4000  }
0x295: {  	s30 =	rddreg [dreg:$0xb]  }
0x296: {  	s31 =	rddreg [dreg:$0xa];
	s2 =	sadd.s32 $0x1, s30  }
0x297: {  	p0 =	sne.s32 s2, s31  }
.Ltmp6:
0x298: {  	_ = 	snop;
	(pc) =	sbr.rel @p0 .LBB2_1-.Ltmp6, $3  }
0x299: {  	_ =	sdelay $0x1  }
0x29a: {  	[sflag:s21] =	ssyncset.done $0x0  }
0x29b: {  	[sflag:s21] =	ssyncadd.s32 $0xFFFFC000  }
0x29c: {  	_ =	sfence.sel $0x180000  }
0x29d: {  	[bflag:$0x0] =	sbarrier.arrive $0xFFFF  }
0x29e: {  	_ =	strace $0x90000047  }
0x29f: {  	s0 =	stileid.u32;
	[bflag:$0x2] =	sbarrier.arrive $0xFFFF  }
0x2a0: {  	p0 =	sne.s32 s0, $0x0;
	s0 =	rddreg [dreg:$0x3]  }
0x2a1: {  	s0 =	sadd.s32 @!p0 $0x100000, s0  }
0x2a2: {  	[sflag:s0] =	ssyncadd.tile.s32 @!p0 $0x1;
	_ =	shalt  }
.Lfunc_end2:
_tile_overlayer_lowered:
.L_overlay_start_2:
0x2a3: {  	(tag) =	ssettag $0x2  }
0x2a4: {  	s0 =	rddreg [dreg:$0x0];
	s2 =	stileid.u32  }
0x2a5: {  	s1 =	rddreg [dreg:$0x1];
	p0 =	sne.s32 s2, $0x0  }
0x2a6: {  	s3 =	rddreg [dreg:$0x2];
	[bflag:$0x3] =	sbarrier.arrive $0xFFFF;
	s2 =	simm.s32 @!p0 $0x1C07  }
0x2a7: {  	[timem:s3], [sflag:s2] =	dma.local @!p0 [hbm:s0], s1  }
0x2a8: {  	s0 =	simm.s32 @!p0 $0x7  }
0x2a9: {  	_ =	swait.ge @!p0 [sflag:s0], s1  }
0x2aa: {  	s1 =	ssub.s32 @!p0 $0x0, s1;
	[sflag:s0] =	ssyncset.done @!p0 $0x0  }
0x2ab: {  	[sflag:s0] =	ssyncadd.s32 @!p0 s1  }
0x2ac: {  	[bflag:$0x3] =	sbarrier.arrive $0xFFFF  }
0x2ad: {  	_ =	shalt  }

</sc_bundles>
